<compile_context>
chip_gen: v7x
topology: tpu7x:2x2x1
jax: 0.10.2.dev20260603
libtpu: 0.0.44.dev20260713+nightly
codegen_flags: <defaults>
</compile_context>

<pallas_src>
import functools

import jax
import jax.numpy as jnp
from jax import lax
from jax.experimental import pallas as pl
from jax.experimental.pallas import tpu as pltpu
from jax.experimental.pallas import tpu_sc as plsc

_LEN = 2048
_C = 128
_B = 32
_NC = 2
_NS = 16
_PB = 128
_BH = _B // 2
_R = 6
_GLAG = 4


def _pe_table():
    i = jnp.arange(_LEN, dtype=jnp.float32)[:, None]
    j = jnp.arange(_C, dtype=jnp.float32)[None, :]
    val = i / jnp.power(10000.0, j / float(_C))
    even = (jnp.arange(_C)[None, :] % 2) == 0
    return jnp.where(even, jnp.sin(val), jnp.cos(val))


@functools.partial(
    pl.kernel,
    out_type=jax.ShapeDtypeStruct((_B, _LEN, _C), jnp.float32),
    mesh=plsc.VectorSubcoreMesh(core_axis_name="c", subcore_axis_name="s"),
    scratch_types=[
        pltpu.VMEM((_BH, _PB), jnp.int32),
        pltpu.VMEM((_R, _PB, _C), jnp.float32),
        pltpu.VMEM_SHARED((_NS, _PB, _C), jnp.float32),
        pltpu.SemaphoreType.DMA((_R,)),
        pltpu.SemaphoreType.DMA((_R,)),
        pltpu.SemaphoreType.DMA((_R,)),
    ],
)
def _embed_sc(x_hbm, w_hbm, pe_hbm, out_hbm, idx_v, buf_v, pe_sh,
              sems_s, sems_g, sems_o):
    c = lax.axis_index("c")
    s = lax.axis_index("s")
    p0 = s * _PB
    b0 = c * _BH
    pltpu.sync_copy(x_hbm.at[pl.ds(b0, _BH), pl.ds(p0, _PB)], idx_v)
    pltpu.sync_copy(pe_hbm.at[pl.ds(p0, _PB)], buf_v.at[0])
    pltpu.sync_copy(buf_v.at[0], pe_sh.at[s])
    pe_slot = pe_sh.at[s]

    seed = [None] * _R
    gat = [None] * _R
    outw = [None] * _R

    seed[0] = pltpu.async_copy(pe_slot, buf_v.at[0], sems_s.at[0])
    for t in range(_BH + _GLAG + 1):
        bw = t - _GLAG
        if 0 <= bw < _BH:
            sl = bw % _R
            gat[sl].wait()
            outw[sl] = pltpu.async_copy(
                buf_v.at[sl], out_hbm.at[b0 + bw, pl.ds(p0, _PB)],
                sems_o.at[sl])
        bs = t + 1
        if bs < _BH:
            sl = bs % _R
            if bs >= _R:
                outw[sl].wait()
            seed[sl] = pltpu.async_copy(pe_slot, buf_v.at[sl], sems_s.at[sl])
        if t < _BH:
            sl = t % _R
            seed[sl].wait()
            gat[sl] = pltpu.async_copy(
                w_hbm.at[idx_v.at[t]], buf_v.at[sl], sems_g.at[sl], add=True)
    for b in range(_BH - _R, _BH):
        outw[b % _R].wait()


def kernel(x, W):
    pe = _pe_table()
    return _embed_sc(x.astype(jnp.int32), W, pe)

# --- scband reference (transcript-rebuilt; emitter-appended) ---
"""Pipeline reference for scband-position-embedding-43198781063174 (READ-ONLY COPY).

The authoritative reference and input builder live on the scoring server;
editing this copy changes nothing except your own understanding.
"""

import jax, jax.numpy as jnp
import numpy as np
import math

LEN = 2048
C = 128
NUM_CLS = 100000
B = 32


def make_pe():
    # Faithful to: pe[i, j] = sin(i / 10000**(j/C)) if j even else cos(i / 10000**(j/C))
    i = jnp.arange(LEN, dtype=jnp.float32)[:, None]
    j = jnp.arange(C, dtype=jnp.float32)[None, :]
    fe_nmu = jnp.power(10000.0, j / float(C))
    pe_val = i / fe_nmu
    even_mask = (jnp.arange(C)[None, :] % 2) == 0
    pe = jnp.where(even_mask, jnp.sin(pe_val), jnp.cos(pe_val))
    return pe[None, :, :]  # [1, LEN, C]


def setup_inputs(seed: int = 0) -> dict:
    key = jax.random.key(seed)
    k1, k2 = jax.random.split(key)
    x = jax.random.randint(k1, (B, LEN), 0, NUM_CLS, dtype=jnp.int64 if jax.config.jax_enable_x64 else jnp.int32)
    W = jax.random.normal(k2, (NUM_CLS, C), dtype=jnp.float32) * 0.1
    return {"x": x, "W": W}


def reference(x, W):
    embed = jnp.take(W, x, axis=0)  # [B, LEN, C]
    embed = embed + make_pe()       # broadcast add of positional encoding
    return embed

if __name__ == "__main__":
    import jax
    _d = setup_inputs()
    print(jax.jit(kernel)(*tuple(_d.values())))

</pallas_src>

<mosaic_0001>
#map = affine_map<(d0, d1) -> (0, 0)>
#map1 = affine_map<(d0, d1) -> (0, 0, 0)>
module attributes {stable_mosaic.version = 14 : i64} {
  func.func @_embed_sc(%arg0: i32, %arg1: i32, %arg2: memref<32x2048xi32, #tpu.memory_space<hbm>>, %arg3: memref<100000x128xf32, #tpu.memory_space<hbm>>, %arg4: memref<2048x128xf32, #tpu.memory_space<hbm>>, %arg5: memref<32x2048x128xf32, #tpu.memory_space<hbm>>, %arg6: memref<16x128xi32, #tpu.memory_space<vmem>>, %arg7: memref<6x128x128xf32, #tpu.memory_space<vmem>>, %arg8: memref<16x128x128xf32, #tpu.memory_space<vmem_shared>>, %arg9: memref<6x!tpu.dma_semaphore, #tpu.memory_space<semaphore_mem>>, %arg10: memref<6x!tpu.dma_semaphore, #tpu.memory_space<semaphore_mem>>, %arg11: memref<6x!tpu.dma_semaphore, #tpu.memory_space<semaphore_mem>>) attributes {dimension_semantics = [#tpu.dimension_semantics<core_parallel>, #tpu.dimension_semantics<subcore_parallel>], iteration_bounds = array<i64: 2, 16>, scalar_prefetch = 0 : i64, scratch_operands = 6 : i64, tpu.core_type = #tpu.core_type<sc_vector_subcore>, window_params = [{transform_indices = #map}, {transform_indices = #map}, {transform_indices = #map}, {transform_indices = #map1}]} {
    %mul3A = arith.constant 128 : i32
    %mul3A_0 = arith.muli %arg1, %mul3A : i32
    %mul3A_1 = arith.constant 16 : i32
    %mul3A_2 = arith.muli %arg0, %mul3A_1 : i32
    "tpu.region"() ({
      %run_scoped3A_1729 = tpu.sem_alloc : memref<!tpu.dma_semaphore, #tpu.memory_space<semaphore_mem>>
      %dma_start3A_1730 = tpu.memref_slice %arg2[%mul3A_2, %mul3A_0] : memref<32x2048xi32, #tpu.memory_space<hbm>> -> memref<16x128xi32, #tpu.memory_space<hbm>>
      %dma_start3A_1731 = tpu.memref_slice %arg2[%mul3A_2, %mul3A_0] : memref<32x2048xi32, #tpu.memory_space<hbm>> -> memref<16x128xi32, #tpu.memory_space<hbm>>
      tpu.enqueue_dma source(%dma_start3A_1731 : memref<16x128xi32, #tpu.memory_space<hbm>>) target(%arg6 : memref<16x128xi32, #tpu.memory_space<vmem>>) target_semaphore(%run_scoped3A_1729 : memref<!tpu.dma_semaphore, #tpu.memory_space<semaphore_mem>>)
      %dma_wait3A_1732 = tpu.memref_slice %arg2[%mul3A_2, %mul3A_0] : memref<32x2048xi32, #tpu.memory_space<hbm>> -> memref<16x128xi32, #tpu.memory_space<hbm>>
      %dma_wait3A_1733 = tpu.memref_slice %arg2[%mul3A_2, %mul3A_0] : memref<32x2048xi32, #tpu.memory_space<hbm>> -> memref<16x128xi32, #tpu.memory_space<hbm>>
      tpu.wait_dma2 semaphore(%run_scoped3A_1729 : memref<!tpu.dma_semaphore, #tpu.memory_space<semaphore_mem>>) src(%dma_wait3A_1733 : memref<16x128xi32, #tpu.memory_space<hbm>>) dst(%arg6 : memref<16x128xi32, #tpu.memory_space<vmem>>)
      tpu.yield
    }) : () -> ()
    %run_scoped3A = arith.constant 0 : i32
    "tpu.region"() ({
      %run_scoped3A_1729 = tpu.sem_alloc : memref<!tpu.dma_semaphore, #tpu.memory_space<semaphore_mem>>
      %dma_start3A_1730 = arith.constant 0 : i32
      %dma_start3A_1731 = arith.constant 0 : i32
      %dma_start3A_1732 = tpu.memref_slice %arg7[%run_scoped3A, %dma_start3A_1730, %dma_start3A_1731] : memref<6x128x128xf32, #tpu.memory_space<vmem>> -> memref<1x128x128xf32, #tpu.memory_space<vmem>>
      %dma_start3A_1733 = tpu.memref_squeeze %dma_start3A_1732 : memref<1x128x128xf32, #tpu.memory_space<vmem>> -> memref<128x128xf32, #tpu.memory_space<vmem>>
      %dma_start3A_1734 = arith.constant 0 : i32
      %dma_start3A_1735 = tpu.memref_slice %arg4[%mul3A_0, %dma_start3A_1734] : memref<2048x128xf32, #tpu.memory_space<hbm>> -> memref<128x128xf32, #tpu.memory_space<hbm>>
      %dma_start3A_1736 = arith.constant 0 : i32
      %dma_start3A_1737 = arith.constant 0 : i32
      %dma_start3A_1738 = tpu.memref_slice %arg7[%run_scoped3A, %dma_start3A_1736, %dma_start3A_1737] : memref<6x128x128xf32, #tpu.memory_space<vmem>> -> memref<1x128x128xf32, #tpu.memory_space<vmem>>
      %dma_start3A_1739 = tpu.memref_squeeze %dma_start3A_1738 : memref<1x128x128xf32, #tpu.memory_space<vmem>> -> memref<128x128xf32, #tpu.memory_space<vmem>>
      %dma_start3A_1740 = arith.constant 0 : i32
      %dma_start3A_1741 = tpu.memref_slice %arg4[%mul3A_0, %dma_start3A_1740] : memref<2048x128xf32, #tpu.memory_space<hbm>> -> memref<128x128xf32, #tpu.memory_space<hbm>>
      tpu.enqueue_dma source(%dma_start3A_1741 : memref<128x128xf32, #tpu.memory_space<hbm>>) target(%dma_start3A_1739 : memref<128x128xf32, #tpu.memory_space<vmem>>) target_semaphore(%run_scoped3A_1729 : memref<!tpu.dma_semaphore, #tpu.memory_space<semaphore_mem>>)
      %dma_wait3A_1742 = arith.constant 0 : i32
      %dma_wait3A_1743 = arith.constant 0 : i32
      %dma_wait3A_1744 = tpu.memref_slice %arg7[%run_scoped3A, %dma_wait3A_1742, %dma_wait3A_1743] : memref<6x128x128xf32, #tpu.memory_space<vmem>> -> memref<1x128x128xf32, #tpu.memory_space<vmem>>
      %dma_wait3A_1745 = tpu.memref_squeeze %dma_wait3A_1744 : memref<1x128x128xf32, #tpu.memory_space<vmem>> -> memref<128x128xf32, #tpu.memory_space<vmem>>
      %dma_wait3A_1746 = arith.constant 0 : i32
      %dma_wait3A_1747 = tpu.memref_slice %arg4[%mul3A_0, %dma_wait3A_1746] : memref<2048x128xf32, #tpu.memory_space<hbm>> -> memref<128x128xf32, #tpu.memory_space<hbm>>
      %dma_wait3A_1748 = arith.constant 0 : i32
      %dma_wait3A_1749 = arith.constant 0 : i32
      %dma_wait3A_1750 = tpu.memref_slice %arg7[%run_scoped3A, %dma_wait3A_1748, %dma_wait3A_1749] : memref<6x128x128xf32, #tpu.memory_space<vmem>> -> memref<1x128x128xf32, #tpu.memory_space<vmem>>
      %dma_wait3A_1751 = tpu.memref_squeeze %dma_wait3A_1750 : memref<1x128x128xf32, #tpu.memory_space<vmem>> -> memref<128x128xf32, #tpu.memory_space<vmem>>
      %dma_wait3A_1752 = arith.constant 0 : i32
      %dma_wait3A_1753 = tpu.memref_slice %arg4[%mul3A_0, %dma_wait3A_1752] : memref<2048x128xf32, #tpu.memory_space<hbm>> -> memref<128x128xf32, #tpu.memory_space<hbm>>
      tpu.wait_dma2 semaphore(%run_scoped3A_1729 : memref<!tpu.dma_semaphore, #tpu.memory_space<semaphore_mem>>) src(%dma_wait3A_1753 : memref<128x128xf32, #tpu.memory_space<hbm>>) dst(%dma_wait3A_1751 : memref<128x128xf32, #tpu.memory_space<vmem>>)
      tpu.yield
    }) : () -> ()
    %run_scoped3A_3 = arith.constant 0 : i32
    "tpu.region"() ({
      %run_scoped3A_1729 = tpu.sem_alloc : memref<!tpu.dma_semaphore, #tpu.memory_space<semaphore_mem>>
      %dma_start3A_1730 = arith.constant 0 : i32
      %dma_start3A_1731 = arith.constant 0 : i32
      %dma_start3A_1732 = tpu.memref_slice %arg7[%run_scoped3A_3, %dma_start3A_1730, %dma_start3A_1731] : memref<6x128x128xf32, #tpu.memory_space<vmem>> -> memref<1x128x128xf32, #tpu.memory_space<vmem>>
      %dma_start3A_1733 = tpu.memref_squeeze %dma_start3A_1732 : memref<1x128x128xf32, #tpu.memory_space<vmem>> -> memref<128x128xf32, #tpu.memory_space<vmem>>
      %dma_start3A_1734 = arith.constant 0 : i32
      %dma_start3A_1735 = arith.constant 0 : i32
      %dma_start3A_1736 = tpu.memref_slice %arg8[%arg1, %dma_start3A_1734, %dma_start3A_1735] : memref<16x128x128xf32, #tpu.memory_space<vmem_shared>> -> memref<1x128x128xf32, #tpu.memory_space<vmem_shared>>
      %dma_start3A_1737 = tpu.memref_squeeze %dma_start3A_1736 : memref<1x128x128xf32, #tpu.memory_space<vmem_shared>> -> memref<128x128xf32, #tpu.memory_space<vmem_shared>>
      %dma_start3A_1738 = arith.constant 0 : i32
      %dma_start3A_1739 = arith.constant 0 : i32
      %dma_start3A_1740 = tpu.memref_slice %arg8[%arg1, %dma_start3A_1738, %dma_start3A_1739] : memref<16x128x128xf32, #tpu.memory_space<vmem_shared>> -> memref<1x128x128xf32, #tpu.memory_space<vmem_shared>>
      %dma_start3A_1741 = tpu.memref_squeeze %dma_start3A_1740 : memref<1x128x128xf32, #tpu.memory_space<vmem_shared>> -> memref<128x128xf32, #tpu.memory_space<vmem_shared>>
      %dma_start3A_1742 = arith.constant 0 : i32
      %dma_start3A_1743 = arith.constant 0 : i32
      %dma_start3A_1744 = tpu.memref_slice %arg7[%run_scoped3A_3, %dma_start3A_1742, %dma_start3A_1743] : memref<6x128x128xf32, #tpu.memory_space<vmem>> -> memref<1x128x128xf32, #tpu.memory_space<vmem>>
      %dma_start3A_1745 = tpu.memref_squeeze %dma_start3A_1744 : memref<1x128x128xf32, #tpu.memory_space<vmem>> -> memref<128x128xf32, #tpu.memory_space<vmem>>
      tpu.enqueue_dma source(%dma_start3A_1745 : memref<128x128xf32, #tpu.memory_space<vmem>>) target(%dma_start3A_1741 : memref<128x128xf32, #tpu.memory_space<vmem_shared>>) target_semaphore(%run_scoped3A_1729 : memref<!tpu.dma_semaphore, #tpu.memory_space<semaphore_mem>>)
      %dma_wait3A_1746 = arith.constant 0 : i32
      %dma_wait3A_1747 = arith.constant 0 : i32
      %dma_wait3A_1748 = tpu.memref_slice %arg7[%run_scoped3A_3, %dma_wait3A_1746, %dma_wait3A_1747] : memref<6x128x128xf32, #tpu.memory_space<vmem>> -> memref<1x128x128xf32, #tpu.memory_space<vmem>>
      %dma_wait3A_1749 = tpu.memref_squeeze %dma_wait3A_1748 : memref<1x128x128xf32, #tpu.memory_space<vmem>> -> memref<128x128xf32, #tpu.memory_space<vmem>>
      %dma_wait3A_1750 = arith.constant 0 : i32
      %dma_wait3A_1751 = arith.constant 0 : i32
      %dma_wait3A_1752 = tpu.memref_slice %arg8[%arg1, %dma_wait3A_1750, %dma_wait3A_1751] : memref<16x128x128xf32, #tpu.memory_space<vmem_shared>> -> memref<1x128x128xf32, #tpu.memory_space<vmem_shared>>
      %dma_wait3A_1753 = tpu.memref_squeeze %dma_wait3A_1752 : memref<1x128x128xf32, #tpu.memory_space<vmem_shared>> -> memref<128x128xf32, #tpu.memory_space<vmem_shared>>
      %dma_wait3A_1754 = arith.constant 0 : i32
      %dma_wait3A_1755 = arith.constant 0 : i32
      %dma_wait3A_1756 = tpu.memref_slice %arg8[%arg1, %dma_wait3A_1754, %dma_wait3A_1755] : memref<16x128x128xf32, #tpu.memory_space<vmem_shared>> -> memref<1x128x128xf32, #tpu.memory_space<vmem_shared>>
      %dma_wait3A_1757 = tpu.memref_squeeze %dma_wait3A_1756 : memref<1x128x128xf32, #tpu.memory_space<vmem_shared>> -> memref<128x128xf32, #tpu.memory_space<vmem_shared>>
      %dma_wait3A_1758 = arith.constant 0 : i32
      %dma_wait3A_1759 = arith.constant 0 : i32
      %dma_wait3A_1760 = tpu.memref_slice %arg7[%run_scoped3A_3, %dma_wait3A_1758, %dma_wait3A_1759] : memref<6x128x128xf32, #tpu.memory_space<vmem>> -> memref<1x128x128xf32, #tpu.memory_space<vmem>>
      %dma_wait3A_1761 = tpu.memref_squeeze %dma_wait3A_1760 : memref<1x128x128xf32, #tpu.memory_space<vmem>> -> memref<128x128xf32, #tpu.memory_space<vmem>>
      tpu.wait_dma2 semaphore(%run_scoped3A_1729 : memref<!tpu.dma_semaphore, #tpu.memory_space<semaphore_mem>>) src(%dma_wait3A_1761 : memref<128x128xf32, #tpu.memory_space<vmem>>) dst(%dma_wait3A_1757 : memref<128x128xf32, #tpu.memory_space<vmem_shared>>)
      tpu.yield
    }) : () -> ()
    %dma_start3A = arith.constant 0 : i32
    %dma_start3A_4 = arith.constant 0 : i32
    %dma_start3A_5 = arith.constant 0 : i32
    %dma_start3A_6 = arith.constant 0 : i32
    %dma_start3A_7 = tpu.memref_slice %arg7[%dma_start3A, %dma_start3A_5, %dma_start3A_6] : memref<6x128x128xf32, #tpu.memory_space<vmem>> -> memref<1x128x128xf32, #tpu.memory_space<vmem>>
    %dma_start3A_8 = tpu.memref_squeeze %dma_start3A_7 : memref<1x128x128xf32, #tpu.memory_space<vmem>> -> memref<128x128xf32, #tpu.memory_space<vmem>>
    %dma_start3A_9 = arith.constant 0 : i32
    %dma_start3A_10 = arith.constant 0 : i32
    %dma_start3A_11 = tpu.memref_slice %arg8[%arg1, %dma_start3A_9, %dma_start3A_10] : memref<16x128x128xf32, #tpu.memory_space<vmem_shared>> -> memref<1x128x128xf32, #tpu.memory_space<vmem_shared>>
    %dma_start3A_12 = tpu.memref_squeeze %dma_start3A_11 : memref<1x128x128xf32, #tpu.memory_space<vmem_shared>> -> memref<128x128xf32, #tpu.memory_space<vmem_shared>>
    %dma_start3A_13 = tpu.memref_slice %arg9[%dma_start3A_4] : memref<6x!tpu.dma_semaphore, #tpu.memory_space<semaphore_mem>> -> memref<1x!tpu.dma_semaphore, #tpu.memory_space<semaphore_mem>>
    %dma_start3A_14 = tpu.memref_squeeze %dma_start3A_13 : memref<1x!tpu.dma_semaphore, #tpu.memory_space<semaphore_mem>> -> memref<!tpu.dma_semaphore, #tpu.memory_space<semaphore_mem>>
    %dma_start3A_15 = arith.constant 0 : i32
    %dma_start3A_16 = arith.constant 0 : i32
    %dma_start3A_17 = tpu.memref_slice %arg7[%dma_start3A, %dma_start3A_15, %dma_start3A_16] : memref<6x128x128xf32, #tpu.memory_space<vmem>> -> memref<1x128x128xf32, #tpu.memory_space<vmem>>
    %dma_start3A_18 = tpu.memref_squeeze %dma_start3A_17 : memref<1x128x128xf32, #tpu.memory_space<vmem>> -> memref<128x128xf32, #tpu.memory_space<vmem>>
    %dma_start3A_19 = arith.constant 0 : i32
    %dma_start3A_20 = arith.constant 0 : i32
    %dma_start3A_21 = tpu.memref_slice %arg8[%arg1, %dma_start3A_19, %dma_start3A_20] : memref<16x128x128xf32, #tpu.memory_space<vmem_shared>> -> memref<1x128x128xf32, #tpu.memory_space<vmem_shared>>
    %dma_start3A_22 = tpu.memref_squeeze %dma_start3A_21 : memref<1x128x128xf32, #tpu.memory_space<vmem_shared>> -> memref<128x128xf32, #tpu.memory_space<vmem_shared>>
    tpu.enqueue_dma source(%dma_start3A_22 : memref<128x128xf32, #tpu.memory_space<vmem_shared>>) target(%dma_start3A_18 : memref<128x128xf32, #tpu.memory_space<vmem>>) target_semaphore(%dma_start3A_14 : memref<!tpu.dma_semaphore, #tpu.memory_space<semaphore_mem>>)
    %dma_start3A_23 = arith.constant 1 : i32
    %dma_start3A_24 = arith.constant 1 : i32
    %dma_start3A_25 = arith.constant 0 : i32
    %dma_start3A_26 = arith.constant 0 : i32
    %dma_start3A_27 = tpu.memref_slice %arg7[%dma_start3A_23, %dma_start3A_25, %dma_start3A_26] : memref<6x128x128xf32, #tpu.memory_space<vmem>> -> memref<1x128x128xf32, #tpu.memory_space<vmem>>
    %dma_start3A_28 = tpu.memref_squeeze %dma_start3A_27 : memref<1x128x128xf32, #tpu.memory_space<vmem>> -> memref<128x128xf32, #tpu.memory_space<vmem>>
    %dma_start3A_29 = arith.constant 0 : i32
    %dma_start3A_30 = arith.constant 0 : i32
    %dma_start3A_31 = tpu.memref_slice %arg8[%arg1, %dma_start3A_29, %dma_start3A_30] : memref<16x128x128xf32, #tpu.memory_space<vmem_shared>> -> memref<1x128x128xf32, #tpu.memory_space<vmem_shared>>
    %dma_start3A_32 = tpu.memref_squeeze %dma_start3A_31 : memref<1x128x128xf32, #tpu.memory_space<vmem_shared>> -> memref<128x128xf32, #tpu.memory_space<vmem_shared>>
    %dma_start3A_33 = tpu.memref_slice %arg9[%dma_start3A_24] : memref<6x!tpu.dma_semaphore, #tpu.memory_space<semaphore_mem>> -> memref<1x!tpu.dma_semaphore, #tpu.memory_space<semaphore_mem>>
    %dma_start3A_34 = tpu.memref_squeeze %dma_start3A_33 : memref<1x!tpu.dma_semaphore, #tpu.memory_space<semaphore_mem>> -> memref<!tpu.dma_semaphore, #tpu.memory_space<semaphore_mem>>
    %dma_start3A_35 = arith.constant 0 : i32
    %dma_start3A_36 = arith.constant 0 : i32
    %dma_start3A_37 = tpu.memref_slice %arg7[%dma_start3A_23, %dma_start3A_35, %dma_start3A_36] : memref<6x128x128xf32, #tpu.memory_space<vmem>> -> memref<1x128x128xf32, #tpu.memory_space<vmem>>
    %dma_start3A_38 = tpu.memref_squeeze %dma_start3A_37 : memref<1x128x128xf32, #tpu.memory_space<vmem>> -> memref<128x128xf32, #tpu.memory_space<vmem>>
    %dma_start3A_39 = arith.constant 0 : i32
    %dma_start3A_40 = arith.constant 0 : i32
    %dma_start3A_41 = tpu.memref_slice %arg8[%arg1, %dma_start3A_39, %dma_start3A_40] : memref<16x128x128xf32, #tpu.memory_space<vmem_shared>> -> memref<1x128x128xf32, #tpu.memory_space<vmem_shared>>
    %dma_start3A_42 = tpu.memref_squeeze %dma_start3A_41 : memref<1x128x128xf32, #tpu.memory_space<vmem_shared>> -> memref<128x128xf32, #tpu.memory_space<vmem_shared>>
    tpu.enqueue_dma source(%dma_start3A_42 : memref<128x128xf32, #tpu.memory_space<vmem_shared>>) target(%dma_start3A_38 : memref<128x128xf32, #tpu.memory_space<vmem>>) target_semaphore(%dma_start3A_34 : memref<!tpu.dma_semaphore, #tpu.memory_space<semaphore_mem>>)
    %dma_wait3A = arith.constant 0 : i32
    %dma_wait3A_43 = arith.constant 0 : i32
    %dma_wait3A_44 = arith.constant 0 : i32
    %dma_wait3A_45 = arith.constant 0 : i32
    %dma_wait3A_46 = tpu.memref_slice %arg7[%dma_wait3A, %dma_wait3A_44, %dma_wait3A_45] : memref<6x128x128xf32, #tpu.memory_space<vmem>> -> memref<1x128x128xf32, #tpu.memory_space<vmem>>
    %dma_wait3A_47 = tpu.memref_squeeze %dma_wait3A_46 : memref<1x128x128xf32, #tpu.memory_space<vmem>> -> memref<128x128xf32, #tpu.memory_space<vmem>>
    %dma_wait3A_48 = arith.constant 0 : i32
    %dma_wait3A_49 = arith.constant 0 : i32
    %dma_wait3A_50 = tpu.memref_slice %arg8[%arg1, %dma_wait3A_48, %dma_wait3A_49] : memref<16x128x128xf32, #tpu.memory_space<vmem_shared>> -> memref<1x128x128xf32, #tpu.memory_space<vmem_shared>>
    %dma_wait3A_51 = tpu.memref_squeeze %dma_wait3A_50 : memref<1x128x128xf32, #tpu.memory_space<vmem_shared>> -> memref<128x128xf32, #tpu.memory_space<vmem_shared>>
    %dma_wait3A_52 = tpu.memref_slice %arg9[%dma_wait3A_43] : memref<6x!tpu.dma_semaphore, #tpu.memory_space<semaphore_mem>> -> memref<1x!tpu.dma_semaphore, #tpu.memory_space<semaphore_mem>>
    %dma_wait3A_53 = tpu.memref_squeeze %dma_wait3A_52 : memref<1x!tpu.dma_semaphore, #tpu.memory_space<semaphore_mem>> -> memref<!tpu.dma_semaphore, #tpu.memory_space<semaphore_mem>>
    %dma_wait3A_54 = arith.constant 0 : i32
    %dma_wait3A_55 = arith.constant 0 : i32
    %dma_wait3A_56 = tpu.memref_slice %arg7[%dma_wait3A, %dma_wait3A_54, %dma_wait3A_55] : memref<6x128x128xf32, #tpu.memory_space<vmem>> -> memref<1x128x128xf32, #tpu.memory_space<vmem>>
    %dma_wait3A_57 = tpu.memref_squeeze %dma_wait3A_56 : memref<1x128x128xf32, #tpu.memory_space<vmem>> -> memref<128x128xf32, #tpu.memory_space<vmem>>
    %dma_wait3A_58 = arith.constant 0 : i32
    %dma_wait3A_59 = arith.constant 0 : i32
    %dma_wait3A_60 = tpu.memref_slice %arg8[%arg1, %dma_wait3A_58, %dma_wait3A_59] : memref<16x128x128xf32, #tpu.memory_space<vmem_shared>> -> memref<1x128x128xf32, #tpu.memory_space<vmem_shared>>
    %dma_wait3A_61 = tpu.memref_squeeze %dma_wait3A_60 : memref<1x128x128xf32, #tpu.memory_space<vmem_shared>> -> memref<128x128xf32, #tpu.memory_space<vmem_shared>>
    tpu.wait_dma2 semaphore(%dma_wait3A_53 : memref<!tpu.dma_semaphore, #tpu.memory_space<semaphore_mem>>) src(%dma_wait3A_61 : memref<128x128xf32, #tpu.memory_space<vmem_shared>>) dst(%dma_wait3A_57 : memref<128x128xf32, #tpu.memory_space<vmem>>)
    %dma_start3A_62 = arith.constant 0 : i32
    %dma_start3A_63 = arith.constant 0 : i32
    %dma_start3A_64 = arith.constant 0 : i32
    %dma_start3A_65 = arith.constant 0 : i32
    %dma_start3A_66 = arith.constant 0 : i32
    %dma_start3A_67 = tpu.memref_slice %arg7[%dma_start3A_63, %dma_start3A_65, %dma_start3A_66] : memref<6x128x128xf32, #tpu.memory_space<vmem>> -> memref<1x128x128xf32, #tpu.memory_space<vmem>>
    %dma_start3A_68 = tpu.memref_squeeze %dma_start3A_67 : memref<1x128x128xf32, #tpu.memory_space<vmem>> -> memref<128x128xf32, #tpu.memory_space<vmem>>
    %dma_start3A_69 = arith.constant 0 : i32
    %dma_start3A_70 = tpu.memref_slice %arg6[%dma_start3A_62, %dma_start3A_69] : memref<16x128xi32, #tpu.memory_space<vmem>> -> memref<1x128xi32, #tpu.memory_space<vmem>>
    %dma_start3A_71 = tpu.memref_squeeze %dma_start3A_70 : memref<1x128xi32, #tpu.memory_space<vmem>> -> memref<128xi32, #tpu.memory_space<vmem>>
    %dma_start3A_72 = arith.constant 0 : i32
    %dma_start3A_73 = arith.constant 0 : i32
    %dma_start3A_74 = tpu.memref_slice %arg3[%dma_start3A_72, %dma_start3A_73] : memref<100000x128xf32, #tpu.memory_space<hbm>> -> memref<100000x128xf32, #tpu.memory_space<hbm>>
    %dma_start3A_75 = tpu.memref_slice %arg10[%dma_start3A_64] : memref<6x!tpu.dma_semaphore, #tpu.memory_space<semaphore_mem>> -> memref<1x!tpu.dma_semaphore, #tpu.memory_space<semaphore_mem>>
    %dma_start3A_76 = tpu.memref_squeeze %dma_start3A_75 : memref<1x!tpu.dma_semaphore, #tpu.memory_space<semaphore_mem>> -> memref<!tpu.dma_semaphore, #tpu.memory_space<semaphore_mem>>
    tpu.enqueue_indirect_dma source(%dma_start3A_74 : memref<100000x128xf32, #tpu.memory_space<hbm>>) target(%dma_start3A_68 : memref<128x128xf32, #tpu.memory_space<vmem>>) offsets(%dma_start3A_71 : memref<128xi32, #tpu.memory_space<vmem>>) semaphore(%dma_start3A_76 : memref<!tpu.dma_semaphore, #tpu.memory_space<semaphore_mem>>) {add = true}
    %dma_start3A_77 = arith.constant 2 : i32
    %dma_start3A_78 = arith.constant 2 : i32
    %dma_start3A_79 = arith.constant 0 : i32
    %dma_start3A_80 = arith.constant 0 : i32
    %dma_start3A_81 = tpu.memref_slice %arg7[%dma_start3A_77, %dma_start3A_79, %dma_start3A_80] : memref<6x128x128xf32, #tpu.memory_space<vmem>> -> memref<1x128x128xf32, #tpu.memory_space<vmem>>
    %dma_start3A_82 = tpu.memref_squeeze %dma_start3A_81 : memref<1x128x128xf32, #tpu.memory_space<vmem>> -> memref<128x128xf32, #tpu.memory_space<vmem>>
    %dma_start3A_83 = arith.constant 0 : i32
    %dma_start3A_84 = arith.constant 0 : i32
    %dma_start3A_85 = tpu.memref_slice %arg8[%arg1, %dma_start3A_83, %dma_start3A_84] : memref<16x128x128xf32, #tpu.memory_space<vmem_shared>> -> memref<1x128x128xf32, #tpu.memory_space<vmem_shared>>
    %dma_start3A_86 = tpu.memref_squeeze %dma_start3A_85 : memref<1x128x128xf32, #tpu.memory_space<vmem_shared>> -> memref<128x128xf32, #tpu.memory_space<vmem_shared>>
    %dma_start3A_87 = tpu.memref_slice %arg9[%dma_start3A_78] : memref<6x!tpu.dma_semaphore, #tpu.memory_space<semaphore_mem>> -> memref<1x!tpu.dma_semaphore, #tpu.memory_space<semaphore_mem>>
    %dma_start3A_88 = tpu.memref_squeeze %dma_start3A_87 : memref<1x!tpu.dma_semaphore, #tpu.memory_space<semaphore_mem>> -> memref<!tpu.dma_semaphore, #tpu.memory_space<semaphore_mem>>
    %dma_start3A_89 = arith.constant 0 : i32
    %dma_start3A_90 = arith.constant 0 : i32
    %dma_start3A_91 = tpu.memref_slice %arg7[%dma_start3A_77, %dma_start3A_89, %dma_start3A_90] : memref<6x128x128xf32, #tpu.memory_space<vmem>> -> memref<1x128x128xf32, #tpu.memory_space<vmem>>
    %dma_start3A_92 = tpu.memref_squeeze %dma_start3A_91 : memref<1x128x128xf32, #tpu.memory_space<vmem>> -> memref<128x128xf32, #tpu.memory_space<vmem>>
    %dma_start3A_93 = arith.constant 0 : i32
    %dma_start3A_94 = arith.constant 0 : i32
    %dma_start3A_95 = tpu.memref_slice %arg8[%arg1, %dma_start3A_93, %dma_start3A_94] : memref<16x128x128xf32, #tpu.memory_space<vmem_shared>> -> memref<1x128x128xf32, #tpu.memory_space<vmem_shared>>
    %dma_start3A_96 = tpu.memref_squeeze %dma_start3A_95 : memref<1x128x128xf32, #tpu.memory_space<vmem_shared>> -> memref<128x128xf32, #tpu.memory_space<vmem_shared>>
    tpu.enqueue_dma source(%dma_start3A_96 : memref<128x128xf32, #tpu.memory_space<vmem_shared>>) target(%dma_start3A_92 : memref<128x128xf32, #tpu.memory_space<vmem>>) target_semaphore(%dma_start3A_88 : memref<!tpu.dma_semaphore, #tpu.memory_space<semaphore_mem>>)
    %dma_wait3A_97 = arith.constant 1 : i32
    %dma_wait3A_98 = arith.constant 1 : i32
    %dma_wait3A_99 = arith.constant 0 : i32
    %dma_wait3A_100 = arith.constant 0 : i32
    %dma_wait3A_101 = tpu.memref_slice %arg7[%dma_wait3A_97, %dma_wait3A_99, %dma_wait3A_100] : memref<6x128x128xf32, #tpu.memory_space<vmem>> -> memref<1x128x128xf32, #tpu.memory_space<vmem>>
    %dma_wait3A_102 = tpu.memref_squeeze %dma_wait3A_101 : memref<1x128x128xf32, #tpu.memory_space<vmem>> -> memref<128x128xf32, #tpu.memory_space<vmem>>
    %dma_wait3A_103 = arith.constant 0 : i32
    %dma_wait3A_104 = arith.constant 0 : i32
    %dma_wait3A_105 = tpu.memref_slice %arg8[%arg1, %dma_wait3A_103, %dma_wait3A_104] : memref<16x128x128xf32, #tpu.memory_space<vmem_shared>> -> memref<1x128x128xf32, #tpu.memory_space<vmem_shared>>
    %dma_wait3A_106 = tpu.memref_squeeze %dma_wait3A_105 : memref<1x128x128xf32, #tpu.memory_space<vmem_shared>> -> memref<128x128xf32, #tpu.memory_space<vmem_shared>>
    %dma_wait3A_107 = tpu.memref_slice %arg9[%dma_wait3A_98] : memref<6x!tpu.dma_semaphore, #tpu.memory_space<semaphore_mem>> -> memref<1x!tpu.dma_semaphore, #tpu.memory_space<semaphore_mem>>
    %dma_wait3A_108 = tpu.memref_squeeze %dma_wait3A_107 : memref<1x!tpu.dma_semaphore, #tpu.memory_space<semaphore_mem>> -> memref<!tpu.dma_semaphore, #tpu.memory_space<semaphore_mem>>
    %dma_wait3A_109 = arith.constant 0 : i32
    %dma_wait3A_110 = arith.constant 0 : i32
    %dma_wait3A_111 = tpu.memref_slice %arg7[%dma_wait3A_97, %dma_wait3A_109, %dma_wait3A_110] : memref<6x128x128xf32, #tpu.memory_space<vmem>> -> memref<1x128x128xf32, #tpu.memory_space<vmem>>
    %dma_wait3A_112 = tpu.memref_squeeze %dma_wait3A_111 : memref<1x128x128xf32, #tpu.memory_space<vmem>> -> memref<128x128xf32, #tpu.memory_space<vmem>>
    %dma_wait3A_113 = arith.constant 0 : i32
    %dma_wait3A_114 = arith.constant 0 : i32
    %dma_wait3A_115 = tpu.memref_slice %arg8[%arg1, %dma_wait3A_113, %dma_wait3A_114] : memref<16x128x128xf32, #tpu.memory_space<vmem_shared>> -> memref<1x128x128xf32, #tpu.memory_space<vmem_shared>>
    %dma_wait3A_116 = tpu.memref_squeeze %dma_wait3A_115 : memref<1x128x128xf32, #tpu.memory_space<vmem_shared>> -> memref<128x128xf32, #tpu.memory_space<vmem_shared>>
    tpu.wait_dma2 semaphore(%dma_wait3A_108 : memref<!tpu.dma_semaphore, #tpu.memory_space<semaphore_mem>>) src(%dma_wait3A_116 : memref<128x128xf32, #tpu.memory_space<vmem_shared>>) dst(%dma_wait3A_112 : memref<128x128xf32, #tpu.memory_space<vmem>>)
    %dma_start3A_117 = arith.constant 1 : i32
    %dma_start3A_118 = arith.constant 1 : i32
    %dma_start3A_119 = arith.constant 1 : i32
    %dma_start3A_120 = arith.constant 0 : i32
    %dma_start3A_121 = arith.constant 0 : i32
    %dma_start3A_122 = tpu.memref_slice %arg7[%dma_start3A_118, %dma_start3A_120, %dma_start3A_121] : memref<6x128x128xf32, #tpu.memory_space<vmem>> -> memref<1x128x128xf32, #tpu.memory_space<vmem>>
    %dma_start3A_123 = tpu.memref_squeeze %dma_start3A_122 : memref<1x128x128xf32, #tpu.memory_space<vmem>> -> memref<128x128xf32, #tpu.memory_space<vmem>>
    %dma_start3A_124 = arith.constant 0 : i32
    %dma_start3A_125 = tpu.memref_slice %arg6[%dma_start3A_117, %dma_start3A_124] : memref<16x128xi32, #tpu.memory_space<vmem>> -> memref<1x128xi32, #tpu.memory_space<vmem>>
    %dma_start3A_126 = tpu.memref_squeeze %dma_start3A_125 : memref<1x128xi32, #tpu.memory_space<vmem>> -> memref<128xi32, #tpu.memory_space<vmem>>
    %dma_start3A_127 = arith.constant 0 : i32
    %dma_start3A_128 = arith.constant 0 : i32
    %dma_start3A_129 = tpu.memref_slice %arg3[%dma_start3A_127, %dma_start3A_128] : memref<100000x128xf32, #tpu.memory_space<hbm>> -> memref<100000x128xf32, #tpu.memory_space<hbm>>
    %dma_start3A_130 = tpu.memref_slice %arg10[%dma_start3A_119] : memref<6x!tpu.dma_semaphore, #tpu.memory_space<semaphore_mem>> -> memref<1x!tpu.dma_semaphore, #tpu.memory_space<semaphore_mem>>
    %dma_start3A_131 = tpu.memref_squeeze %dma_start3A_130 : memref<1x!tpu.dma_semaphore, #tpu.memory_space<semaphore_mem>> -> memref<!tpu.dma_semaphore, #tpu.memory_space<semaphore_mem>>
    tpu.enqueue_indirect_dma source(%dma_start3A_129 : memref<100000x128xf32, #tpu.memory_space<hbm>>) target(%dma_start3A_123 : memref<128x128xf32, #tpu.memory_space<vmem>>) offsets(%dma_start3A_126 : memref<128xi32, #tpu.memory_space<vmem>>) semaphore(%dma_start3A_131 : memref<!tpu.dma_semaphore, #tpu.memory_space<semaphore_mem>>) {add = true}
    %dma_start3A_132 = arith.constant 3 : i32
    %dma_start3A_133 = arith.constant 3 : i32
    %dma_start3A_134 = arith.constant 0 : i32
    %dma_start3A_135 = arith.constant 0 : i32
    %dma_start3A_136 = tpu.memref_slice %arg7[%dma_start3A_132, %dma_start3A_134, %dma_start3A_135] : memref<6x128x128xf32, #tpu.memory_space<vmem>> -> memref<1x128x128xf32, #tpu.memory_space<vmem>>
    %dma_start3A_137 = tpu.memref_squeeze %dma_start3A_136 : memref<1x128x128xf32, #tpu.memory_space<vmem>> -> memref<128x128xf32, #tpu.memory_space<vmem>>
    %dma_start3A_138 = arith.constant 0 : i32
    %dma_start3A_139 = arith.constant 0 : i32
    %dma_start3A_140 = tpu.memref_slice %arg8[%arg1, %dma_start3A_138, %dma_start3A_139] : memref<16x128x128xf32, #tpu.memory_space<vmem_shared>> -> memref<1x128x128xf32, #tpu.memory_space<vmem_shared>>
    %dma_start3A_141 = tpu.memref_squeeze %dma_start3A_140 : memref<1x128x128xf32, #tpu.memory_space<vmem_shared>> -> memref<128x128xf32, #tpu.memory_space<vmem_shared>>
    %dma_start3A_142 = tpu.memref_slice %arg9[%dma_start3A_133] : memref<6x!tpu.dma_semaphore, #tpu.memory_space<semaphore_mem>> -> memref<1x!tpu.dma_semaphore, #tpu.memory_space<semaphore_mem>>
    %dma_start3A_143 = tpu.memref_squeeze %dma_start3A_142 : memref<1x!tpu.dma_semaphore, #tpu.memory_space<semaphore_mem>> -> memref<!tpu.dma_semaphore, #tpu.memory_space<semaphore_mem>>
    %dma_start3A_144 = arith.constant 0 : i32
    %dma_start3A_145 = arith.constant 0 : i32
    %dma_start3A_146 = tpu.memref_slice %arg7[%dma_start3A_132, %dma_start3A_144, %dma_start3A_145] : memref<6x128x128xf32, #tpu.memory_space<vmem>> -> memref<1x128x128xf32, #tpu.memory_space<vmem>>
    %dma_start3A_147 = tpu.memref_squeeze %dma_start3A_146 : memref<1x128x128xf32, #tpu.memory_space<vmem>> -> memref<128x128xf32, #tpu.memory_space<vmem>>
    %dma_start3A_148 = arith.constant 0 : i32
    %dma_start3A_149 = arith.constant 0 : i32
    %dma_start3A_150 = tpu.memref_slice %arg8[%arg1, %dma_start3A_148, %dma_start3A_149] : memref<16x128x128xf32, #tpu.memory_space<vmem_shared>> -> memref<1x128x128xf32, #tpu.memory_space<vmem_shared>>
    %dma_start3A_151 = tpu.memref_squeeze %dma_start3A_150 : memref<1x128x128xf32, #tpu.memory_space<vmem_shared>> -> memref<128x128xf32, #tpu.memory_space<vmem_shared>>
    tpu.enqueue_dma source(%dma_start3A_151 : memref<128x128xf32, #tpu.memory_space<vmem_shared>>) target(%dma_start3A_147 : memref<128x128xf32, #tpu.memory_space<vmem>>) target_semaphore(%dma_start3A_143 : memref<!tpu.dma_semaphore, #tpu.memory_space<semaphore_mem>>)
    %dma_wait3A_152 = arith.constant 2 : i32
    %dma_wait3A_153 = arith.constant 2 : i32
    %dma_wait3A_154 = arith.constant 0 : i32
    %dma_wait3A_155 = arith.constant 0 : i32
    %dma_wait3A_156 = tpu.memref_slice %arg7[%dma_wait3A_152, %dma_wait3A_154, %dma_wait3A_155] : memref<6x128x128xf32, #tpu.memory_space<vmem>> -> memref<1x128x128xf32, #tpu.memory_space<vmem>>
    %dma_wait3A_157 = tpu.memref_squeeze %dma_wait3A_156 : memref<1x128x128xf32, #tpu.memory_space<vmem>> -> memref<128x128xf32, #tpu.memory_space<vmem>>
    %dma_wait3A_158 = arith.constant 0 : i32
    %dma_wait3A_159 = arith.constant 0 : i32
    %dma_wait3A_160 = tpu.memref_slice %arg8[%arg1, %dma_wait3A_158, %dma_wait3A_159] : memref<16x128x128xf32, #tpu.memory_space<vmem_shared>> -> memref<1x128x128xf32, #tpu.memory_space<vmem_shared>>
    %dma_wait3A_161 = tpu.memref_squeeze %dma_wait3A_160 : memref<1x128x128xf32, #tpu.memory_space<vmem_shared>> -> memref<128x128xf32, #tpu.memory_space<vmem_shared>>
    %dma_wait3A_162 = tpu.memref_slice %arg9[%dma_wait3A_153] : memref<6x!tpu.dma_semaphore, #tpu.memory_space<semaphore_mem>> -> memref<1x!tpu.dma_semaphore, #tpu.memory_space<semaphore_mem>>
    %dma_wait3A_163 = tpu.memref_squeeze %dma_wait3A_162 : memref<1x!tpu.dma_semaphore, #tpu.memory_space<semaphore_mem>> -> memref<!tpu.dma_semaphore, #tpu.memory_space<semaphore_mem>>
    %dma_wait3A_164 = arith.constant 0 : i32
    %dma_wait3A_165 = arith.constant 0 : i32
    %dma_wait3A_166 = tpu.memref_slice %arg7[%dma_wait3A_152, %dma_wait3A_164, %dma_wait3A_165] : memref<6x128x128xf32, #tpu.memory_space<vmem>> -> memref<1x128x128xf32, #tpu.memory_space<vmem>>
    %dma_wait3A_167 = tpu.memref_squeeze %dma_wait3A_166 : memref<1x128x128xf32, #tpu.memory_space<vmem>> -> memref<128x128xf32, #tpu.memory_space<vmem>>
    %dma_wait3A_168 = arith.constant 0 : i32
    %dma_wait3A_169 = arith.constant 0 : i32
    %dma_wait3A_170 = tpu.memref_slice %arg8[%arg1, %dma_wait3A_168, %dma_wait3A_169] : memref<16x128x128xf32, #tpu.memory_space<vmem_shared>> -> memref<1x128x128xf32, #tpu.memory_space<vmem_shared>>
    %dma_wait3A_171 = tpu.memref_squeeze %dma_wait3A_170 : memref<1x128x128xf32, #tpu.memory_space<vmem_shared>> -> memref<128x128xf32, #tpu.memory_space<vmem_shared>>
    tpu.wait_dma2 semaphore(%dma_wait3A_163 : memref<!tpu.dma_semaphore, #tpu.memory_space<semaphore_mem>>) src(%dma_wait3A_171 : memref<128x128xf32, #tpu.memory_space<vmem_shared>>) dst(%dma_wait3A_167 : memref<128x128xf32, #tpu.memory_space<vmem>>)
    %dma_start3A_172 = arith.constant 2 : i32
    %dma_start3A_173 = arith.constant 2 : i32
    %dma_start3A_174 = arith.constant 2 : i32
    %dma_start3A_175 = arith.constant 0 : i32
    %dma_start3A_176 = arith.constant 0 : i32
    %dma_start3A_177 = tpu.memref_slice %arg7[%dma_start3A_173, %dma_start3A_175, %dma_start3A_176] : memref<6x128x128xf32, #tpu.memory_space<vmem>> -> memref<1x128x128xf32, #tpu.memory_space<vmem>>
    %dma_start3A_178 = tpu.memref_squeeze %dma_start3A_177 : memref<1x128x128xf32, #tpu.memory_space<vmem>> -> memref<128x128xf32, #tpu.memory_space<vmem>>
    %dma_start3A_179 = arith.constant 0 : i32
    %dma_start3A_180 = tpu.memref_slice %arg6[%dma_start3A_172, %dma_start3A_179] : memref<16x128xi32, #tpu.memory_space<vmem>> -> memref<1x128xi32, #tpu.memory_space<vmem>>
    %dma_start3A_181 = tpu.memref_squeeze %dma_start3A_180 : memref<1x128xi32, #tpu.memory_space<vmem>> -> memref<128xi32, #tpu.memory_space<vmem>>
    %dma_start3A_182 = arith.constant 0 : i32
    %dma_start3A_183 = arith.constant 0 : i32
    %dma_start3A_184 = tpu.memref_slice %arg3[%dma_start3A_182, %dma_start3A_183] : memref<100000x128xf32, #tpu.memory_space<hbm>> -> memref<100000x128xf32, #tpu.memory_space<hbm>>
    %dma_start3A_185 = tpu.memref_slice %arg10[%dma_start3A_174] : memref<6x!tpu.dma_semaphore, #tpu.memory_space<semaphore_mem>> -> memref<1x!tpu.dma_semaphore, #tpu.memory_space<semaphore_mem>>
    %dma_start3A_186 = tpu.memref_squeeze %dma_start3A_185 : memref<1x!tpu.dma_semaphore, #tpu.memory_space<semaphore_mem>> -> memref<!tpu.dma_semaphore, #tpu.memory_space<semaphore_mem>>
    tpu.enqueue_indirect_dma source(%dma_start3A_184 : memref<100000x128xf32, #tpu.memory_space<hbm>>) target(%dma_start3A_178 : memref<128x128xf32, #tpu.memory_space<vmem>>) offsets(%dma_start3A_181 : memref<128xi32, #tpu.memory_space<vmem>>) semaphore(%dma_start3A_186 : memref<!tpu.dma_semaphore, #tpu.memory_space<semaphore_mem>>) {add = true}
    %dma_start3A_187 = arith.constant 4 : i32
    %dma_start3A_188 = arith.constant 4 : i32
    %dma_start3A_189 = arith.constant 0 : i32
    %dma_start3A_190 = arith.constant 0 : i32
    %dma_start3A_191 = tpu.memref_slice %arg7[%dma_start3A_187, %dma_start3A_189, %dma_start3A_190] : memref<6x128x128xf32, #tpu.memory_space<vmem>> -> memref<1x128x128xf32, #tpu.memory_space<vmem>>
    %dma_start3A_192 = tpu.memref_squeeze %dma_start3A_191 : memref<1x128x128xf32, #tpu.memory_space<vmem>> -> memref<128x128xf32, #tpu.memory_space<vmem>>
    %dma_start3A_193 = arith.constant 0 : i32
    %dma_start3A_194 = arith.constant 0 : i32
    %dma_start3A_195 = tpu.memref_slice %arg8[%arg1, %dma_start3A_193, %dma_start3A_194] : memref<16x128x128xf32, #tpu.memory_space<vmem_shared>> -> memref<1x128x128xf32, #tpu.memory_space<vmem_shared>>
    %dma_start3A_196 = tpu.memref_squeeze %dma_start3A_195 : memref<1x128x128xf32, #tpu.memory_space<vmem_shared>> -> memref<128x128xf32, #tpu.memory_space<vmem_shared>>
    %dma_start3A_197 = tpu.memref_slice %arg9[%dma_start3A_188] : memref<6x!tpu.dma_semaphore, #tpu.memory_space<semaphore_mem>> -> memref<1x!tpu.dma_semaphore, #tpu.memory_space<semaphore_mem>>
    %dma_start3A_198 = tpu.memref_squeeze %dma_start3A_197 : memref<1x!tpu.dma_semaphore, #tpu.memory_space<semaphore_mem>> -> memref<!tpu.dma_semaphore, #tpu.memory_space<semaphore_mem>>
    %dma_start3A_199 = arith.constant 0 : i32
    %dma_start3A_200 = arith.constant 0 : i32
    %dma_start3A_201 = tpu.memref_slice %arg7[%dma_start3A_187, %dma_start3A_199, %dma_start3A_200] : memref<6x128x128xf32, #tpu.memory_space<vmem>> -> memref<1x128x128xf32, #tpu.memory_space<vmem>>
    %dma_start3A_202 = tpu.memref_squeeze %dma_start3A_201 : memref<1x128x128xf32, #tpu.memory_space<vmem>> -> memref<128x128xf32, #tpu.memory_space<vmem>>
    %dma_start3A_203 = arith.constant 0 : i32
    %dma_start3A_204 = arith.constant 0 : i32
    %dma_start3A_205 = tpu.memref_slice %arg8[%arg1, %dma_start3A_203, %dma_start3A_204] : memref<16x128x128xf32, #tpu.memory_space<vmem_shared>> -> memref<1x128x128xf32, #tpu.memory_space<vmem_shared>>
    %dma_start3A_206 = tpu.memref_squeeze %dma_start3A_205 : memref<1x128x128xf32, #tpu.memory_space<vmem_shared>> -> memref<128x128xf32, #tpu.memory_space<vmem_shared>>
    tpu.enqueue_dma source(%dma_start3A_206 : memref<128x128xf32, #tpu.memory_space<vmem_shared>>) target(%dma_start3A_202 : memref<128x128xf32, #tpu.memory_space<vmem>>) target_semaphore(%dma_start3A_198 : memref<!tpu.dma_semaphore, #tpu.memory_space<semaphore_mem>>)
    %dma_wait3A_207 = arith.constant 3 : i32
    %dma_wait3A_208 = arith.constant 3 : i32
    %dma_wait3A_209 = arith.constant 0 : i32
    %dma_wait3A_210 = arith.constant 0 : i32
    %dma_wait3A_211 = tpu.memref_slice %arg7[%dma_wait3A_207, %dma_wait3A_209, %dma_wait3A_210] : memref<6x128x128xf32, #tpu.memory_space<vmem>> -> memref<1x128x128xf32, #tpu.memory_space<vmem>>
    %dma_wait3A_212 = tpu.memref_squeeze %dma_wait3A_211 : memref<1x128x128xf32, #tpu.memory_space<vmem>> -> memref<128x128xf32, #tpu.memory_space<vmem>>
    %dma_wait3A_213 = arith.constant 0 : i32
    %dma_wait3A_214 = arith.constant 0 : i32
    %dma_wait3A_215 = tpu.memref_slice %arg8[%arg1, %dma_wait3A_213, %dma_wait3A_214] : memref<16x128x128xf32, #tpu.memory_space<vmem_shared>> -> memref<1x128x128xf32, #tpu.memory_space<vmem_shared>>
    %dma_wait3A_216 = tpu.memref_squeeze %dma_wait3A_215 : memref<1x128x128xf32, #tpu.memory_space<vmem_shared>> -> memref<128x128xf32, #tpu.memory_space<vmem_shared>>
    %dma_wait3A_217 = tpu.memref_slice %arg9[%dma_wait3A_208] : memref<6x!tpu.dma_semaphore, #tpu.memory_space<semaphore_mem>> -> memref<1x!tpu.dma_semaphore, #tpu.memory_space<semaphore_mem>>
    %dma_wait3A_218 = tpu.memref_squeeze %dma_wait3A_217 : memref<1x!tpu.dma_semaphore, #tpu.memory_space<semaphore_mem>> -> memref<!tpu.dma_semaphore, #tpu.memory_space<semaphore_mem>>
    %dma_wait3A_219 = arith.constant 0 : i32
    %dma_wait3A_220 = arith.constant 0 : i32
    %dma_wait3A_221 = tpu.memref_slice %arg7[%dma_wait3A_207, %dma_wait3A_219, %dma_wait3A_220] : memref<6x128x128xf32, #tpu.memory_space<vmem>> -> memref<1x128x128xf32, #tpu.memory_space<vmem>>
    %dma_wait3A_222 = tpu.memref_squeeze %dma_wait3A_221 : memref<1x128x128xf32, #tpu.memory_space<vmem>> -> memref<128x128xf32, #tpu.memory_space<vmem>>
    %dma_wait3A_223 = arith.constant 0 : i32
    %dma_wait3A_224 = arith.constant 0 : i32
    %dma_wait3A_225 = tpu.memref_slice %arg8[%arg1, %dma_wait3A_223, %dma_wait3A_224] : memref<16x128x128xf32, #tpu.memory_space<vmem_shared>> -> memref<1x128x128xf32, #tpu.memory_space<vmem_shared>>
    %dma_wait3A_226 = tpu.memref_squeeze %dma_wait3A_225 : memref<1x128x128xf32, #tpu.memory_space<vmem_shared>> -> memref<128x128xf32, #tpu.memory_space<vmem_shared>>
    tpu.wait_dma2 semaphore(%dma_wait3A_218 : memref<!tpu.dma_semaphore, #tpu.memory_space<semaphore_mem>>) src(%dma_wait3A_226 : memref<128x128xf32, #tpu.memory_space<vmem_shared>>) dst(%dma_wait3A_222 : memref<128x128xf32, #tpu.memory_space<vmem>>)
    %dma_start3A_227 = arith.constant 3 : i32
    %dma_start3A_228 = arith.constant 3 : i32
    %dma_start3A_229 = arith.constant 3 : i32
    %dma_start3A_230 = arith.constant 0 : i32
    %dma_start3A_231 = arith.constant 0 : i32
    %dma_start3A_232 = tpu.memref_slice %arg7[%dma_start3A_228, %dma_start3A_230, %dma_start3A_231] : memref<6x128x128xf32, #tpu.memory_space<vmem>> -> memref<1x128x128xf32, #tpu.memory_space<vmem>>
    %dma_start3A_233 = tpu.memref_squeeze %dma_start3A_232 : memref<1x128x128xf32, #tpu.memory_space<vmem>> -> memref<128x128xf32, #tpu.memory_space<vmem>>
    %dma_start3A_234 = arith.constant 0 : i32
    %dma_start3A_235 = tpu.memref_slice %arg6[%dma_start3A_227, %dma_start3A_234] : memref<16x128xi32, #tpu.memory_space<vmem>> -> memref<1x128xi32, #tpu.memory_space<vmem>>
    %dma_start3A_236 = tpu.memref_squeeze %dma_start3A_235 : memref<1x128xi32, #tpu.memory_space<vmem>> -> memref<128xi32, #tpu.memory_space<vmem>>
    %dma_start3A_237 = arith.constant 0 : i32
    %dma_start3A_238 = arith.constant 0 : i32
    %dma_start3A_239 = tpu.memref_slice %arg3[%dma_start3A_237, %dma_start3A_238] : memref<100000x128xf32, #tpu.memory_space<hbm>> -> memref<100000x128xf32, #tpu.memory_space<hbm>>
    %dma_start3A_240 = tpu.memref_slice %arg10[%dma_start3A_229] : memref<6x!tpu.dma_semaphore, #tpu.memory_space<semaphore_mem>> -> memref<1x!tpu.dma_semaphore, #tpu.memory_space<semaphore_mem>>
    %dma_start3A_241 = tpu.memref_squeeze %dma_start3A_240 : memref<1x!tpu.dma_semaphore, #tpu.memory_space<semaphore_mem>> -> memref<!tpu.dma_semaphore, #tpu.memory_space<semaphore_mem>>
    tpu.enqueue_indirect_dma source(%dma_start3A_239 : memref<100000x128xf32, #tpu.memory_space<hbm>>) target(%dma_start3A_233 : memref<128x128xf32, #tpu.memory_space<vmem>>) offsets(%dma_start3A_236 : memref<128xi32, #tpu.memory_space<vmem>>) semaphore(%dma_start3A_241 : memref<!tpu.dma_semaphore, #tpu.memory_space<semaphore_mem>>) {add = true}
    %dma_wait3A_242 = arith.constant 0 : i32
    %dma_wait3A_243 = arith.constant 0 : i32
    %dma_wait3A_244 = arith.constant 0 : i32
    %dma_wait3A_245 = arith.constant 0 : i32
    %dma_wait3A_246 = arith.constant 0 : i32
    %dma_wait3A_247 = tpu.memref_slice %arg7[%dma_wait3A_243, %dma_wait3A_245, %dma_wait3A_246] : memref<6x128x128xf32, #tpu.memory_space<vmem>> -> memref<1x128x128xf32, #tpu.memory_space<vmem>>
    %dma_wait3A_248 = tpu.memref_squeeze %dma_wait3A_247 : memref<1x128x128xf32, #tpu.memory_space<vmem>> -> memref<128x128xf32, #tpu.memory_space<vmem>>
    %dma_wait3A_249 = arith.constant 0 : i32
    %dma_wait3A_250 = tpu.memref_slice %arg6[%dma_wait3A_242, %dma_wait3A_249] : memref<16x128xi32, #tpu.memory_space<vmem>> -> memref<1x128xi32, #tpu.memory_space<vmem>>
    %dma_wait3A_251 = tpu.memref_squeeze %dma_wait3A_250 : memref<1x128xi32, #tpu.memory_space<vmem>> -> memref<128xi32, #tpu.memory_space<vmem>>
    %dma_wait3A_252 = arith.constant 0 : i32
    %dma_wait3A_253 = arith.constant 0 : i32
    %dma_wait3A_254 = tpu.memref_slice %arg3[%dma_wait3A_252, %dma_wait3A_253] : memref<100000x128xf32, #tpu.memory_space<hbm>> -> memref<100000x128xf32, #tpu.memory_space<hbm>>
    %dma_wait3A_255 = tpu.memref_slice %arg10[%dma_wait3A_244] : memref<6x!tpu.dma_semaphore, #tpu.memory_space<semaphore_mem>> -> memref<1x!tpu.dma_semaphore, #tpu.memory_space<semaphore_mem>>
    %dma_wait3A_256 = tpu.memref_squeeze %dma_wait3A_255 : memref<1x!tpu.dma_semaphore, #tpu.memory_space<semaphore_mem>> -> memref<!tpu.dma_semaphore, #tpu.memory_space<semaphore_mem>>
    tpu.wait_indirect_dma semaphore(%dma_wait3A_256 : memref<!tpu.dma_semaphore, #tpu.memory_space<semaphore_mem>>) src(%dma_wait3A_254 : memref<100000x128xf32, #tpu.memory_space<hbm>>) dst(%dma_wait3A_248 : memref<128x128xf32, #tpu.memory_space<vmem>>)
    %add3A = arith.constant 0 : i32
    %add3A_257 = arith.addi %mul3A_2, %add3A : i32
    %dma_start3A_258 = arith.constant 0 : i32
    %dma_start3A_259 = arith.constant 0 : i32
    %dma_start3A_260 = arith.constant 0 : i32
    %dma_start3A_261 = arith.constant 0 : i32
    %dma_start3A_262 = tpu.memref_slice %arg7[%dma_start3A_258, %dma_start3A_260, %dma_start3A_261] : memref<6x128x128xf32, #tpu.memory_space<vmem>> -> memref<1x128x128xf32, #tpu.memory_space<vmem>>
    %dma_start3A_263 = tpu.memref_squeeze %dma_start3A_262 : memref<1x128x128xf32, #tpu.memory_space<vmem>> -> memref<128x128xf32, #tpu.memory_space<vmem>>
    %dma_start3A_264 = arith.constant 0 : i32
    %dma_start3A_265 = tpu.memref_slice %arg5[%add3A_257, %mul3A_0, %dma_start3A_264] : memref<32x2048x128xf32, #tpu.memory_space<hbm>> -> memref<1x128x128xf32, #tpu.memory_space<hbm>>
    %dma_start3A_266 = tpu.memref_squeeze %dma_start3A_265 : memref<1x128x128xf32, #tpu.memory_space<hbm>> -> memref<128x128xf32, #tpu.memory_space<hbm>>
    %dma_start3A_267 = tpu.memref_slice %arg11[%dma_start3A_259] : memref<6x!tpu.dma_semaphore, #tpu.memory_space<semaphore_mem>> -> memref<1x!tpu.dma_semaphore, #tpu.memory_space<semaphore_mem>>
    %dma_start3A_268 = tpu.memref_squeeze %dma_start3A_267 : memref<1x!tpu.dma_semaphore, #tpu.memory_space<semaphore_mem>> -> memref<!tpu.dma_semaphore, #tpu.memory_space<semaphore_mem>>
    %dma_start3A_269 = arith.constant 0 : i32
    %dma_start3A_270 = tpu.memref_slice %arg5[%add3A_257, %mul3A_0, %dma_start3A_269] : memref<32x2048x128xf32, #tpu.memory_space<hbm>> -> memref<1x128x128xf32, #tpu.memory_space<hbm>>
    %dma_start3A_271 = tpu.memref_squeeze %dma_start3A_270 : memref<1x128x128xf32, #tpu.memory_space<hbm>> -> memref<128x128xf32, #tpu.memory_space<hbm>>
    %dma_start3A_272 = arith.constant 0 : i32
    %dma_start3A_273 = arith.constant 0 : i32
    %dma_start3A_274 = tpu.memref_slice %arg7[%dma_start3A_258, %dma_start3A_272, %dma_start3A_273] : memref<6x128x128xf32, #tpu.memory_space<vmem>> -> memref<1x128x128xf32, #tpu.memory_space<vmem>>
    %dma_start3A_275 = tpu.memref_squeeze %dma_start3A_274 : memref<1x128x128xf32, #tpu.memory_space<vmem>> -> memref<128x128xf32, #tpu.memory_space<vmem>>
    tpu.enqueue_dma source(%dma_start3A_275 : memref<128x128xf32, #tpu.memory_space<vmem>>) target(%dma_start3A_271 : memref<128x128xf32, #tpu.memory_space<hbm>>) target_semaphore(%dma_start3A_268 : memref<!tpu.dma_semaphore, #tpu.memory_space<semaphore_mem>>)
    %dma_start3A_276 = arith.constant 5 : i32
    %dma_start3A_277 = arith.constant 5 : i32
    %dma_start3A_278 = arith.constant 0 : i32
    %dma_start3A_279 = arith.constant 0 : i32
    %dma_start3A_280 = tpu.memref_slice %arg7[%dma_start3A_276, %dma_start3A_278, %dma_start3A_279] : memref<6x128x128xf32, #tpu.memory_space<vmem>> -> memref<1x128x128xf32, #tpu.memory_space<vmem>>
    %dma_start3A_281 = tpu.memref_squeeze %dma_start3A_280 : memref<1x128x128xf32, #tpu.memory_space<vmem>> -> memref<128x128xf32, #tpu.memory_space<vmem>>
    %dma_start3A_282 = arith.constant 0 : i32
    %dma_start3A_283 = arith.constant 0 : i32
    %dma_start3A_284 = tpu.memref_slice %arg8[%arg1, %dma_start3A_282, %dma_start3A_283] : memref<16x128x128xf32, #tpu.memory_space<vmem_shared>> -> memref<1x128x128xf32, #tpu.memory_space<vmem_shared>>
    %dma_start3A_285 = tpu.memref_squeeze %dma_start3A_284 : memref<1x128x128xf32, #tpu.memory_space<vmem_shared>> -> memref<128x128xf32, #tpu.memory_space<vmem_shared>>
    %dma_start3A_286 = tpu.memref_slice %arg9[%dma_start3A_277] : memref<6x!tpu.dma_semaphore, #tpu.memory_space<semaphore_mem>> -> memref<1x!tpu.dma_semaphore, #tpu.memory_space<semaphore_mem>>
    %dma_start3A_287 = tpu.memref_squeeze %dma_start3A_286 : memref<1x!tpu.dma_semaphore, #tpu.memory_space<semaphore_mem>> -> memref<!tpu.dma_semaphore, #tpu.memory_space<semaphore_mem>>
    %dma_start3A_288 = arith.constant 0 : i32
    %dma_start3A_289 = arith.constant 0 : i32
    %dma_start3A_290 = tpu.memref_slice %arg7[%dma_start3A_276, %dma_start3A_288, %dma_start3A_289] : memref<6x128x128xf32, #tpu.memory_space<vmem>> -> memref<1x128x128xf32, #tpu.memory_space<vmem>>
    %dma_start3A_291 = tpu.memref_squeeze %dma_start3A_290 : memref<1x128x128xf32, #tpu.memory_space<vmem>> -> memref<128x128xf32, #tpu.memory_space<vmem>>
    %dma_start3A_292 = arith.constant 0 : i32
    %dma_start3A_293 = arith.constant 0 : i32
    %dma_start3A_294 = tpu.memref_slice %arg8[%arg1, %dma_start3A_292, %dma_start3A_293] : memref<16x128x128xf32, #tpu.memory_space<vmem_shared>> -> memref<1x128x128xf32, #tpu.memory_space<vmem_shared>>
    %dma_start3A_295 = tpu.memref_squeeze %dma_start3A_294 : memref<1x128x128xf32, #tpu.memory_space<vmem_shared>> -> memref<128x128xf32, #tpu.memory_space<vmem_shared>>
    tpu.enqueue_dma source(%dma_start3A_295 : memref<128x128xf32, #tpu.memory_space<vmem_shared>>) target(%dma_start3A_291 : memref<128x128xf32, #tpu.memory_space<vmem>>) target_semaphore(%dma_start3A_287 : memref<!tpu.dma_semaphore, #tpu.memory_space<semaphore_mem>>)
    %dma_wait3A_296 = arith.constant 4 : i32
    %dma_wait3A_297 = arith.constant 4 : i32
    %dma_wait3A_298 = arith.constant 0 : i32
    %dma_wait3A_299 = arith.constant 0 : i32
    %dma_wait3A_300 = tpu.memref_slice %arg7[%dma_wait3A_296, %dma_wait3A_298, %dma_wait3A_299] : memref<6x128x128xf32, #tpu.memory_space<vmem>> -> memref<1x128x128xf32, #tpu.memory_space<vmem>>
    %dma_wait3A_301 = tpu.memref_squeeze %dma_wait3A_300 : memref<1x128x128xf32, #tpu.memory_space<vmem>> -> memref<128x128xf32, #tpu.memory_space<vmem>>
    %dma_wait3A_302 = arith.constant 0 : i32
    %dma_wait3A_303 = arith.constant 0 : i32
    %dma_wait3A_304 = tpu.memref_slice %arg8[%arg1, %dma_wait3A_302, %dma_wait3A_303] : memref<16x128x128xf32, #tpu.memory_space<vmem_shared>> -> memref<1x128x128xf32, #tpu.memory_space<vmem_shared>>
    %dma_wait3A_305 = tpu.memref_squeeze %dma_wait3A_304 : memref<1x128x128xf32, #tpu.memory_space<vmem_shared>> -> memref<128x128xf32, #tpu.memory_space<vmem_shared>>
    %dma_wait3A_306 = tpu.memref_slice %arg9[%dma_wait3A_297] : memref<6x!tpu.dma_semaphore, #tpu.memory_space<semaphore_mem>> -> memref<1x!tpu.dma_semaphore, #tpu.memory_space<semaphore_mem>>
    %dma_wait3A_307 = tpu.memref_squeeze %dma_wait3A_306 : memref<1x!tpu.dma_semaphore, #tpu.memory_space<semaphore_mem>> -> memref<!tpu.dma_semaphore, #tpu.memory_space<semaphore_mem>>
    %dma_wait3A_308 = arith.constant 0 : i32
    %dma_wait3A_309 = arith.constant 0 : i32
    %dma_wait3A_310 = tpu.memref_slice %arg7[%dma_wait3A_296, %dma_wait3A_308, %dma_wait3A_309] : memref<6x128x128xf32, #tpu.memory_space<vmem>> -> memref<1x128x128xf32, #tpu.memory_space<vmem>>
    %dma_wait3A_311 = tpu.memref_squeeze %dma_wait3A_310 : memref<1x128x128xf32, #tpu.memory_space<vmem>> -> memref<128x128xf32, #tpu.memory_space<vmem>>
    %dma_wait3A_312 = arith.constant 0 : i32
    %dma_wait3A_313 = arith.constant 0 : i32
    %dma_wait3A_314 = tpu.memref_slice %arg8[%arg1, %dma_wait3A_312, %dma_wait3A_313] : memref<16x128x128xf32, #tpu.memory_space<vmem_shared>> -> memref<1x128x128xf32, #tpu.memory_space<vmem_shared>>
    %dma_wait3A_315 = tpu.memref_squeeze %dma_wait3A_314 : memref<1x128x128xf32, #tpu.memory_space<vmem_shared>> -> memref<128x128xf32, #tpu.memory_space<vmem_shared>>
    tpu.wait_dma2 semaphore(%dma_wait3A_307 : memref<!tpu.dma_semaphore, #tpu.memory_space<semaphore_mem>>) src(%dma_wait3A_315 : memref<128x128xf32, #tpu.memory_space<vmem_shared>>) dst(%dma_wait3A_311 : memref<128x128xf32, #tpu.memory_space<vmem>>)
    %dma_start3A_316 = arith.constant 4 : i32
    %dma_start3A_317 = arith.constant 4 : i32
    %dma_start3A_318 = arith.constant 4 : i32
    %dma_start3A_319 = arith.constant 0 : i32
    %dma_start3A_320 = arith.constant 0 : i32
    %dma_start3A_321 = tpu.memref_slice %arg7[%dma_start3A_317, %dma_start3A_319, %dma_start3A_320] : memref<6x128x128xf32, #tpu.memory_space<vmem>> -> memref<1x128x128xf32, #tpu.memory_space<vmem>>
    %dma_start3A_322 = tpu.memref_squeeze %dma_start3A_321 : memref<1x128x128xf32, #tpu.memory_space<vmem>> -> memref<128x128xf32, #tpu.memory_space<vmem>>
    %dma_start3A_323 = arith.constant 0 : i32
    %dma_start3A_324 = tpu.memref_slice %arg6[%dma_start3A_316, %dma_start3A_323] : memref<16x128xi32, #tpu.memory_space<vmem>> -> memref<1x128xi32, #tpu.memory_space<vmem>>
    %dma_start3A_325 = tpu.memref_squeeze %dma_start3A_324 : memref<1x128xi32, #tpu.memory_space<vmem>> -> memref<128xi32, #tpu.memory_space<vmem>>
    %dma_start3A_326 = arith.constant 0 : i32
    %dma_start3A_327 = arith.constant 0 : i32
    %dma_start3A_328 = tpu.memref_slice %arg3[%dma_start3A_326, %dma_start3A_327] : memref<100000x128xf32, #tpu.memory_space<hbm>> -> memref<100000x128xf32, #tpu.memory_space<hbm>>
    %dma_start3A_329 = tpu.memref_slice %arg10[%dma_start3A_318] : memref<6x!tpu.dma_semaphore, #tpu.memory_space<semaphore_mem>> -> memref<1x!tpu.dma_semaphore, #tpu.memory_space<semaphore_mem>>
    %dma_start3A_330 = tpu.memref_squeeze %dma_start3A_329 : memref<1x!tpu.dma_semaphore, #tpu.memory_space<semaphore_mem>> -> memref<!tpu.dma_semaphore, #tpu.memory_space<semaphore_mem>>
    tpu.enqueue_indirect_dma source(%dma_start3A_328 : memref<100000x128xf32, #tpu.memory_space<hbm>>) target(%dma_start3A_322 : memref<128x128xf32, #tpu.memory_space<vmem>>) offsets(%dma_start3A_325 : memref<128xi32, #tpu.memory_space<vmem>>) semaphore(%dma_start3A_330 : memref<!tpu.dma_semaphore, #tpu.memory_space<semaphore_mem>>) {add = true}
    %dma_wait3A_331 = arith.constant 1 : i32
    %dma_wait3A_332 = arith.constant 1 : i32
    %dma_wait3A_333 = arith.constant 1 : i32
    %dma_wait3A_334 = arith.constant 0 : i32
    %dma_wait3A_335 = arith.constant 0 : i32
    %dma_wait3A_336 = tpu.memref_slice %arg7[%dma_wait3A_332, %dma_wait3A_334, %dma_wait3A_335] : memref<6x128x128xf32, #tpu.memory_space<vmem>> -> memref<1x128x128xf32, #tpu.memory_space<vmem>>
    %dma_wait3A_337 = tpu.memref_squeeze %dma_wait3A_336 : memref<1x128x128xf32, #tpu.memory_space<vmem>> -> memref<128x128xf32, #tpu.memory_space<vmem>>
    %dma_wait3A_338 = arith.constant 0 : i32
    %dma_wait3A_339 = tpu.memref_slice %arg6[%dma_wait3A_331, %dma_wait3A_338] : memref<16x128xi32, #tpu.memory_space<vmem>> -> memref<1x128xi32, #tpu.memory_space<vmem>>
    %dma_wait3A_340 = tpu.memref_squeeze %dma_wait3A_339 : memref<1x128xi32, #tpu.memory_space<vmem>> -> memref<128xi32, #tpu.memory_space<vmem>>
    %dma_wait3A_341 = arith.constant 0 : i32
    %dma_wait3A_342 = arith.constant 0 : i32
    %dma_wait3A_343 = tpu.memref_slice %arg3[%dma_wait3A_341, %dma_wait3A_342] : memref<100000x128xf32, #tpu.memory_space<hbm>> -> memref<100000x128xf32, #tpu.memory_space<hbm>>
    %dma_wait3A_344 = tpu.memref_slice %arg10[%dma_wait3A_333] : memref<6x!tpu.dma_semaphore, #tpu.memory_space<semaphore_mem>> -> memref<1x!tpu.dma_semaphore, #tpu.memory_space<semaphore_mem>>
    %dma_wait3A_345 = tpu.memref_squeeze %dma_wait3A_344 : memref<1x!tpu.dma_semaphore, #tpu.memory_space<semaphore_mem>> -> memref<!tpu.dma_semaphore, #tpu.memory_space<semaphore_mem>>
    tpu.wait_indirect_dma semaphore(%dma_wait3A_345 : memref<!tpu.dma_semaphore, #tpu.memory_space<semaphore_mem>>) src(%dma_wait3A_343 : memref<100000x128xf32, #tpu.memory_space<hbm>>) dst(%dma_wait3A_337 : memref<128x128xf32, #tpu.memory_space<vmem>>)
    %add3A_346 = arith.constant 1 : i32
    %add3A_347 = arith.addi %mul3A_2, %add3A_346 : i32
    %dma_start3A_348 = arith.constant 1 : i32
    %dma_start3A_349 = arith.constant 1 : i32
    %dma_start3A_350 = arith.constant 0 : i32
    %dma_start3A_351 = arith.constant 0 : i32
    %dma_start3A_352 = tpu.memref_slice %arg7[%dma_start3A_348, %dma_start3A_350, %dma_start3A_351] : memref<6x128x128xf32, #tpu.memory_space<vmem>> -> memref<1x128x128xf32, #tpu.memory_space<vmem>>
    %dma_start3A_353 = tpu.memref_squeeze %dma_start3A_352 : memref<1x128x128xf32, #tpu.memory_space<vmem>> -> memref<128x128xf32, #tpu.memory_space<vmem>>
    %dma_start3A_354 = arith.constant 0 : i32
    %dma_start3A_355 = tpu.memref_slice %arg5[%add3A_347, %mul3A_0, %dma_start3A_354] : memref<32x2048x128xf32, #tpu.memory_space<hbm>> -> memref<1x128x128xf32, #tpu.memory_space<hbm>>
    %dma_start3A_356 = tpu.memref_squeeze %dma_start3A_355 : memref<1x128x128xf32, #tpu.memory_space<hbm>> -> memref<128x128xf32, #tpu.memory_space<hbm>>
    %dma_start3A_357 = tpu.memref_slice %arg11[%dma_start3A_349] : memref<6x!tpu.dma_semaphore, #tpu.memory_space<semaphore_mem>> -> memref<1x!tpu.dma_semaphore, #tpu.memory_space<semaphore_mem>>
    %dma_start3A_358 = tpu.memref_squeeze %dma_start3A_357 : memref<1x!tpu.dma_semaphore, #tpu.memory_space<semaphore_mem>> -> memref<!tpu.dma_semaphore, #tpu.memory_space<semaphore_mem>>
    %dma_start3A_359 = arith.constant 0 : i32
    %dma_start3A_360 = tpu.memref_slice %arg5[%add3A_347, %mul3A_0, %dma_start3A_359] : memref<32x2048x128xf32, #tpu.memory_space<hbm>> -> memref<1x128x128xf32, #tpu.memory_space<hbm>>
    %dma_start3A_361 = tpu.memref_squeeze %dma_start3A_360 : memref<1x128x128xf32, #tpu.memory_space<hbm>> -> memref<128x128xf32, #tpu.memory_space<hbm>>
    %dma_start3A_362 = arith.constant 0 : i32
    %dma_start3A_363 = arith.constant 0 : i32
    %dma_start3A_364 = tpu.memref_slice %arg7[%dma_start3A_348, %dma_start3A_362, %dma_start3A_363] : memref<6x128x128xf32, #tpu.memory_space<vmem>> -> memref<1x128x128xf32, #tpu.memory_space<vmem>>
    %dma_start3A_365 = tpu.memref_squeeze %dma_start3A_364 : memref<1x128x128xf32, #tpu.memory_space<vmem>> -> memref<128x128xf32, #tpu.memory_space<vmem>>
    tpu.enqueue_dma source(%dma_start3A_365 : memref<128x128xf32, #tpu.memory_space<vmem>>) target(%dma_start3A_361 : memref<128x128xf32, #tpu.memory_space<hbm>>) target_semaphore(%dma_start3A_358 : memref<!tpu.dma_semaphore, #tpu.memory_space<semaphore_mem>>)
    %dma_wait3A_366 = arith.constant 0 : i32
    %dma_wait3A_367 = arith.constant 0 : i32
    %dma_wait3A_368 = arith.constant 0 : i32
    %dma_wait3A_369 = arith.constant 0 : i32
    %dma_wait3A_370 = tpu.memref_slice %arg7[%dma_wait3A_366, %dma_wait3A_368, %dma_wait3A_369] : memref<6x128x128xf32, #tpu.memory_space<vmem>> -> memref<1x128x128xf32, #tpu.memory_space<vmem>>
    %dma_wait3A_371 = tpu.memref_squeeze %dma_wait3A_370 : memref<1x128x128xf32, #tpu.memory_space<vmem>> -> memref<128x128xf32, #tpu.memory_space<vmem>>
    %dma_wait3A_372 = arith.constant 0 : i32
    %dma_wait3A_373 = tpu.memref_slice %arg5[%add3A_257, %mul3A_0, %dma_wait3A_372] : memref<32x2048x128xf32, #tpu.memory_space<hbm>> -> memref<1x128x128xf32, #tpu.memory_space<hbm>>
    %dma_wait3A_374 = tpu.memref_squeeze %dma_wait3A_373 : memref<1x128x128xf32, #tpu.memory_space<hbm>> -> memref<128x128xf32, #tpu.memory_space<hbm>>
    %dma_wait3A_375 = tpu.memref_slice %arg11[%dma_wait3A_367] : memref<6x!tpu.dma_semaphore, #tpu.memory_space<semaphore_mem>> -> memref<1x!tpu.dma_semaphore, #tpu.memory_space<semaphore_mem>>
    %dma_wait3A_376 = tpu.memref_squeeze %dma_wait3A_375 : memref<1x!tpu.dma_semaphore, #tpu.memory_space<semaphore_mem>> -> memref<!tpu.dma_semaphore, #tpu.memory_space<semaphore_mem>>
    %dma_wait3A_377 = arith.constant 0 : i32
    %dma_wait3A_378 = tpu.memref_slice %arg5[%add3A_257, %mul3A_0, %dma_wait3A_377] : memref<32x2048x128xf32, #tpu.memory_space<hbm>> -> memref<1x128x128xf32, #tpu.memory_space<hbm>>
    %dma_wait3A_379 = tpu.memref_squeeze %dma_wait3A_378 : memref<1x128x128xf32, #tpu.memory_space<hbm>> -> memref<128x128xf32, #tpu.memory_space<hbm>>
    %dma_wait3A_380 = arith.constant 0 : i32
    %dma_wait3A_381 = arith.constant 0 : i32
    %dma_wait3A_382 = tpu.memref_slice %arg7[%dma_wait3A_366, %dma_wait3A_380, %dma_wait3A_381] : memref<6x128x128xf32, #tpu.memory_space<vmem>> -> memref<1x128x128xf32, #tpu.memory_space<vmem>>
    %dma_wait3A_383 = tpu.memref_squeeze %dma_wait3A_382 : memref<1x128x128xf32, #tpu.memory_space<vmem>> -> memref<128x128xf32, #tpu.memory_space<vmem>>
    tpu.wait_dma2 semaphore(%dma_wait3A_376 : memref<!tpu.dma_semaphore, #tpu.memory_space<semaphore_mem>>) src(%dma_wait3A_383 : memref<128x128xf32, #tpu.memory_space<vmem>>) dst(%dma_wait3A_379 : memref<128x128xf32, #tpu.memory_space<hbm>>)
    %dma_start3A_384 = arith.constant 0 : i32
    %dma_start3A_385 = arith.constant 0 : i32
    %dma_start3A_386 = arith.constant 0 : i32
    %dma_start3A_387 = arith.constant 0 : i32
    %dma_start3A_388 = tpu.memref_slice %arg7[%dma_start3A_384, %dma_start3A_386, %dma_start3A_387] : memref<6x128x128xf32, #tpu.memory_space<vmem>> -> memref<1x128x128xf32, #tpu.memory_space<vmem>>
    %dma_start3A_389 = tpu.memref_squeeze %dma_start3A_388 : memref<1x128x128xf32, #tpu.memory_space<vmem>> -> memref<128x128xf32, #tpu.memory_space<vmem>>
    %dma_start3A_390 = arith.constant 0 : i32
    %dma_start3A_391 = arith.constant 0 : i32
    %dma_start3A_392 = tpu.memref_slice %arg8[%arg1, %dma_start3A_390, %dma_start3A_391] : memref<16x128x128xf32, #tpu.memory_space<vmem_shared>> -> memref<1x128x128xf32, #tpu.memory_space<vmem_shared>>
    %dma_start3A_393 = tpu.memref_squeeze %dma_start3A_392 : memref<1x128x128xf32, #tpu.memory_space<vmem_shared>> -> memref<128x128xf32, #tpu.memory_space<vmem_shared>>
    %dma_start3A_394 = tpu.memref_slice %arg9[%dma_start3A_385] : memref<6x!tpu.dma_semaphore, #tpu.memory_space<semaphore_mem>> -> memref<1x!tpu.dma_semaphore, #tpu.memory_space<semaphore_mem>>
    %dma_start3A_395 = tpu.memref_squeeze %dma_start3A_394 : memref<1x!tpu.dma_semaphore, #tpu.memory_space<semaphore_mem>> -> memref<!tpu.dma_semaphore, #tpu.memory_space<semaphore_mem>>
    %dma_start3A_396 = arith.constant 0 : i32
    %dma_start3A_397 = arith.constant 0 : i32
    %dma_start3A_398 = tpu.memref_slice %arg7[%dma_start3A_384, %dma_start3A_396, %dma_start3A_397] : memref<6x128x128xf32, #tpu.memory_space<vmem>> -> memref<1x128x128xf32, #tpu.memory_space<vmem>>
    %dma_start3A_399 = tpu.memref_squeeze %dma_start3A_398 : memref<1x128x128xf32, #tpu.memory_space<vmem>> -> memref<128x128xf32, #tpu.memory_space<vmem>>
    %dma_start3A_400 = arith.constant 0 : i32
    %dma_start3A_401 = arith.constant 0 : i32
    %dma_start3A_402 = tpu.memref_slice %arg8[%arg1, %dma_start3A_400, %dma_start3A_401] : memref<16x128x128xf32, #tpu.memory_space<vmem_shared>> -> memref<1x128x128xf32, #tpu.memory_space<vmem_shared>>
    %dma_start3A_403 = tpu.memref_squeeze %dma_start3A_402 : memref<1x128x128xf32, #tpu.memory_space<vmem_shared>> -> memref<128x128xf32, #tpu.memory_space<vmem_shared>>
    tpu.enqueue_dma source(%dma_start3A_403 : memref<128x128xf32, #tpu.memory_space<vmem_shared>>) target(%dma_start3A_399 : memref<128x128xf32, #tpu.memory_space<vmem>>) target_semaphore(%dma_start3A_395 : memref<!tpu.dma_semaphore, #tpu.memory_space<semaphore_mem>>)
    %dma_wait3A_404 = arith.constant 5 : i32
    %dma_wait3A_405 = arith.constant 5 : i32
    %dma_wait3A_406 = arith.constant 0 : i32
    %dma_wait3A_407 = arith.constant 0 : i32
    %dma_wait3A_408 = tpu.memref_slice %arg7[%dma_wait3A_404, %dma_wait3A_406, %dma_wait3A_407] : memref<6x128x128xf32, #tpu.memory_space<vmem>> -> memref<1x128x128xf32, #tpu.memory_space<vmem>>
    %dma_wait3A_409 = tpu.memref_squeeze %dma_wait3A_408 : memref<1x128x128xf32, #tpu.memory_space<vmem>> -> memref<128x128xf32, #tpu.memory_space<vmem>>
    %dma_wait3A_410 = arith.constant 0 : i32
    %dma_wait3A_411 = arith.constant 0 : i32
    %dma_wait3A_412 = tpu.memref_slice %arg8[%arg1, %dma_wait3A_410, %dma_wait3A_411] : memref<16x128x128xf32, #tpu.memory_space<vmem_shared>> -> memref<1x128x128xf32, #tpu.memory_space<vmem_shared>>
    %dma_wait3A_413 = tpu.memref_squeeze %dma_wait3A_412 : memref<1x128x128xf32, #tpu.memory_space<vmem_shared>> -> memref<128x128xf32, #tpu.memory_space<vmem_shared>>
    %dma_wait3A_414 = tpu.memref_slice %arg9[%dma_wait3A_405] : memref<6x!tpu.dma_semaphore, #tpu.memory_space<semaphore_mem>> -> memref<1x!tpu.dma_semaphore, #tpu.memory_space<semaphore_mem>>
    %dma_wait3A_415 = tpu.memref_squeeze %dma_wait3A_414 : memref<1x!tpu.dma_semaphore, #tpu.memory_space<semaphore_mem>> -> memref<!tpu.dma_semaphore, #tpu.memory_space<semaphore_mem>>
    %dma_wait3A_416 = arith.constant 0 : i32
    %dma_wait3A_417 = arith.constant 0 : i32
    %dma_wait3A_418 = tpu.memref_slice %arg7[%dma_wait3A_404, %dma_wait3A_416, %dma_wait3A_417] : memref<6x128x128xf32, #tpu.memory_space<vmem>> -> memref<1x128x128xf32, #tpu.memory_space<vmem>>
    %dma_wait3A_419 = tpu.memref_squeeze %dma_wait3A_418 : memref<1x128x128xf32, #tpu.memory_space<vmem>> -> memref<128x128xf32, #tpu.memory_space<vmem>>
    %dma_wait3A_420 = arith.constant 0 : i32
    %dma_wait3A_421 = arith.constant 0 : i32
    %dma_wait3A_422 = tpu.memref_slice %arg8[%arg1, %dma_wait3A_420, %dma_wait3A_421] : memref<16x128x128xf32, #tpu.memory_space<vmem_shared>> -> memref<1x128x128xf32, #tpu.memory_space<vmem_shared>>
    %dma_wait3A_423 = tpu.memref_squeeze %dma_wait3A_422 : memref<1x128x128xf32, #tpu.memory_space<vmem_shared>> -> memref<128x128xf32, #tpu.memory_space<vmem_shared>>
    tpu.wait_dma2 semaphore(%dma_wait3A_415 : memref<!tpu.dma_semaphore, #tpu.memory_space<semaphore_mem>>) src(%dma_wait3A_423 : memref<128x128xf32, #tpu.memory_space<vmem_shared>>) dst(%dma_wait3A_419 : memref<128x128xf32, #tpu.memory_space<vmem>>)
    %dma_start3A_424 = arith.constant 5 : i32
    %dma_start3A_425 = arith.constant 5 : i32
    %dma_start3A_426 = arith.constant 5 : i32
    %dma_start3A_427 = arith.constant 0 : i32
    %dma_start3A_428 = arith.constant 0 : i32
    %dma_start3A_429 = tpu.memref_slice %arg7[%dma_start3A_425, %dma_start3A_427, %dma_start3A_428] : memref<6x128x128xf32, #tpu.memory_space<vmem>> -> memref<1x128x128xf32, #tpu.memory_space<vmem>>
    %dma_start3A_430 = tpu.memref_squeeze %dma_start3A_429 : memref<1x128x128xf32, #tpu.memory_space<vmem>> -> memref<128x128xf32, #tpu.memory_space<vmem>>
    %dma_start3A_431 = arith.constant 0 : i32
    %dma_start3A_432 = tpu.memref_slice %arg6[%dma_start3A_424, %dma_start3A_431] : memref<16x128xi32, #tpu.memory_space<vmem>> -> memref<1x128xi32, #tpu.memory_space<vmem>>
    %dma_start3A_433 = tpu.memref_squeeze %dma_start3A_432 : memref<1x128xi32, #tpu.memory_space<vmem>> -> memref<128xi32, #tpu.memory_space<vmem>>
    %dma_start3A_434 = arith.constant 0 : i32
    %dma_start3A_435 = arith.constant 0 : i32
    %dma_start3A_436 = tpu.memref_slice %arg3[%dma_start3A_434, %dma_start3A_435] : memref<100000x128xf32, #tpu.memory_space<hbm>> -> memref<100000x128xf32, #tpu.memory_space<hbm>>
    %dma_start3A_437 = tpu.memref_slice %arg10[%dma_start3A_426] : memref<6x!tpu.dma_semaphore, #tpu.memory_space<semaphore_mem>> -> memref<1x!tpu.dma_semaphore, #tpu.memory_space<semaphore_mem>>
    %dma_start3A_438 = tpu.memref_squeeze %dma_start3A_437 : memref<1x!tpu.dma_semaphore, #tpu.memory_space<semaphore_mem>> -> memref<!tpu.dma_semaphore, #tpu.memory_space<semaphore_mem>>
    tpu.enqueue_indirect_dma source(%dma_start3A_436 : memref<100000x128xf32, #tpu.memory_space<hbm>>) target(%dma_start3A_430 : memref<128x128xf32, #tpu.memory_space<vmem>>) offsets(%dma_start3A_433 : memref<128xi32, #tpu.memory_space<vmem>>) semaphore(%dma_start3A_438 : memref<!tpu.dma_semaphore, #tpu.memory_space<semaphore_mem>>) {add = true}
    %dma_wait3A_439 = arith.constant 2 : i32
    %dma_wait3A_440 = arith.constant 2 : i32
    %dma_wait3A_441 = arith.constant 2 : i32
    %dma_wait3A_442 = arith.constant 0 : i32
    %dma_wait3A_443 = arith.constant 0 : i32
    %dma_wait3A_444 = tpu.memref_slice %arg7[%dma_wait3A_440, %dma_wait3A_442, %dma_wait3A_443] : memref<6x128x128xf32, #tpu.memory_space<vmem>> -> memref<1x128x128xf32, #tpu.memory_space<vmem>>
    %dma_wait3A_445 = tpu.memref_squeeze %dma_wait3A_444 : memref<1x128x128xf32, #tpu.memory_space<vmem>> -> memref<128x128xf32, #tpu.memory_space<vmem>>
    %dma_wait3A_446 = arith.constant 0 : i32
    %dma_wait3A_447 = tpu.memref_slice %arg6[%dma_wait3A_439, %dma_wait3A_446] : memref<16x128xi32, #tpu.memory_space<vmem>> -> memref<1x128xi32, #tpu.memory_space<vmem>>
    %dma_wait3A_448 = tpu.memref_squeeze %dma_wait3A_447 : memref<1x128xi32, #tpu.memory_space<vmem>> -> memref<128xi32, #tpu.memory_space<vmem>>
    %dma_wait3A_449 = arith.constant 0 : i32
    %dma_wait3A_450 = arith.constant 0 : i32
    %dma_wait3A_451 = tpu.memref_slice %arg3[%dma_wait3A_449, %dma_wait3A_450] : memref<100000x128xf32, #tpu.memory_space<hbm>> -> memref<100000x128xf32, #tpu.memory_space<hbm>>
    %dma_wait3A_452 = tpu.memref_slice %arg10[%dma_wait3A_441] : memref<6x!tpu.dma_semaphore, #tpu.memory_space<semaphore_mem>> -> memref<1x!tpu.dma_semaphore, #tpu.memory_space<semaphore_mem>>
    %dma_wait3A_453 = tpu.memref_squeeze %dma_wait3A_452 : memref<1x!tpu.dma_semaphore, #tpu.memory_space<semaphore_mem>> -> memref<!tpu.dma_semaphore, #tpu.memory_space<semaphore_mem>>
    tpu.wait_indirect_dma semaphore(%dma_wait3A_453 : memref<!tpu.dma_semaphore, #tpu.memory_space<semaphore_mem>>) src(%dma_wait3A_451 : memref<100000x128xf32, #tpu.memory_space<hbm>>) dst(%dma_wait3A_445 : memref<128x128xf32, #tpu.memory_space<vmem>>)
    %add3A_454 = arith.constant 2 : i32
    %add3A_455 = arith.addi %mul3A_2, %add3A_454 : i32
    %dma_start3A_456 = arith.constant 2 : i32
    %dma_start3A_457 = arith.constant 2 : i32
    %dma_start3A_458 = arith.constant 0 : i32
    %dma_start3A_459 = arith.constant 0 : i32
    %dma_start3A_460 = tpu.memref_slice %arg7[%dma_start3A_456, %dma_start3A_458, %dma_start3A_459] : memref<6x128x128xf32, #tpu.memory_space<vmem>> -> memref<1x128x128xf32, #tpu.memory_space<vmem>>
    %dma_start3A_461 = tpu.memref_squeeze %dma_start3A_460 : memref<1x128x128xf32, #tpu.memory_space<vmem>> -> memref<128x128xf32, #tpu.memory_space<vmem>>
    %dma_start3A_462 = arith.constant 0 : i32
    %dma_start3A_463 = tpu.memref_slice %arg5[%add3A_455, %mul3A_0, %dma_start3A_462] : memref<32x2048x128xf32, #tpu.memory_space<hbm>> -> memref<1x128x128xf32, #tpu.memory_space<hbm>>
    %dma_start3A_464 = tpu.memref_squeeze %dma_start3A_463 : memref<1x128x128xf32, #tpu.memory_space<hbm>> -> memref<128x128xf32, #tpu.memory_space<hbm>>
    %dma_start3A_465 = tpu.memref_slice %arg11[%dma_start3A_457] : memref<6x!tpu.dma_semaphore, #tpu.memory_space<semaphore_mem>> -> memref<1x!tpu.dma_semaphore, #tpu.memory_space<semaphore_mem>>
    %dma_start3A_466 = tpu.memref_squeeze %dma_start3A_465 : memref<1x!tpu.dma_semaphore, #tpu.memory_space<semaphore_mem>> -> memref<!tpu.dma_semaphore, #tpu.memory_space<semaphore_mem>>
    %dma_start3A_467 = arith.constant 0 : i32
    %dma_start3A_468 = tpu.memref_slice %arg5[%add3A_455, %mul3A_0, %dma_start3A_467] : memref<32x2048x128xf32, #tpu.memory_space<hbm>> -> memref<1x128x128xf32, #tpu.memory_space<hbm>>
    %dma_start3A_469 = tpu.memref_squeeze %dma_start3A_468 : memref<1x128x128xf32, #tpu.memory_space<hbm>> -> memref<128x128xf32, #tpu.memory_space<hbm>>
    %dma_start3A_470 = arith.constant 0 : i32
    %dma_start3A_471 = arith.constant 0 : i32
    %dma_start3A_472 = tpu.memref_slice %arg7[%dma_start3A_456, %dma_start3A_470, %dma_start3A_471] : memref<6x128x128xf32, #tpu.memory_space<vmem>> -> memref<1x128x128xf32, #tpu.memory_space<vmem>>
    %dma_start3A_473 = tpu.memref_squeeze %dma_start3A_472 : memref<1x128x128xf32, #tpu.memory_space<vmem>> -> memref<128x128xf32, #tpu.memory_space<vmem>>
    tpu.enqueue_dma source(%dma_start3A_473 : memref<128x128xf32, #tpu.memory_space<vmem>>) target(%dma_start3A_469 : memref<128x128xf32, #tpu.memory_space<hbm>>) target_semaphore(%dma_start3A_466 : memref<!tpu.dma_semaphore, #tpu.memory_space<semaphore_mem>>)
    %dma_wait3A_474 = arith.constant 1 : i32
    %dma_wait3A_475 = arith.constant 1 : i32
    %dma_wait3A_476 = arith.constant 0 : i32
    %dma_wait3A_477 = arith.constant 0 : i32
    %dma_wait3A_478 = tpu.memref_slice %arg7[%dma_wait3A_474, %dma_wait3A_476, %dma_wait3A_477] : memref<6x128x128xf32, #tpu.memory_space<vmem>> -> memref<1x128x128xf32, #tpu.memory_space<vmem>>
    %dma_wait3A_479 = tpu.memref_squeeze %dma_wait3A_478 : memref<1x128x128xf32, #tpu.memory_space<vmem>> -> memref<128x128xf32, #tpu.memory_space<vmem>>
    %dma_wait3A_480 = arith.constant 0 : i32
    %dma_wait3A_481 = tpu.memref_slice %arg5[%add3A_347, %mul3A_0, %dma_wait3A_480] : memref<32x2048x128xf32, #tpu.memory_space<hbm>> -> memref<1x128x128xf32, #tpu.memory_space<hbm>>
    %dma_wait3A_482 = tpu.memref_squeeze %dma_wait3A_481 : memref<1x128x128xf32, #tpu.memory_space<hbm>> -> memref<128x128xf32, #tpu.memory_space<hbm>>
    %dma_wait3A_483 = tpu.memref_slice %arg11[%dma_wait3A_475] : memref<6x!tpu.dma_semaphore, #tpu.memory_space<semaphore_mem>> -> memref<1x!tpu.dma_semaphore, #tpu.memory_space<semaphore_mem>>
    %dma_wait3A_484 = tpu.memref_squeeze %dma_wait3A_483 : memref<1x!tpu.dma_semaphore, #tpu.memory_space<semaphore_mem>> -> memref<!tpu.dma_semaphore, #tpu.memory_space<semaphore_mem>>
    %dma_wait3A_485 = arith.constant 0 : i32
    %dma_wait3A_486 = tpu.memref_slice %arg5[%add3A_347, %mul3A_0, %dma_wait3A_485] : memref<32x2048x128xf32, #tpu.memory_space<hbm>> -> memref<1x128x128xf32, #tpu.memory_space<hbm>>
    %dma_wait3A_487 = tpu.memref_squeeze %dma_wait3A_486 : memref<1x128x128xf32, #tpu.memory_space<hbm>> -> memref<128x128xf32, #tpu.memory_space<hbm>>
    %dma_wait3A_488 = arith.constant 0 : i32
    %dma_wait3A_489 = arith.constant 0 : i32
    %dma_wait3A_490 = tpu.memref_slice %arg7[%dma_wait3A_474, %dma_wait3A_488, %dma_wait3A_489] : memref<6x128x128xf32, #tpu.memory_space<vmem>> -> memref<1x128x128xf32, #tpu.memory_space<vmem>>
    %dma_wait3A_491 = tpu.memref_squeeze %dma_wait3A_490 : memref<1x128x128xf32, #tpu.memory_space<vmem>> -> memref<128x128xf32, #tpu.memory_space<vmem>>
    tpu.wait_dma2 semaphore(%dma_wait3A_484 : memref<!tpu.dma_semaphore, #tpu.memory_space<semaphore_mem>>) src(%dma_wait3A_491 : memref<128x128xf32, #tpu.memory_space<vmem>>) dst(%dma_wait3A_487 : memref<128x128xf32, #tpu.memory_space<hbm>>)
    %dma_start3A_492 = arith.constant 1 : i32
    %dma_start3A_493 = arith.constant 1 : i32
    %dma_start3A_494 = arith.constant 0 : i32
    %dma_start3A_495 = arith.constant 0 : i32
    %dma_start3A_496 = tpu.memref_slice %arg7[%dma_start3A_492, %dma_start3A_494, %dma_start3A_495] : memref<6x128x128xf32, #tpu.memory_space<vmem>> -> memref<1x128x128xf32, #tpu.memory_space<vmem>>
    %dma_start3A_497 = tpu.memref_squeeze %dma_start3A_496 : memref<1x128x128xf32, #tpu.memory_space<vmem>> -> memref<128x128xf32, #tpu.memory_space<vmem>>
    %dma_start3A_498 = arith.constant 0 : i32
    %dma_start3A_499 = arith.constant 0 : i32
    %dma_start3A_500 = tpu.memref_slice %arg8[%arg1, %dma_start3A_498, %dma_start3A_499] : memref<16x128x128xf32, #tpu.memory_space<vmem_shared>> -> memref<1x128x128xf32, #tpu.memory_space<vmem_shared>>
    %dma_start3A_501 = tpu.memref_squeeze %dma_start3A_500 : memref<1x128x128xf32, #tpu.memory_space<vmem_shared>> -> memref<128x128xf32, #tpu.memory_space<vmem_shared>>
    %dma_start3A_502 = tpu.memref_slice %arg9[%dma_start3A_493] : memref<6x!tpu.dma_semaphore, #tpu.memory_space<semaphore_mem>> -> memref<1x!tpu.dma_semaphore, #tpu.memory_space<semaphore_mem>>
    %dma_start3A_503 = tpu.memref_squeeze %dma_start3A_502 : memref<1x!tpu.dma_semaphore, #tpu.memory_space<semaphore_mem>> -> memref<!tpu.dma_semaphore, #tpu.memory_space<semaphore_mem>>
    %dma_start3A_504 = arith.constant 0 : i32
    %dma_start3A_505 = arith.constant 0 : i32
    %dma_start3A_506 = tpu.memref_slice %arg7[%dma_start3A_492, %dma_start3A_504, %dma_start3A_505] : memref<6x128x128xf32, #tpu.memory_space<vmem>> -> memref<1x128x128xf32, #tpu.memory_space<vmem>>
    %dma_start3A_507 = tpu.memref_squeeze %dma_start3A_506 : memref<1x128x128xf32, #tpu.memory_space<vmem>> -> memref<128x128xf32, #tpu.memory_space<vmem>>
    %dma_start3A_508 = arith.constant 0 : i32
    %dma_start3A_509 = arith.constant 0 : i32
    %dma_start3A_510 = tpu.memref_slice %arg8[%arg1, %dma_start3A_508, %dma_start3A_509] : memref<16x128x128xf32, #tpu.memory_space<vmem_shared>> -> memref<1x128x128xf32, #tpu.memory_space<vmem_shared>>
    %dma_start3A_511 = tpu.memref_squeeze %dma_start3A_510 : memref<1x128x128xf32, #tpu.memory_space<vmem_shared>> -> memref<128x128xf32, #tpu.memory_space<vmem_shared>>
    tpu.enqueue_dma source(%dma_start3A_511 : memref<128x128xf32, #tpu.memory_space<vmem_shared>>) target(%dma_start3A_507 : memref<128x128xf32, #tpu.memory_space<vmem>>) target_semaphore(%dma_start3A_503 : memref<!tpu.dma_semaphore, #tpu.memory_space<semaphore_mem>>)
    %dma_wait3A_512 = arith.constant 0 : i32
    %dma_wait3A_513 = arith.constant 0 : i32
    %dma_wait3A_514 = arith.constant 0 : i32
    %dma_wait3A_515 = arith.constant 0 : i32
    %dma_wait3A_516 = tpu.memref_slice %arg7[%dma_wait3A_512, %dma_wait3A_514, %dma_wait3A_515] : memref<6x128x128xf32, #tpu.memory_space<vmem>> -> memref<1x128x128xf32, #tpu.memory_space<vmem>>
    %dma_wait3A_517 = tpu.memref_squeeze %dma_wait3A_516 : memref<1x128x128xf32, #tpu.memory_space<vmem>> -> memref<128x128xf32, #tpu.memory_space<vmem>>
    %dma_wait3A_518 = arith.constant 0 : i32
    %dma_wait3A_519 = arith.constant 0 : i32
    %dma_wait3A_520 = tpu.memref_slice %arg8[%arg1, %dma_wait3A_518, %dma_wait3A_519] : memref<16x128x128xf32, #tpu.memory_space<vmem_shared>> -> memref<1x128x128xf32, #tpu.memory_space<vmem_shared>>
    %dma_wait3A_521 = tpu.memref_squeeze %dma_wait3A_520 : memref<1x128x128xf32, #tpu.memory_space<vmem_shared>> -> memref<128x128xf32, #tpu.memory_space<vmem_shared>>
    %dma_wait3A_522 = tpu.memref_slice %arg9[%dma_wait3A_513] : memref<6x!tpu.dma_semaphore, #tpu.memory_space<semaphore_mem>> -> memref<1x!tpu.dma_semaphore, #tpu.memory_space<semaphore_mem>>
    %dma_wait3A_523 = tpu.memref_squeeze %dma_wait3A_522 : memref<1x!tpu.dma_semaphore, #tpu.memory_space<semaphore_mem>> -> memref<!tpu.dma_semaphore, #tpu.memory_space<semaphore_mem>>
    %dma_wait3A_524 = arith.constant 0 : i32
    %dma_wait3A_525 = arith.constant 0 : i32
    %dma_wait3A_526 = tpu.memref_slice %arg7[%dma_wait3A_512, %dma_wait3A_524, %dma_wait3A_525] : memref<6x128x128xf32, #tpu.memory_space<vmem>> -> memref<1x128x128xf32, #tpu.memory_space<vmem>>
    %dma_wait3A_527 = tpu.memref_squeeze %dma_wait3A_526 : memref<1x128x128xf32, #tpu.memory_space<vmem>> -> memref<128x128xf32, #tpu.memory_space<vmem>>
    %dma_wait3A_528 = arith.constant 0 : i32
    %dma_wait3A_529 = arith.constant 0 : i32
    %dma_wait3A_530 = tpu.memref_slice %arg8[%arg1, %dma_wait3A_528, %dma_wait3A_529] : memref<16x128x128xf32, #tpu.memory_space<vmem_shared>> -> memref<1x128x128xf32, #tpu.memory_space<vmem_shared>>
    %dma_wait3A_531 = tpu.memref_squeeze %dma_wait3A_530 : memref<1x128x128xf32, #tpu.memory_space<vmem_shared>> -> memref<128x128xf32, #tpu.memory_space<vmem_shared>>
    tpu.wait_dma2 semaphore(%dma_wait3A_523 : memref<!tpu.dma_semaphore, #tpu.memory_space<semaphore_mem>>) src(%dma_wait3A_531 : memref<128x128xf32, #tpu.memory_space<vmem_shared>>) dst(%dma_wait3A_527 : memref<128x128xf32, #tpu.memory_space<vmem>>)
    %dma_start3A_532 = arith.constant 6 : i32
    %dma_start3A_533 = arith.constant 0 : i32
    %dma_start3A_534 = arith.constant 0 : i32
    %dma_start3A_535 = arith.constant 0 : i32
    %dma_start3A_536 = arith.constant 0 : i32
    %dma_start3A_537 = tpu.memref_slice %arg7[%dma_start3A_533, %dma_start3A_535, %dma_start3A_536] : memref<6x128x128xf32, #tpu.memory_space<vmem>> -> memref<1x128x128xf32, #tpu.memory_space<vmem>>
    %dma_start3A_538 = tpu.memref_squeeze %dma_start3A_537 : memref<1x128x128xf32, #tpu.memory_space<vmem>> -> memref<128x128xf32, #tpu.memory_space<vmem>>
    %dma_start3A_539 = arith.constant 0 : i32
    %dma_start3A_540 = tpu.memref_slice %arg6[%dma_start3A_532, %dma_start3A_539] : memref<16x128xi32, #tpu.memory_space<vmem>> -> memref<1x128xi32, #tpu.memory_space<vmem>>
    %dma_start3A_541 = tpu.memref_squeeze %dma_start3A_540 : memref<1x128xi32, #tpu.memory_space<vmem>> -> memref<128xi32, #tpu.memory_space<vmem>>
    %dma_start3A_542 = arith.constant 0 : i32
    %dma_start3A_543 = arith.constant 0 : i32
    %dma_start3A_544 = tpu.memref_slice %arg3[%dma_start3A_542, %dma_start3A_543] : memref<100000x128xf32, #tpu.memory_space<hbm>> -> memref<100000x128xf32, #tpu.memory_space<hbm>>
    %dma_start3A_545 = tpu.memref_slice %arg10[%dma_start3A_534] : memref<6x!tpu.dma_semaphore, #tpu.memory_space<semaphore_mem>> -> memref<1x!tpu.dma_semaphore, #tpu.memory_space<semaphore_mem>>
    %dma_start3A_546 = tpu.memref_squeeze %dma_start3A_545 : memref<1x!tpu.dma_semaphore, #tpu.memory_space<semaphore_mem>> -> memref<!tpu.dma_semaphore, #tpu.memory_space<semaphore_mem>>
    tpu.enqueue_indirect_dma source(%dma_start3A_544 : memref<100000x128xf32, #tpu.memory_space<hbm>>) target(%dma_start3A_538 : memref<128x128xf32, #tpu.memory_space<vmem>>) offsets(%dma_start3A_541 : memref<128xi32, #tpu.memory_space<vmem>>) semaphore(%dma_start3A_546 : memref<!tpu.dma_semaphore, #tpu.memory_space<semaphore_mem>>) {add = true}
    %dma_wait3A_547 = arith.constant 3 : i32
    %dma_wait3A_548 = arith.constant 3 : i32
    %dma_wait3A_549 = arith.constant 3 : i32
    %dma_wait3A_550 = arith.constant 0 : i32
    %dma_wait3A_551 = arith.constant 0 : i32
    %dma_wait3A_552 = tpu.memref_slice %arg7[%dma_wait3A_548, %dma_wait3A_550, %dma_wait3A_551] : memref<6x128x128xf32, #tpu.memory_space<vmem>> -> memref<1x128x128xf32, #tpu.memory_space<vmem>>
    %dma_wait3A_553 = tpu.memref_squeeze %dma_wait3A_552 : memref<1x128x128xf32, #tpu.memory_space<vmem>> -> memref<128x128xf32, #tpu.memory_space<vmem>>
    %dma_wait3A_554 = arith.constant 0 : i32
    %dma_wait3A_555 = tpu.memref_slice %arg6[%dma_wait3A_547, %dma_wait3A_554] : memref<16x128xi32, #tpu.memory_space<vmem>> -> memref<1x128xi32, #tpu.memory_space<vmem>>
    %dma_wait3A_556 = tpu.memref_squeeze %dma_wait3A_555 : memref<1x128xi32, #tpu.memory_space<vmem>> -> memref<128xi32, #tpu.memory_space<vmem>>
    %dma_wait3A_557 = arith.constant 0 : i32
    %dma_wait3A_558 = arith.constant 0 : i32
    %dma_wait3A_559 = tpu.memref_slice %arg3[%dma_wait3A_557, %dma_wait3A_558] : memref<100000x128xf32, #tpu.memory_space<hbm>> -> memref<100000x128xf32, #tpu.memory_space<hbm>>
    %dma_wait3A_560 = tpu.memref_slice %arg10[%dma_wait3A_549] : memref<6x!tpu.dma_semaphore, #tpu.memory_space<semaphore_mem>> -> memref<1x!tpu.dma_semaphore, #tpu.memory_space<semaphore_mem>>
    %dma_wait3A_561 = tpu.memref_squeeze %dma_wait3A_560 : memref<1x!tpu.dma_semaphore, #tpu.memory_space<semaphore_mem>> -> memref<!tpu.dma_semaphore, #tpu.memory_space<semaphore_mem>>
    tpu.wait_indirect_dma semaphore(%dma_wait3A_561 : memref<!tpu.dma_semaphore, #tpu.memory_space<semaphore_mem>>) src(%dma_wait3A_559 : memref<100000x128xf32, #tpu.memory_space<hbm>>) dst(%dma_wait3A_553 : memref<128x128xf32, #tpu.memory_space<vmem>>)
    %add3A_562 = arith.constant 3 : i32
    %add3A_563 = arith.addi %mul3A_2, %add3A_562 : i32
    %dma_start3A_564 = arith.constant 3 : i32
    %dma_start3A_565 = arith.constant 3 : i32
    %dma_start3A_566 = arith.constant 0 : i32
    %dma_start3A_567 = arith.constant 0 : i32
    %dma_start3A_568 = tpu.memref_slice %arg7[%dma_start3A_564, %dma_start3A_566, %dma_start3A_567] : memref<6x128x128xf32, #tpu.memory_space<vmem>> -> memref<1x128x128xf32, #tpu.memory_space<vmem>>
    %dma_start3A_569 = tpu.memref_squeeze %dma_start3A_568 : memref<1x128x128xf32, #tpu.memory_space<vmem>> -> memref<128x128xf32, #tpu.memory_space<vmem>>
    %dma_start3A_570 = arith.constant 0 : i32
    %dma_start3A_571 = tpu.memref_slice %arg5[%add3A_563, %mul3A_0, %dma_start3A_570] : memref<32x2048x128xf32, #tpu.memory_space<hbm>> -> memref<1x128x128xf32, #tpu.memory_space<hbm>>
    %dma_start3A_572 = tpu.memref_squeeze %dma_start3A_571 : memref<1x128x128xf32, #tpu.memory_space<hbm>> -> memref<128x128xf32, #tpu.memory_space<hbm>>
    %dma_start3A_573 = tpu.memref_slice %arg11[%dma_start3A_565] : memref<6x!tpu.dma_semaphore, #tpu.memory_space<semaphore_mem>> -> memref<1x!tpu.dma_semaphore, #tpu.memory_space<semaphore_mem>>
    %dma_start3A_574 = tpu.memref_squeeze %dma_start3A_573 : memref<1x!tpu.dma_semaphore, #tpu.memory_space<semaphore_mem>> -> memref<!tpu.dma_semaphore, #tpu.memory_space<semaphore_mem>>
    %dma_start3A_575 = arith.constant 0 : i32
    %dma_start3A_576 = tpu.memref_slice %arg5[%add3A_563, %mul3A_0, %dma_start3A_575] : memref<32x2048x128xf32, #tpu.memory_space<hbm>> -> memref<1x128x128xf32, #tpu.memory_space<hbm>>
    %dma_start3A_577 = tpu.memref_squeeze %dma_start3A_576 : memref<1x128x128xf32, #tpu.memory_space<hbm>> -> memref<128x128xf32, #tpu.memory_space<hbm>>
    %dma_start3A_578 = arith.constant 0 : i32
    %dma_start3A_579 = arith.constant 0 : i32
    %dma_start3A_580 = tpu.memref_slice %arg7[%dma_start3A_564, %dma_start3A_578, %dma_start3A_579] : memref<6x128x128xf32, #tpu.memory_space<vmem>> -> memref<1x128x128xf32, #tpu.memory_space<vmem>>
    %dma_start3A_581 = tpu.memref_squeeze %dma_start3A_580 : memref<1x128x128xf32, #tpu.memory_space<vmem>> -> memref<128x128xf32, #tpu.memory_space<vmem>>
    tpu.enqueue_dma source(%dma_start3A_581 : memref<128x128xf32, #tpu.memory_space<vmem>>) target(%dma_start3A_577 : memref<128x128xf32, #tpu.memory_space<hbm>>) target_semaphore(%dma_start3A_574 : memref<!tpu.dma_semaphore, #tpu.memory_space<semaphore_mem>>)
    %dma_wait3A_582 = arith.constant 2 : i32
    %dma_wait3A_583 = arith.constant 2 : i32
    %dma_wait3A_584 = arith.constant 0 : i32
    %dma_wait3A_585 = arith.constant 0 : i32
    %dma_wait3A_586 = tpu.memref_slice %arg7[%dma_wait3A_582, %dma_wait3A_584, %dma_wait3A_585] : memref<6x128x128xf32, #tpu.memory_space<vmem>> -> memref<1x128x128xf32, #tpu.memory_space<vmem>>
    %dma_wait3A_587 = tpu.memref_squeeze %dma_wait3A_586 : memref<1x128x128xf32, #tpu.memory_space<vmem>> -> memref<128x128xf32, #tpu.memory_space<vmem>>
    %dma_wait3A_588 = arith.constant 0 : i32
    %dma_wait3A_589 = tpu.memref_slice %arg5[%add3A_455, %mul3A_0, %dma_wait3A_588] : memref<32x2048x128xf32, #tpu.memory_space<hbm>> -> memref<1x128x128xf32, #tpu.memory_space<hbm>>
    %dma_wait3A_590 = tpu.memref_squeeze %dma_wait3A_589 : memref<1x128x128xf32, #tpu.memory_space<hbm>> -> memref<128x128xf32, #tpu.memory_space<hbm>>
    %dma_wait3A_591 = tpu.memref_slice %arg11[%dma_wait3A_583] : memref<6x!tpu.dma_semaphore, #tpu.memory_space<semaphore_mem>> -> memref<1x!tpu.dma_semaphore, #tpu.memory_space<semaphore_mem>>
    %dma_wait3A_592 = tpu.memref_squeeze %dma_wait3A_591 : memref<1x!tpu.dma_semaphore, #tpu.memory_space<semaphore_mem>> -> memref<!tpu.dma_semaphore, #tpu.memory_space<semaphore_mem>>
    %dma_wait3A_593 = arith.constant 0 : i32
    %dma_wait3A_594 = tpu.memref_slice %arg5[%add3A_455, %mul3A_0, %dma_wait3A_593] : memref<32x2048x128xf32, #tpu.memory_space<hbm>> -> memref<1x128x128xf32, #tpu.memory_space<hbm>>
    %dma_wait3A_595 = tpu.memref_squeeze %dma_wait3A_594 : memref<1x128x128xf32, #tpu.memory_space<hbm>> -> memref<128x128xf32, #tpu.memory_space<hbm>>
    %dma_wait3A_596 = arith.constant 0 : i32
    %dma_wait3A_597 = arith.constant 0 : i32
    %dma_wait3A_598 = tpu.memref_slice %arg7[%dma_wait3A_582, %dma_wait3A_596, %dma_wait3A_597] : memref<6x128x128xf32, #tpu.memory_space<vmem>> -> memref<1x128x128xf32, #tpu.memory_space<vmem>>
    %dma_wait3A_599 = tpu.memref_squeeze %dma_wait3A_598 : memref<1x128x128xf32, #tpu.memory_space<vmem>> -> memref<128x128xf32, #tpu.memory_space<vmem>>
    tpu.wait_dma2 semaphore(%dma_wait3A_592 : memref<!tpu.dma_semaphore, #tpu.memory_space<semaphore_mem>>) src(%dma_wait3A_599 : memref<128x128xf32, #tpu.memory_space<vmem>>) dst(%dma_wait3A_595 : memref<128x128xf32, #tpu.memory_space<hbm>>)
    %dma_start3A_600 = arith.constant 2 : i32
    %dma_start3A_601 = arith.constant 2 : i32
    %dma_start3A_602 = arith.constant 0 : i32
    %dma_start3A_603 = arith.constant 0 : i32
    %dma_start3A_604 = tpu.memref_slice %arg7[%dma_start3A_600, %dma_start3A_602, %dma_start3A_603] : memref<6x128x128xf32, #tpu.memory_space<vmem>> -> memref<1x128x128xf32, #tpu.memory_space<vmem>>
    %dma_start3A_605 = tpu.memref_squeeze %dma_start3A_604 : memref<1x128x128xf32, #tpu.memory_space<vmem>> -> memref<128x128xf32, #tpu.memory_space<vmem>>
    %dma_start3A_606 = arith.constant 0 : i32
    %dma_start3A_607 = arith.constant 0 : i32
    %dma_start3A_608 = tpu.memref_slice %arg8[%arg1, %dma_start3A_606, %dma_start3A_607] : memref<16x128x128xf32, #tpu.memory_space<vmem_shared>> -> memref<1x128x128xf32, #tpu.memory_space<vmem_shared>>
    %dma_start3A_609 = tpu.memref_squeeze %dma_start3A_608 : memref<1x128x128xf32, #tpu.memory_space<vmem_shared>> -> memref<128x128xf32, #tpu.memory_space<vmem_shared>>
    %dma_start3A_610 = tpu.memref_slice %arg9[%dma_start3A_601] : memref<6x!tpu.dma_semaphore, #tpu.memory_space<semaphore_mem>> -> memref<1x!tpu.dma_semaphore, #tpu.memory_space<semaphore_mem>>
    %dma_start3A_611 = tpu.memref_squeeze %dma_start3A_610 : memref<1x!tpu.dma_semaphore, #tpu.memory_space<semaphore_mem>> -> memref<!tpu.dma_semaphore, #tpu.memory_space<semaphore_mem>>
    %dma_start3A_612 = arith.constant 0 : i32
    %dma_start3A_613 = arith.constant 0 : i32
    %dma_start3A_614 = tpu.memref_slice %arg7[%dma_start3A_600, %dma_start3A_612, %dma_start3A_613] : memref<6x128x128xf32, #tpu.memory_space<vmem>> -> memref<1x128x128xf32, #tpu.memory_space<vmem>>
    %dma_start3A_615 = tpu.memref_squeeze %dma_start3A_614 : memref<1x128x128xf32, #tpu.memory_space<vmem>> -> memref<128x128xf32, #tpu.memory_space<vmem>>
    %dma_start3A_616 = arith.constant 0 : i32
    %dma_start3A_617 = arith.constant 0 : i32
    %dma_start3A_618 = tpu.memref_slice %arg8[%arg1, %dma_start3A_616, %dma_start3A_617] : memref<16x128x128xf32, #tpu.memory_space<vmem_shared>> -> memref<1x128x128xf32, #tpu.memory_space<vmem_shared>>
    %dma_start3A_619 = tpu.memref_squeeze %dma_start3A_618 : memref<1x128x128xf32, #tpu.memory_space<vmem_shared>> -> memref<128x128xf32, #tpu.memory_space<vmem_shared>>
    tpu.enqueue_dma source(%dma_start3A_619 : memref<128x128xf32, #tpu.memory_space<vmem_shared>>) target(%dma_start3A_615 : memref<128x128xf32, #tpu.memory_space<vmem>>) target_semaphore(%dma_start3A_611 : memref<!tpu.dma_semaphore, #tpu.memory_space<semaphore_mem>>)
    %dma_wait3A_620 = arith.constant 1 : i32
    %dma_wait3A_621 = arith.constant 1 : i32
    %dma_wait3A_622 = arith.constant 0 : i32
    %dma_wait3A_623 = arith.constant 0 : i32
    %dma_wait3A_624 = tpu.memref_slice %arg7[%dma_wait3A_620, %dma_wait3A_622, %dma_wait3A_623] : memref<6x128x128xf32, #tpu.memory_space<vmem>> -> memref<1x128x128xf32, #tpu.memory_space<vmem>>
    %dma_wait3A_625 = tpu.memref_squeeze %dma_wait3A_624 : memref<1x128x128xf32, #tpu.memory_space<vmem>> -> memref<128x128xf32, #tpu.memory_space<vmem>>
    %dma_wait3A_626 = arith.constant 0 : i32
    %dma_wait3A_627 = arith.constant 0 : i32
    %dma_wait3A_628 = tpu.memref_slice %arg8[%arg1, %dma_wait3A_626, %dma_wait3A_627] : memref<16x128x128xf32, #tpu.memory_space<vmem_shared>> -> memref<1x128x128xf32, #tpu.memory_space<vmem_shared>>
    %dma_wait3A_629 = tpu.memref_squeeze %dma_wait3A_628 : memref<1x128x128xf32, #tpu.memory_space<vmem_shared>> -> memref<128x128xf32, #tpu.memory_space<vmem_shared>>
    %dma_wait3A_630 = tpu.memref_slice %arg9[%dma_wait3A_621] : memref<6x!tpu.dma_semaphore, #tpu.memory_space<semaphore_mem>> -> memref<1x!tpu.dma_semaphore, #tpu.memory_space<semaphore_mem>>
    %dma_wait3A_631 = tpu.memref_squeeze %dma_wait3A_630 : memref<1x!tpu.dma_semaphore, #tpu.memory_space<semaphore_mem>> -> memref<!tpu.dma_semaphore, #tpu.memory_space<semaphore_mem>>
    %dma_wait3A_632 = arith.constant 0 : i32
    %dma_wait3A_633 = arith.constant 0 : i32
    %dma_wait3A_634 = tpu.memref_slice %arg7[%dma_wait3A_620, %dma_wait3A_632, %dma_wait3A_633] : memref<6x128x128xf32, #tpu.memory_space<vmem>> -> memref<1x128x128xf32, #tpu.memory_space<vmem>>
    %dma_wait3A_635 = tpu.memref_squeeze %dma_wait3A_634 : memref<1x128x128xf32, #tpu.memory_space<vmem>> -> memref<128x128xf32, #tpu.memory_space<vmem>>
    %dma_wait3A_636 = arith.constant 0 : i32
    %dma_wait3A_637 = arith.constant 0 : i32
    %dma_wait3A_638 = tpu.memref_slice %arg8[%arg1, %dma_wait3A_636, %dma_wait3A_637] : memref<16x128x128xf32, #tpu.memory_space<vmem_shared>> -> memref<1x128x128xf32, #tpu.memory_space<vmem_shared>>
    %dma_wait3A_639 = tpu.memref_squeeze %dma_wait3A_638 : memref<1x128x128xf32, #tpu.memory_space<vmem_shared>> -> memref<128x128xf32, #tpu.memory_space<vmem_shared>>
    tpu.wait_dma2 semaphore(%dma_wait3A_631 : memref<!tpu.dma_semaphore, #tpu.memory_space<semaphore_mem>>) src(%dma_wait3A_639 : memref<128x128xf32, #tpu.memory_space<vmem_shared>>) dst(%dma_wait3A_635 : memref<128x128xf32, #tpu.memory_space<vmem>>)
    %dma_start3A_640 = arith.constant 7 : i32
    %dma_start3A_641 = arith.constant 1 : i32
    %dma_start3A_642 = arith.constant 1 : i32
    %dma_start3A_643 = arith.constant 0 : i32
    %dma_start3A_644 = arith.constant 0 : i32
    %dma_start3A_645 = tpu.memref_slice %arg7[%dma_start3A_641, %dma_start3A_643, %dma_start3A_644] : memref<6x128x128xf32, #tpu.memory_space<vmem>> -> memref<1x128x128xf32, #tpu.memory_space<vmem>>
    %dma_start3A_646 = tpu.memref_squeeze %dma_start3A_645 : memref<1x128x128xf32, #tpu.memory_space<vmem>> -> memref<128x128xf32, #tpu.memory_space<vmem>>
    %dma_start3A_647 = arith.constant 0 : i32
    %dma_start3A_648 = tpu.memref_slice %arg6[%dma_start3A_640, %dma_start3A_647] : memref<16x128xi32, #tpu.memory_space<vmem>> -> memref<1x128xi32, #tpu.memory_space<vmem>>
    %dma_start3A_649 = tpu.memref_squeeze %dma_start3A_648 : memref<1x128xi32, #tpu.memory_space<vmem>> -> memref<128xi32, #tpu.memory_space<vmem>>
    %dma_start3A_650 = arith.constant 0 : i32
    %dma_start3A_651 = arith.constant 0 : i32
    %dma_start3A_652 = tpu.memref_slice %arg3[%dma_start3A_650, %dma_start3A_651] : memref<100000x128xf32, #tpu.memory_space<hbm>> -> memref<100000x128xf32, #tpu.memory_space<hbm>>
    %dma_start3A_653 = tpu.memref_slice %arg10[%dma_start3A_642] : memref<6x!tpu.dma_semaphore, #tpu.memory_space<semaphore_mem>> -> memref<1x!tpu.dma_semaphore, #tpu.memory_space<semaphore_mem>>
    %dma_start3A_654 = tpu.memref_squeeze %dma_start3A_653 : memref<1x!tpu.dma_semaphore, #tpu.memory_space<semaphore_mem>> -> memref<!tpu.dma_semaphore, #tpu.memory_space<semaphore_mem>>
    tpu.enqueue_indirect_dma source(%dma_start3A_652 : memref<100000x128xf32, #tpu.memory_space<hbm>>) target(%dma_start3A_646 : memref<128x128xf32, #tpu.memory_space<vmem>>) offsets(%dma_start3A_649 : memref<128xi32, #tpu.memory_space<vmem>>) semaphore(%dma_start3A_654 : memref<!tpu.dma_semaphore, #tpu.memory_space<semaphore_mem>>) {add = true}
    %dma_wait3A_655 = arith.constant 4 : i32
    %dma_wait3A_656 = arith.constant 4 : i32
    %dma_wait3A_657 = arith.constant 4 : i32
    %dma_wait3A_658 = arith.constant 0 : i32
    %dma_wait3A_659 = arith.constant 0 : i32
    %dma_wait3A_660 = tpu.memref_slice %arg7[%dma_wait3A_656, %dma_wait3A_658, %dma_wait3A_659] : memref<6x128x128xf32, #tpu.memory_space<vmem>> -> memref<1x128x128xf32, #tpu.memory_space<vmem>>
    %dma_wait3A_661 = tpu.memref_squeeze %dma_wait3A_660 : memref<1x128x128xf32, #tpu.memory_space<vmem>> -> memref<128x128xf32, #tpu.memory_space<vmem>>
    %dma_wait3A_662 = arith.constant 0 : i32
    %dma_wait3A_663 = tpu.memref_slice %arg6[%dma_wait3A_655, %dma_wait3A_662] : memref<16x128xi32, #tpu.memory_space<vmem>> -> memref<1x128xi32, #tpu.memory_space<vmem>>
    %dma_wait3A_664 = tpu.memref_squeeze %dma_wait3A_663 : memref<1x128xi32, #tpu.memory_space<vmem>> -> memref<128xi32, #tpu.memory_space<vmem>>
    %dma_wait3A_665 = arith.constant 0 : i32
    %dma_wait3A_666 = arith.constant 0 : i32
    %dma_wait3A_667 = tpu.memref_slice %arg3[%dma_wait3A_665, %dma_wait3A_666] : memref<100000x128xf32, #tpu.memory_space<hbm>> -> memref<100000x128xf32, #tpu.memory_space<hbm>>
    %dma_wait3A_668 = tpu.memref_slice %arg10[%dma_wait3A_657] : memref<6x!tpu.dma_semaphore, #tpu.memory_space<semaphore_mem>> -> memref<1x!tpu.dma_semaphore, #tpu.memory_space<semaphore_mem>>
    %dma_wait3A_669 = tpu.memref_squeeze %dma_wait3A_668 : memref<1x!tpu.dma_semaphore, #tpu.memory_space<semaphore_mem>> -> memref<!tpu.dma_semaphore, #tpu.memory_space<semaphore_mem>>
    tpu.wait_indirect_dma semaphore(%dma_wait3A_669 : memref<!tpu.dma_semaphore, #tpu.memory_space<semaphore_mem>>) src(%dma_wait3A_667 : memref<100000x128xf32, #tpu.memory_space<hbm>>) dst(%dma_wait3A_661 : memref<128x128xf32, #tpu.memory_space<vmem>>)
    %add3A_670 = arith.constant 4 : i32
    %add3A_671 = arith.addi %mul3A_2, %add3A_670 : i32
    %dma_start3A_672 = arith.constant 4 : i32
    %dma_start3A_673 = arith.constant 4 : i32
    %dma_start3A_674 = arith.constant 0 : i32
    %dma_start3A_675 = arith.constant 0 : i32
    %dma_start3A_676 = tpu.memref_slice %arg7[%dma_start3A_672, %dma_start3A_674, %dma_start3A_675] : memref<6x128x128xf32, #tpu.memory_space<vmem>> -> memref<1x128x128xf32, #tpu.memory_space<vmem>>
    %dma_start3A_677 = tpu.memref_squeeze %dma_start3A_676 : memref<1x128x128xf32, #tpu.memory_space<vmem>> -> memref<128x128xf32, #tpu.memory_space<vmem>>
    %dma_start3A_678 = arith.constant 0 : i32
    %dma_start3A_679 = tpu.memref_slice %arg5[%add3A_671, %mul3A_0, %dma_start3A_678] : memref<32x2048x128xf32, #tpu.memory_space<hbm>> -> memref<1x128x128xf32, #tpu.memory_space<hbm>>
    %dma_start3A_680 = tpu.memref_squeeze %dma_start3A_679 : memref<1x128x128xf32, #tpu.memory_space<hbm>> -> memref<128x128xf32, #tpu.memory_space<hbm>>
    %dma_start3A_681 = tpu.memref_slice %arg11[%dma_start3A_673] : memref<6x!tpu.dma_semaphore, #tpu.memory_space<semaphore_mem>> -> memref<1x!tpu.dma_semaphore, #tpu.memory_space<semaphore_mem>>
    %dma_start3A_682 = tpu.memref_squeeze %dma_start3A_681 : memref<1x!tpu.dma_semaphore, #tpu.memory_space<semaphore_mem>> -> memref<!tpu.dma_semaphore, #tpu.memory_space<semaphore_mem>>
    %dma_start3A_683 = arith.constant 0 : i32
    %dma_start3A_684 = tpu.memref_slice %arg5[%add3A_671, %mul3A_0, %dma_start3A_683] : memref<32x2048x128xf32, #tpu.memory_space<hbm>> -> memref<1x128x128xf32, #tpu.memory_space<hbm>>
    %dma_start3A_685 = tpu.memref_squeeze %dma_start3A_684 : memref<1x128x128xf32, #tpu.memory_space<hbm>> -> memref<128x128xf32, #tpu.memory_space<hbm>>
    %dma_start3A_686 = arith.constant 0 : i32
    %dma_start3A_687 = arith.constant 0 : i32
    %dma_start3A_688 = tpu.memref_slice %arg7[%dma_start3A_672, %dma_start3A_686, %dma_start3A_687] : memref<6x128x128xf32, #tpu.memory_space<vmem>> -> memref<1x128x128xf32, #tpu.memory_space<vmem>>
    %dma_start3A_689 = tpu.memref_squeeze %dma_start3A_688 : memref<1x128x128xf32, #tpu.memory_space<vmem>> -> memref<128x128xf32, #tpu.memory_space<vmem>>
    tpu.enqueue_dma source(%dma_start3A_689 : memref<128x128xf32, #tpu.memory_space<vmem>>) target(%dma_start3A_685 : memref<128x128xf32, #tpu.memory_space<hbm>>) target_semaphore(%dma_start3A_682 : memref<!tpu.dma_semaphore, #tpu.memory_space<semaphore_mem>>)
    %dma_wait3A_690 = arith.constant 3 : i32
    %dma_wait3A_691 = arith.constant 3 : i32
    %dma_wait3A_692 = arith.constant 0 : i32
    %dma_wait3A_693 = arith.constant 0 : i32
    %dma_wait3A_694 = tpu.memref_slice %arg7[%dma_wait3A_690, %dma_wait3A_692, %dma_wait3A_693] : memref<6x128x128xf32, #tpu.memory_space<vmem>> -> memref<1x128x128xf32, #tpu.memory_space<vmem>>
    %dma_wait3A_695 = tpu.memref_squeeze %dma_wait3A_694 : memref<1x128x128xf32, #tpu.memory_space<vmem>> -> memref<128x128xf32, #tpu.memory_space<vmem>>
    %dma_wait3A_696 = arith.constant 0 : i32
    %dma_wait3A_697 = tpu.memref_slice %arg5[%add3A_563, %mul3A_0, %dma_wait3A_696] : memref<32x2048x128xf32, #tpu.memory_space<hbm>> -> memref<1x128x128xf32, #tpu.memory_space<hbm>>
    %dma_wait3A_698 = tpu.memref_squeeze %dma_wait3A_697 : memref<1x128x128xf32, #tpu.memory_space<hbm>> -> memref<128x128xf32, #tpu.memory_space<hbm>>
    %dma_wait3A_699 = tpu.memref_slice %arg11[%dma_wait3A_691] : memref<6x!tpu.dma_semaphore, #tpu.memory_space<semaphore_mem>> -> memref<1x!tpu.dma_semaphore, #tpu.memory_space<semaphore_mem>>
    %dma_wait3A_700 = tpu.memref_squeeze %dma_wait3A_699 : memref<1x!tpu.dma_semaphore, #tpu.memory_space<semaphore_mem>> -> memref<!tpu.dma_semaphore, #tpu.memory_space<semaphore_mem>>
    %dma_wait3A_701 = arith.constant 0 : i32
    %dma_wait3A_702 = tpu.memref_slice %arg5[%add3A_563, %mul3A_0, %dma_wait3A_701] : memref<32x2048x128xf32, #tpu.memory_space<hbm>> -> memref<1x128x128xf32, #tpu.memory_space<hbm>>
    %dma_wait3A_703 = tpu.memref_squeeze %dma_wait3A_702 : memref<1x128x128xf32, #tpu.memory_space<hbm>> -> memref<128x128xf32, #tpu.memory_space<hbm>>
    %dma_wait3A_704 = arith.constant 0 : i32
    %dma_wait3A_705 = arith.constant 0 : i32
    %dma_wait3A_706 = tpu.memref_slice %arg7[%dma_wait3A_690, %dma_wait3A_704, %dma_wait3A_705] : memref<6x128x128xf32, #tpu.memory_space<vmem>> -> memref<1x128x128xf32, #tpu.memory_space<vmem>>
    %dma_wait3A_707 = tpu.memref_squeeze %dma_wait3A_706 : memref<1x128x128xf32, #tpu.memory_space<vmem>> -> memref<128x128xf32, #tpu.memory_space<vmem>>
    tpu.wait_dma2 semaphore(%dma_wait3A_700 : memref<!tpu.dma_semaphore, #tpu.memory_space<semaphore_mem>>) src(%dma_wait3A_707 : memref<128x128xf32, #tpu.memory_space<vmem>>) dst(%dma_wait3A_703 : memref<128x128xf32, #tpu.memory_space<hbm>>)
    %dma_start3A_708 = arith.constant 3 : i32
    %dma_start3A_709 = arith.constant 3 : i32
    %dma_start3A_710 = arith.constant 0 : i32
    %dma_start3A_711 = arith.constant 0 : i32
    %dma_start3A_712 = tpu.memref_slice %arg7[%dma_start3A_708, %dma_start3A_710, %dma_start3A_711] : memref<6x128x128xf32, #tpu.memory_space<vmem>> -> memref<1x128x128xf32, #tpu.memory_space<vmem>>
    %dma_start3A_713 = tpu.memref_squeeze %dma_start3A_712 : memref<1x128x128xf32, #tpu.memory_space<vmem>> -> memref<128x128xf32, #tpu.memory_space<vmem>>
    %dma_start3A_714 = arith.constant 0 : i32
    %dma_start3A_715 = arith.constant 0 : i32
    %dma_start3A_716 = tpu.memref_slice %arg8[%arg1, %dma_start3A_714, %dma_start3A_715] : memref<16x128x128xf32, #tpu.memory_space<vmem_shared>> -> memref<1x128x128xf32, #tpu.memory_space<vmem_shared>>
    %dma_start3A_717 = tpu.memref_squeeze %dma_start3A_716 : memref<1x128x128xf32, #tpu.memory_space<vmem_shared>> -> memref<128x128xf32, #tpu.memory_space<vmem_shared>>
    %dma_start3A_718 = tpu.memref_slice %arg9[%dma_start3A_709] : memref<6x!tpu.dma_semaphore, #tpu.memory_space<semaphore_mem>> -> memref<1x!tpu.dma_semaphore, #tpu.memory_space<semaphore_mem>>
    %dma_start3A_719 = tpu.memref_squeeze %dma_start3A_718 : memref<1x!tpu.dma_semaphore, #tpu.memory_space<semaphore_mem>> -> memref<!tpu.dma_semaphore, #tpu.memory_space<semaphore_mem>>
    %dma_start3A_720 = arith.constant 0 : i32
    %dma_start3A_721 = arith.constant 0 : i32
    %dma_start3A_722 = tpu.memref_slice %arg7[%dma_start3A_708, %dma_start3A_720, %dma_start3A_721] : memref<6x128x128xf32, #tpu.memory_space<vmem>> -> memref<1x128x128xf32, #tpu.memory_space<vmem>>
    %dma_start3A_723 = tpu.memref_squeeze %dma_start3A_722 : memref<1x128x128xf32, #tpu.memory_space<vmem>> -> memref<128x128xf32, #tpu.memory_space<vmem>>
    %dma_start3A_724 = arith.constant 0 : i32
    %dma_start3A_725 = arith.constant 0 : i32
    %dma_start3A_726 = tpu.memref_slice %arg8[%arg1, %dma_start3A_724, %dma_start3A_725] : memref<16x128x128xf32, #tpu.memory_space<vmem_shared>> -> memref<1x128x128xf32, #tpu.memory_space<vmem_shared>>
    %dma_start3A_727 = tpu.memref_squeeze %dma_start3A_726 : memref<1x128x128xf32, #tpu.memory_space<vmem_shared>> -> memref<128x128xf32, #tpu.memory_space<vmem_shared>>
    tpu.enqueue_dma source(%dma_start3A_727 : memref<128x128xf32, #tpu.memory_space<vmem_shared>>) target(%dma_start3A_723 : memref<128x128xf32, #tpu.memory_space<vmem>>) target_semaphore(%dma_start3A_719 : memref<!tpu.dma_semaphore, #tpu.memory_space<semaphore_mem>>)
    %dma_wait3A_728 = arith.constant 2 : i32
    %dma_wait3A_729 = arith.constant 2 : i32
    %dma_wait3A_730 = arith.constant 0 : i32
    %dma_wait3A_731 = arith.constant 0 : i32
    %dma_wait3A_732 = tpu.memref_slice %arg7[%dma_wait3A_728, %dma_wait3A_730, %dma_wait3A_731] : memref<6x128x128xf32, #tpu.memory_space<vmem>> -> memref<1x128x128xf32, #tpu.memory_space<vmem>>
    %dma_wait3A_733 = tpu.memref_squeeze %dma_wait3A_732 : memref<1x128x128xf32, #tpu.memory_space<vmem>> -> memref<128x128xf32, #tpu.memory_space<vmem>>
    %dma_wait3A_734 = arith.constant 0 : i32
    %dma_wait3A_735 = arith.constant 0 : i32
    %dma_wait3A_736 = tpu.memref_slice %arg8[%arg1, %dma_wait3A_734, %dma_wait3A_735] : memref<16x128x128xf32, #tpu.memory_space<vmem_shared>> -> memref<1x128x128xf32, #tpu.memory_space<vmem_shared>>
    %dma_wait3A_737 = tpu.memref_squeeze %dma_wait3A_736 : memref<1x128x128xf32, #tpu.memory_space<vmem_shared>> -> memref<128x128xf32, #tpu.memory_space<vmem_shared>>
    %dma_wait3A_738 = tpu.memref_slice %arg9[%dma_wait3A_729] : memref<6x!tpu.dma_semaphore, #tpu.memory_space<semaphore_mem>> -> memref<1x!tpu.dma_semaphore, #tpu.memory_space<semaphore_mem>>
    %dma_wait3A_739 = tpu.memref_squeeze %dma_wait3A_738 : memref<1x!tpu.dma_semaphore, #tpu.memory_space<semaphore_mem>> -> memref<!tpu.dma_semaphore, #tpu.memory_space<semaphore_mem>>
    %dma_wait3A_740 = arith.constant 0 : i32
    %dma_wait3A_741 = arith.constant 0 : i32
    %dma_wait3A_742 = tpu.memref_slice %arg7[%dma_wait3A_728, %dma_wait3A_740, %dma_wait3A_741] : memref<6x128x128xf32, #tpu.memory_space<vmem>> -> memref<1x128x128xf32, #tpu.memory_space<vmem>>
    %dma_wait3A_743 = tpu.memref_squeeze %dma_wait3A_742 : memref<1x128x128xf32, #tpu.memory_space<vmem>> -> memref<128x128xf32, #tpu.memory_space<vmem>>
    %dma_wait3A_744 = arith.constant 0 : i32
    %dma_wait3A_745 = arith.constant 0 : i32
    %dma_wait3A_746 = tpu.memref_slice %arg8[%arg1, %dma_wait3A_744, %dma_wait3A_745] : memref<16x128x128xf32, #tpu.memory_space<vmem_shared>> -> memref<1x128x128xf32, #tpu.memory_space<vmem_shared>>
    %dma_wait3A_747 = tpu.memref_squeeze %dma_wait3A_746 : memref<1x128x128xf32, #tpu.memory_space<vmem_shared>> -> memref<128x128xf32, #tpu.memory_space<vmem_shared>>
    tpu.wait_dma2 semaphore(%dma_wait3A_739 : memref<!tpu.dma_semaphore, #tpu.memory_space<semaphore_mem>>) src(%dma_wait3A_747 : memref<128x128xf32, #tpu.memory_space<vmem_shared>>) dst(%dma_wait3A_743 : memref<128x128xf32, #tpu.memory_space<vmem>>)
    %dma_start3A_748 = arith.constant 8 : i32
    %dma_start3A_749 = arith.constant 2 : i32
    %dma_start3A_750 = arith.constant 2 : i32
    %dma_start3A_751 = arith.constant 0 : i32
    %dma_start3A_752 = arith.constant 0 : i32
    %dma_start3A_753 = tpu.memref_slice %arg7[%dma_start3A_749, %dma_start3A_751, %dma_start3A_752] : memref<6x128x128xf32, #tpu.memory_space<vmem>> -> memref<1x128x128xf32, #tpu.memory_space<vmem>>
    %dma_start3A_754 = tpu.memref_squeeze %dma_start3A_753 : memref<1x128x128xf32, #tpu.memory_space<vmem>> -> memref<128x128xf32, #tpu.memory_space<vmem>>
    %dma_start3A_755 = arith.constant 0 : i32
    %dma_start3A_756 = tpu.memref_slice %arg6[%dma_start3A_748, %dma_start3A_755] : memref<16x128xi32, #tpu.memory_space<vmem>> -> memref<1x128xi32, #tpu.memory_space<vmem>>
    %dma_start3A_757 = tpu.memref_squeeze %dma_start3A_756 : memref<1x128xi32, #tpu.memory_space<vmem>> -> memref<128xi32, #tpu.memory_space<vmem>>
    %dma_start3A_758 = arith.constant 0 : i32
    %dma_start3A_759 = arith.constant 0 : i32
    %dma_start3A_760 = tpu.memref_slice %arg3[%dma_start3A_758, %dma_start3A_759] : memref<100000x128xf32, #tpu.memory_space<hbm>> -> memref<100000x128xf32, #tpu.memory_space<hbm>>
    %dma_start3A_761 = tpu.memref_slice %arg10[%dma_start3A_750] : memref<6x!tpu.dma_semaphore, #tpu.memory_space<semaphore_mem>> -> memref<1x!tpu.dma_semaphore, #tpu.memory_space<semaphore_mem>>
    %dma_start3A_762 = tpu.memref_squeeze %dma_start3A_761 : memref<1x!tpu.dma_semaphore, #tpu.memory_space<semaphore_mem>> -> memref<!tpu.dma_semaphore, #tpu.memory_space<semaphore_mem>>
    tpu.enqueue_indirect_dma source(%dma_start3A_760 : memref<100000x128xf32, #tpu.memory_space<hbm>>) target(%dma_start3A_754 : memref<128x128xf32, #tpu.memory_space<vmem>>) offsets(%dma_start3A_757 : memref<128xi32, #tpu.memory_space<vmem>>) semaphore(%dma_start3A_762 : memref<!tpu.dma_semaphore, #tpu.memory_space<semaphore_mem>>) {add = true}
    %dma_wait3A_763 = arith.constant 5 : i32
    %dma_wait3A_764 = arith.constant 5 : i32
    %dma_wait3A_765 = arith.constant 5 : i32
    %dma_wait3A_766 = arith.constant 0 : i32
    %dma_wait3A_767 = arith.constant 0 : i32
    %dma_wait3A_768 = tpu.memref_slice %arg7[%dma_wait3A_764, %dma_wait3A_766, %dma_wait3A_767] : memref<6x128x128xf32, #tpu.memory_space<vmem>> -> memref<1x128x128xf32, #tpu.memory_space<vmem>>
    %dma_wait3A_769 = tpu.memref_squeeze %dma_wait3A_768 : memref<1x128x128xf32, #tpu.memory_space<vmem>> -> memref<128x128xf32, #tpu.memory_space<vmem>>
    %dma_wait3A_770 = arith.constant 0 : i32
    %dma_wait3A_771 = tpu.memref_slice %arg6[%dma_wait3A_763, %dma_wait3A_770] : memref<16x128xi32, #tpu.memory_space<vmem>> -> memref<1x128xi32, #tpu.memory_space<vmem>>
    %dma_wait3A_772 = tpu.memref_squeeze %dma_wait3A_771 : memref<1x128xi32, #tpu.memory_space<vmem>> -> memref<128xi32, #tpu.memory_space<vmem>>
    %dma_wait3A_773 = arith.constant 0 : i32
    %dma_wait3A_774 = arith.constant 0 : i32
    %dma_wait3A_775 = tpu.memref_slice %arg3[%dma_wait3A_773, %dma_wait3A_774] : memref<100000x128xf32, #tpu.memory_space<hbm>> -> memref<100000x128xf32, #tpu.memory_space<hbm>>
    %dma_wait3A_776 = tpu.memref_slice %arg10[%dma_wait3A_765] : memref<6x!tpu.dma_semaphore, #tpu.memory_space<semaphore_mem>> -> memref<1x!tpu.dma_semaphore, #tpu.memory_space<semaphore_mem>>
    %dma_wait3A_777 = tpu.memref_squeeze %dma_wait3A_776 : memref<1x!tpu.dma_semaphore, #tpu.memory_space<semaphore_mem>> -> memref<!tpu.dma_semaphore, #tpu.memory_space<semaphore_mem>>
    tpu.wait_indirect_dma semaphore(%dma_wait3A_777 : memref<!tpu.dma_semaphore, #tpu.memory_space<semaphore_mem>>) src(%dma_wait3A_775 : memref<100000x128xf32, #tpu.memory_space<hbm>>) dst(%dma_wait3A_769 : memref<128x128xf32, #tpu.memory_space<vmem>>)
    %add3A_778 = arith.constant 5 : i32
    %add3A_779 = arith.addi %mul3A_2, %add3A_778 : i32
    %dma_start3A_780 = arith.constant 5 : i32
    %dma_start3A_781 = arith.constant 5 : i32
    %dma_start3A_782 = arith.constant 0 : i32
    %dma_start3A_783 = arith.constant 0 : i32
    %dma_start3A_784 = tpu.memref_slice %arg7[%dma_start3A_780, %dma_start3A_782, %dma_start3A_783] : memref<6x128x128xf32, #tpu.memory_space<vmem>> -> memref<1x128x128xf32, #tpu.memory_space<vmem>>
    %dma_start3A_785 = tpu.memref_squeeze %dma_start3A_784 : memref<1x128x128xf32, #tpu.memory_space<vmem>> -> memref<128x128xf32, #tpu.memory_space<vmem>>
    %dma_start3A_786 = arith.constant 0 : i32
    %dma_start3A_787 = tpu.memref_slice %arg5[%add3A_779, %mul3A_0, %dma_start3A_786] : memref<32x2048x128xf32, #tpu.memory_space<hbm>> -> memref<1x128x128xf32, #tpu.memory_space<hbm>>
    %dma_start3A_788 = tpu.memref_squeeze %dma_start3A_787 : memref<1x128x128xf32, #tpu.memory_space<hbm>> -> memref<128x128xf32, #tpu.memory_space<hbm>>
    %dma_start3A_789 = tpu.memref_slice %arg11[%dma_start3A_781] : memref<6x!tpu.dma_semaphore, #tpu.memory_space<semaphore_mem>> -> memref<1x!tpu.dma_semaphore, #tpu.memory_space<semaphore_mem>>
    %dma_start3A_790 = tpu.memref_squeeze %dma_start3A_789 : memref<1x!tpu.dma_semaphore, #tpu.memory_space<semaphore_mem>> -> memref<!tpu.dma_semaphore, #tpu.memory_space<semaphore_mem>>
    %dma_start3A_791 = arith.constant 0 : i32
    %dma_start3A_792 = tpu.memref_slice %arg5[%add3A_779, %mul3A_0, %dma_start3A_791] : memref<32x2048x128xf32, #tpu.memory_space<hbm>> -> memref<1x128x128xf32, #tpu.memory_space<hbm>>
    %dma_start3A_793 = tpu.memref_squeeze %dma_start3A_792 : memref<1x128x128xf32, #tpu.memory_space<hbm>> -> memref<128x128xf32, #tpu.memory_space<hbm>>
    %dma_start3A_794 = arith.constant 0 : i32
    %dma_start3A_795 = arith.constant 0 : i32
    %dma_start3A_796 = tpu.memref_slice %arg7[%dma_start3A_780, %dma_start3A_794, %dma_start3A_795] : memref<6x128x128xf32, #tpu.memory_space<vmem>> -> memref<1x128x128xf32, #tpu.memory_space<vmem>>
    %dma_start3A_797 = tpu.memref_squeeze %dma_start3A_796 : memref<1x128x128xf32, #tpu.memory_space<vmem>> -> memref<128x128xf32, #tpu.memory_space<vmem>>
    tpu.enqueue_dma source(%dma_start3A_797 : memref<128x128xf32, #tpu.memory_space<vmem>>) target(%dma_start3A_793 : memref<128x128xf32, #tpu.memory_space<hbm>>) target_semaphore(%dma_start3A_790 : memref<!tpu.dma_semaphore, #tpu.memory_space<semaphore_mem>>)
    %dma_wait3A_798 = arith.constant 4 : i32
    %dma_wait3A_799 = arith.constant 4 : i32
    %dma_wait3A_800 = arith.constant 0 : i32
    %dma_wait3A_801 = arith.constant 0 : i32
    %dma_wait3A_802 = tpu.memref_slice %arg7[%dma_wait3A_798, %dma_wait3A_800, %dma_wait3A_801] : memref<6x128x128xf32, #tpu.memory_space<vmem>> -> memref<1x128x128xf32, #tpu.memory_space<vmem>>
    %dma_wait3A_803 = tpu.memref_squeeze %dma_wait3A_802 : memref<1x128x128xf32, #tpu.memory_space<vmem>> -> memref<128x128xf32, #tpu.memory_space<vmem>>
    %dma_wait3A_804 = arith.constant 0 : i32
    %dma_wait3A_805 = tpu.memref_slice %arg5[%add3A_671, %mul3A_0, %dma_wait3A_804] : memref<32x2048x128xf32, #tpu.memory_space<hbm>> -> memref<1x128x128xf32, #tpu.memory_space<hbm>>
    %dma_wait3A_806 = tpu.memref_squeeze %dma_wait3A_805 : memref<1x128x128xf32, #tpu.memory_space<hbm>> -> memref<128x128xf32, #tpu.memory_space<hbm>>
    %dma_wait3A_807 = tpu.memref_slice %arg11[%dma_wait3A_799] : memref<6x!tpu.dma_semaphore, #tpu.memory_space<semaphore_mem>> -> memref<1x!tpu.dma_semaphore, #tpu.memory_space<semaphore_mem>>
    %dma_wait3A_808 = tpu.memref_squeeze %dma_wait3A_807 : memref<1x!tpu.dma_semaphore, #tpu.memory_space<semaphore_mem>> -> memref<!tpu.dma_semaphore, #tpu.memory_space<semaphore_mem>>
    %dma_wait3A_809 = arith.constant 0 : i32
    %dma_wait3A_810 = tpu.memref_slice %arg5[%add3A_671, %mul3A_0, %dma_wait3A_809] : memref<32x2048x128xf32, #tpu.memory_space<hbm>> -> memref<1x128x128xf32, #tpu.memory_space<hbm>>
    %dma_wait3A_811 = tpu.memref_squeeze %dma_wait3A_810 : memref<1x128x128xf32, #tpu.memory_space<hbm>> -> memref<128x128xf32, #tpu.memory_space<hbm>>
    %dma_wait3A_812 = arith.constant 0 : i32
    %dma_wait3A_813 = arith.constant 0 : i32
    %dma_wait3A_814 = tpu.memref_slice %arg7[%dma_wait3A_798, %dma_wait3A_812, %dma_wait3A_813] : memref<6x128x128xf32, #tpu.memory_space<vmem>> -> memref<1x128x128xf32, #tpu.memory_space<vmem>>
    %dma_wait3A_815 = tpu.memref_squeeze %dma_wait3A_814 : memref<1x128x128xf32, #tpu.memory_space<vmem>> -> memref<128x128xf32, #tpu.memory_space<vmem>>
    tpu.wait_dma2 semaphore(%dma_wait3A_808 : memref<!tpu.dma_semaphore, #tpu.memory_space<semaphore_mem>>) src(%dma_wait3A_815 : memref<128x128xf32, #tpu.memory_space<vmem>>) dst(%dma_wait3A_811 : memref<128x128xf32, #tpu.memory_space<hbm>>)
    %dma_start3A_816 = arith.constant 4 : i32
    %dma_start3A_817 = arith.constant 4 : i32
    %dma_start3A_818 = arith.constant 0 : i32
    %dma_start3A_819 = arith.constant 0 : i32
    %dma_start3A_820 = tpu.memref_slice %arg7[%dma_start3A_816, %dma_start3A_818, %dma_start3A_819] : memref<6x128x128xf32, #tpu.memory_space<vmem>> -> memref<1x128x128xf32, #tpu.memory_space<vmem>>
    %dma_start3A_821 = tpu.memref_squeeze %dma_start3A_820 : memref<1x128x128xf32, #tpu.memory_space<vmem>> -> memref<128x128xf32, #tpu.memory_space<vmem>>
    %dma_start3A_822 = arith.constant 0 : i32
    %dma_start3A_823 = arith.constant 0 : i32
    %dma_start3A_824 = tpu.memref_slice %arg8[%arg1, %dma_start3A_822, %dma_start3A_823] : memref<16x128x128xf32, #tpu.memory_space<vmem_shared>> -> memref<1x128x128xf32, #tpu.memory_space<vmem_shared>>
    %dma_start3A_825 = tpu.memref_squeeze %dma_start3A_824 : memref<1x128x128xf32, #tpu.memory_space<vmem_shared>> -> memref<128x128xf32, #tpu.memory_space<vmem_shared>>
    %dma_start3A_826 = tpu.memref_slice %arg9[%dma_start3A_817] : memref<6x!tpu.dma_semaphore, #tpu.memory_space<semaphore_mem>> -> memref<1x!tpu.dma_semaphore, #tpu.memory_space<semaphore_mem>>
    %dma_start3A_827 = tpu.memref_squeeze %dma_start3A_826 : memref<1x!tpu.dma_semaphore, #tpu.memory_space<semaphore_mem>> -> memref<!tpu.dma_semaphore, #tpu.memory_space<semaphore_mem>>
    %dma_start3A_828 = arith.constant 0 : i32
    %dma_start3A_829 = arith.constant 0 : i32
    %dma_start3A_830 = tpu.memref_slice %arg7[%dma_start3A_816, %dma_start3A_828, %dma_start3A_829] : memref<6x128x128xf32, #tpu.memory_space<vmem>> -> memref<1x128x128xf32, #tpu.memory_space<vmem>>
    %dma_start3A_831 = tpu.memref_squeeze %dma_start3A_830 : memref<1x128x128xf32, #tpu.memory_space<vmem>> -> memref<128x128xf32, #tpu.memory_space<vmem>>
    %dma_start3A_832 = arith.constant 0 : i32
    %dma_start3A_833 = arith.constant 0 : i32
    %dma_start3A_834 = tpu.memref_slice %arg8[%arg1, %dma_start3A_832, %dma_start3A_833] : memref<16x128x128xf32, #tpu.memory_space<vmem_shared>> -> memref<1x128x128xf32, #tpu.memory_space<vmem_shared>>
    %dma_start3A_835 = tpu.memref_squeeze %dma_start3A_834 : memref<1x128x128xf32, #tpu.memory_space<vmem_shared>> -> memref<128x128xf32, #tpu.memory_space<vmem_shared>>
    tpu.enqueue_dma source(%dma_start3A_835 : memref<128x128xf32, #tpu.memory_space<vmem_shared>>) target(%dma_start3A_831 : memref<128x128xf32, #tpu.memory_space<vmem>>) target_semaphore(%dma_start3A_827 : memref<!tpu.dma_semaphore, #tpu.memory_space<semaphore_mem>>)
    %dma_wait3A_836 = arith.constant 3 : i32
    %dma_wait3A_837 = arith.constant 3 : i32
    %dma_wait3A_838 = arith.constant 0 : i32
    %dma_wait3A_839 = arith.constant 0 : i32
    %dma_wait3A_840 = tpu.memref_slice %arg7[%dma_wait3A_836, %dma_wait3A_838, %dma_wait3A_839] : memref<6x128x128xf32, #tpu.memory_space<vmem>> -> memref<1x128x128xf32, #tpu.memory_space<vmem>>
    %dma_wait3A_841 = tpu.memref_squeeze %dma_wait3A_840 : memref<1x128x128xf32, #tpu.memory_space<vmem>> -> memref<128x128xf32, #tpu.memory_space<vmem>>
    %dma_wait3A_842 = arith.constant 0 : i32
    %dma_wait3A_843 = arith.constant 0 : i32
    %dma_wait3A_844 = tpu.memref_slice %arg8[%arg1, %dma_wait3A_842, %dma_wait3A_843] : memref<16x128x128xf32, #tpu.memory_space<vmem_shared>> -> memref<1x128x128xf32, #tpu.memory_space<vmem_shared>>
    %dma_wait3A_845 = tpu.memref_squeeze %dma_wait3A_844 : memref<1x128x128xf32, #tpu.memory_space<vmem_shared>> -> memref<128x128xf32, #tpu.memory_space<vmem_shared>>
    %dma_wait3A_846 = tpu.memref_slice %arg9[%dma_wait3A_837] : memref<6x!tpu.dma_semaphore, #tpu.memory_space<semaphore_mem>> -> memref<1x!tpu.dma_semaphore, #tpu.memory_space<semaphore_mem>>
    %dma_wait3A_847 = tpu.memref_squeeze %dma_wait3A_846 : memref<1x!tpu.dma_semaphore, #tpu.memory_space<semaphore_mem>> -> memref<!tpu.dma_semaphore, #tpu.memory_space<semaphore_mem>>
    %dma_wait3A_848 = arith.constant 0 : i32
    %dma_wait3A_849 = arith.constant 0 : i32
    %dma_wait3A_850 = tpu.memref_slice %arg7[%dma_wait3A_836, %dma_wait3A_848, %dma_wait3A_849] : memref<6x128x128xf32, #tpu.memory_space<vmem>> -> memref<1x128x128xf32, #tpu.memory_space<vmem>>
    %dma_wait3A_851 = tpu.memref_squeeze %dma_wait3A_850 : memref<1x128x128xf32, #tpu.memory_space<vmem>> -> memref<128x128xf32, #tpu.memory_space<vmem>>
    %dma_wait3A_852 = arith.constant 0 : i32
    %dma_wait3A_853 = arith.constant 0 : i32
    %dma_wait3A_854 = tpu.memref_slice %arg8[%arg1, %dma_wait3A_852, %dma_wait3A_853] : memref<16x128x128xf32, #tpu.memory_space<vmem_shared>> -> memref<1x128x128xf32, #tpu.memory_space<vmem_shared>>
    %dma_wait3A_855 = tpu.memref_squeeze %dma_wait3A_854 : memref<1x128x128xf32, #tpu.memory_space<vmem_shared>> -> memref<128x128xf32, #tpu.memory_space<vmem_shared>>
    tpu.wait_dma2 semaphore(%dma_wait3A_847 : memref<!tpu.dma_semaphore, #tpu.memory_space<semaphore_mem>>) src(%dma_wait3A_855 : memref<128x128xf32, #tpu.memory_space<vmem_shared>>) dst(%dma_wait3A_851 : memref<128x128xf32, #tpu.memory_space<vmem>>)
    %dma_start3A_856 = arith.constant 9 : i32
    %dma_start3A_857 = arith.constant 3 : i32
    %dma_start3A_858 = arith.constant 3 : i32
    %dma_start3A_859 = arith.constant 0 : i32
    %dma_start3A_860 = arith.constant 0 : i32
    %dma_start3A_861 = tpu.memref_slice %arg7[%dma_start3A_857, %dma_start3A_859, %dma_start3A_860] : memref<6x128x128xf32, #tpu.memory_space<vmem>> -> memref<1x128x128xf32, #tpu.memory_space<vmem>>
    %dma_start3A_862 = tpu.memref_squeeze %dma_start3A_861 : memref<1x128x128xf32, #tpu.memory_space<vmem>> -> memref<128x128xf32, #tpu.memory_space<vmem>>
    %dma_start3A_863 = arith.constant 0 : i32
    %dma_start3A_864 = tpu.memref_slice %arg6[%dma_start3A_856, %dma_start3A_863] : memref<16x128xi32, #tpu.memory_space<vmem>> -> memref<1x128xi32, #tpu.memory_space<vmem>>
    %dma_start3A_865 = tpu.memref_squeeze %dma_start3A_864 : memref<1x128xi32, #tpu.memory_space<vmem>> -> memref<128xi32, #tpu.memory_space<vmem>>
    %dma_start3A_866 = arith.constant 0 : i32
    %dma_start3A_867 = arith.constant 0 : i32
    %dma_start3A_868 = tpu.memref_slice %arg3[%dma_start3A_866, %dma_start3A_867] : memref<100000x128xf32, #tpu.memory_space<hbm>> -> memref<100000x128xf32, #tpu.memory_space<hbm>>
    %dma_start3A_869 = tpu.memref_slice %arg10[%dma_start3A_858] : memref<6x!tpu.dma_semaphore, #tpu.memory_space<semaphore_mem>> -> memref<1x!tpu.dma_semaphore, #tpu.memory_space<semaphore_mem>>
    %dma_start3A_870 = tpu.memref_squeeze %dma_start3A_869 : memref<1x!tpu.dma_semaphore, #tpu.memory_space<semaphore_mem>> -> memref<!tpu.dma_semaphore, #tpu.memory_space<semaphore_mem>>
    tpu.enqueue_indirect_dma source(%dma_start3A_868 : memref<100000x128xf32, #tpu.memory_space<hbm>>) target(%dma_start3A_862 : memref<128x128xf32, #tpu.memory_space<vmem>>) offsets(%dma_start3A_865 : memref<128xi32, #tpu.memory_space<vmem>>) semaphore(%dma_start3A_870 : memref<!tpu.dma_semaphore, #tpu.memory_space<semaphore_mem>>) {add = true}
    %dma_wait3A_871 = arith.constant 6 : i32
    %dma_wait3A_872 = arith.constant 0 : i32
    %dma_wait3A_873 = arith.constant 0 : i32
    %dma_wait3A_874 = arith.constant 0 : i32
    %dma_wait3A_875 = arith.constant 0 : i32
    %dma_wait3A_876 = tpu.memref_slice %arg7[%dma_wait3A_872, %dma_wait3A_874, %dma_wait3A_875] : memref<6x128x128xf32, #tpu.memory_space<vmem>> -> memref<1x128x128xf32, #tpu.memory_space<vmem>>
    %dma_wait3A_877 = tpu.memref_squeeze %dma_wait3A_876 : memref<1x128x128xf32, #tpu.memory_space<vmem>> -> memref<128x128xf32, #tpu.memory_space<vmem>>
    %dma_wait3A_878 = arith.constant 0 : i32
    %dma_wait3A_879 = tpu.memref_slice %arg6[%dma_wait3A_871, %dma_wait3A_878] : memref<16x128xi32, #tpu.memory_space<vmem>> -> memref<1x128xi32, #tpu.memory_space<vmem>>
    %dma_wait3A_880 = tpu.memref_squeeze %dma_wait3A_879 : memref<1x128xi32, #tpu.memory_space<vmem>> -> memref<128xi32, #tpu.memory_space<vmem>>
    %dma_wait3A_881 = arith.constant 0 : i32
    %dma_wait3A_882 = arith.constant 0 : i32
    %dma_wait3A_883 = tpu.memref_slice %arg3[%dma_wait3A_881, %dma_wait3A_882] : memref<100000x128xf32, #tpu.memory_space<hbm>> -> memref<100000x128xf32, #tpu.memory_space<hbm>>
    %dma_wait3A_884 = tpu.memref_slice %arg10[%dma_wait3A_873] : memref<6x!tpu.dma_semaphore, #tpu.memory_space<semaphore_mem>> -> memref<1x!tpu.dma_semaphore, #tpu.memory_space<semaphore_mem>>
    %dma_wait3A_885 = tpu.memref_squeeze %dma_wait3A_884 : memref<1x!tpu.dma_semaphore, #tpu.memory_space<semaphore_mem>> -> memref<!tpu.dma_semaphore, #tpu.memory_space<semaphore_mem>>
    tpu.wait_indirect_dma semaphore(%dma_wait3A_885 : memref<!tpu.dma_semaphore, #tpu.memory_space<semaphore_mem>>) src(%dma_wait3A_883 : memref<100000x128xf32, #tpu.memory_space<hbm>>) dst(%dma_wait3A_877 : memref<128x128xf32, #tpu.memory_space<vmem>>)
    %add3A_886 = arith.constant 6 : i32
    %add3A_887 = arith.addi %mul3A_2, %add3A_886 : i32
    %dma_start3A_888 = arith.constant 0 : i32
    %dma_start3A_889 = arith.constant 0 : i32
    %dma_start3A_890 = arith.constant 0 : i32
    %dma_start3A_891 = arith.constant 0 : i32
    %dma_start3A_892 = tpu.memref_slice %arg7[%dma_start3A_888, %dma_start3A_890, %dma_start3A_891] : memref<6x128x128xf32, #tpu.memory_space<vmem>> -> memref<1x128x128xf32, #tpu.memory_space<vmem>>
    %dma_start3A_893 = tpu.memref_squeeze %dma_start3A_892 : memref<1x128x128xf32, #tpu.memory_space<vmem>> -> memref<128x128xf32, #tpu.memory_space<vmem>>
    %dma_start3A_894 = arith.constant 0 : i32
    %dma_start3A_895 = tpu.memref_slice %arg5[%add3A_887, %mul3A_0, %dma_start3A_894] : memref<32x2048x128xf32, #tpu.memory_space<hbm>> -> memref<1x128x128xf32, #tpu.memory_space<hbm>>
    %dma_start3A_896 = tpu.memref_squeeze %dma_start3A_895 : memref<1x128x128xf32, #tpu.memory_space<hbm>> -> memref<128x128xf32, #tpu.memory_space<hbm>>
    %dma_start3A_897 = tpu.memref_slice %arg11[%dma_start3A_889] : memref<6x!tpu.dma_semaphore, #tpu.memory_space<semaphore_mem>> -> memref<1x!tpu.dma_semaphore, #tpu.memory_space<semaphore_mem>>
    %dma_start3A_898 = tpu.memref_squeeze %dma_start3A_897 : memref<1x!tpu.dma_semaphore, #tpu.memory_space<semaphore_mem>> -> memref<!tpu.dma_semaphore, #tpu.memory_space<semaphore_mem>>
    %dma_start3A_899 = arith.constant 0 : i32
    %dma_start3A_900 = tpu.memref_slice %arg5[%add3A_887, %mul3A_0, %dma_start3A_899] : memref<32x2048x128xf32, #tpu.memory_space<hbm>> -> memref<1x128x128xf32, #tpu.memory_space<hbm>>
    %dma_start3A_901 = tpu.memref_squeeze %dma_start3A_900 : memref<1x128x128xf32, #tpu.memory_space<hbm>> -> memref<128x128xf32, #tpu.memory_space<hbm>>
    %dma_start3A_902 = arith.constant 0 : i32
    %dma_start3A_903 = arith.constant 0 : i32
    %dma_start3A_904 = tpu.memref_slice %arg7[%dma_start3A_888, %dma_start3A_902, %dma_start3A_903] : memref<6x128x128xf32, #tpu.memory_space<vmem>> -> memref<1x128x128xf32, #tpu.memory_space<vmem>>
    %dma_start3A_905 = tpu.memref_squeeze %dma_start3A_904 : memref<1x128x128xf32, #tpu.memory_space<vmem>> -> memref<128x128xf32, #tpu.memory_space<vmem>>
    tpu.enqueue_dma source(%dma_start3A_905 : memref<128x128xf32, #tpu.memory_space<vmem>>) target(%dma_start3A_901 : memref<128x128xf32, #tpu.memory_space<hbm>>) target_semaphore(%dma_start3A_898 : memref<!tpu.dma_semaphore, #tpu.memory_space<semaphore_mem>>)
    %dma_wait3A_906 = arith.constant 5 : i32
    %dma_wait3A_907 = arith.constant 5 : i32
    %dma_wait3A_908 = arith.constant 0 : i32
    %dma_wait3A_909 = arith.constant 0 : i32
    %dma_wait3A_910 = tpu.memref_slice %arg7[%dma_wait3A_906, %dma_wait3A_908, %dma_wait3A_909] : memref<6x128x128xf32, #tpu.memory_space<vmem>> -> memref<1x128x128xf32, #tpu.memory_space<vmem>>
    %dma_wait3A_911 = tpu.memref_squeeze %dma_wait3A_910 : memref<1x128x128xf32, #tpu.memory_space<vmem>> -> memref<128x128xf32, #tpu.memory_space<vmem>>
    %dma_wait3A_912 = arith.constant 0 : i32
    %dma_wait3A_913 = tpu.memref_slice %arg5[%add3A_779, %mul3A_0, %dma_wait3A_912] : memref<32x2048x128xf32, #tpu.memory_space<hbm>> -> memref<1x128x128xf32, #tpu.memory_space<hbm>>
    %dma_wait3A_914 = tpu.memref_squeeze %dma_wait3A_913 : memref<1x128x128xf32, #tpu.memory_space<hbm>> -> memref<128x128xf32, #tpu.memory_space<hbm>>
    %dma_wait3A_915 = tpu.memref_slice %arg11[%dma_wait3A_907] : memref<6x!tpu.dma_semaphore, #tpu.memory_space<semaphore_mem>> -> memref<1x!tpu.dma_semaphore, #tpu.memory_space<semaphore_mem>>
    %dma_wait3A_916 = tpu.memref_squeeze %dma_wait3A_915 : memref<1x!tpu.dma_semaphore, #tpu.memory_space<semaphore_mem>> -> memref<!tpu.dma_semaphore, #tpu.memory_space<semaphore_mem>>
    %dma_wait3A_917 = arith.constant 0 : i32
    %dma_wait3A_918 = tpu.memref_slice %arg5[%add3A_779, %mul3A_0, %dma_wait3A_917] : memref<32x2048x128xf32, #tpu.memory_space<hbm>> -> memref<1x128x128xf32, #tpu.memory_space<hbm>>
    %dma_wait3A_919 = tpu.memref_squeeze %dma_wait3A_918 : memref<1x128x128xf32, #tpu.memory_space<hbm>> -> memref<128x128xf32, #tpu.memory_space<hbm>>
    %dma_wait3A_920 = arith.constant 0 : i32
    %dma_wait3A_921 = arith.constant 0 : i32
    %dma_wait3A_922 = tpu.memref_slice %arg7[%dma_wait3A_906, %dma_wait3A_920, %dma_wait3A_921] : memref<6x128x128xf32, #tpu.memory_space<vmem>> -> memref<1x128x128xf32, #tpu.memory_space<vmem>>
    %dma_wait3A_923 = tpu.memref_squeeze %dma_wait3A_922 : memref<1x128x128xf32, #tpu.memory_space<vmem>> -> memref<128x128xf32, #tpu.memory_space<vmem>>
    tpu.wait_dma2 semaphore(%dma_wait3A_916 : memref<!tpu.dma_semaphore, #tpu.memory_space<semaphore_mem>>) src(%dma_wait3A_923 : memref<128x128xf32, #tpu.memory_space<vmem>>) dst(%dma_wait3A_919 : memref<128x128xf32, #tpu.memory_space<hbm>>)
    %dma_start3A_924 = arith.constant 5 : i32
    %dma_start3A_925 = arith.constant 5 : i32
    %dma_start3A_926 = arith.constant 0 : i32
    %dma_start3A_927 = arith.constant 0 : i32
    %dma_start3A_928 = tpu.memref_slice %arg7[%dma_start3A_924, %dma_start3A_926, %dma_start3A_927] : memref<6x128x128xf32, #tpu.memory_space<vmem>> -> memref<1x128x128xf32, #tpu.memory_space<vmem>>
    %dma_start3A_929 = tpu.memref_squeeze %dma_start3A_928 : memref<1x128x128xf32, #tpu.memory_space<vmem>> -> memref<128x128xf32, #tpu.memory_space<vmem>>
    %dma_start3A_930 = arith.constant 0 : i32
    %dma_start3A_931 = arith.constant 0 : i32
    %dma_start3A_932 = tpu.memref_slice %arg8[%arg1, %dma_start3A_930, %dma_start3A_931] : memref<16x128x128xf32, #tpu.memory_space<vmem_shared>> -> memref<1x128x128xf32, #tpu.memory_space<vmem_shared>>
    %dma_start3A_933 = tpu.memref_squeeze %dma_start3A_932 : memref<1x128x128xf32, #tpu.memory_space<vmem_shared>> -> memref<128x128xf32, #tpu.memory_space<vmem_shared>>
    %dma_start3A_934 = tpu.memref_slice %arg9[%dma_start3A_925] : memref<6x!tpu.dma_semaphore, #tpu.memory_space<semaphore_mem>> -> memref<1x!tpu.dma_semaphore, #tpu.memory_space<semaphore_mem>>
    %dma_start3A_935 = tpu.memref_squeeze %dma_start3A_934 : memref<1x!tpu.dma_semaphore, #tpu.memory_space<semaphore_mem>> -> memref<!tpu.dma_semaphore, #tpu.memory_space<semaphore_mem>>
    %dma_start3A_936 = arith.constant 0 : i32
    %dma_start3A_937 = arith.constant 0 : i32
    %dma_start3A_938 = tpu.memref_slice %arg7[%dma_start3A_924, %dma_start3A_936, %dma_start3A_937] : memref<6x128x128xf32, #tpu.memory_space<vmem>> -> memref<1x128x128xf32, #tpu.memory_space<vmem>>
    %dma_start3A_939 = tpu.memref_squeeze %dma_start3A_938 : memref<1x128x128xf32, #tpu.memory_space<vmem>> -> memref<128x128xf32, #tpu.memory_space<vmem>>
    %dma_start3A_940 = arith.constant 0 : i32
    %dma_start3A_941 = arith.constant 0 : i32
    %dma_start3A_942 = tpu.memref_slice %arg8[%arg1, %dma_start3A_940, %dma_start3A_941] : memref<16x128x128xf32, #tpu.memory_space<vmem_shared>> -> memref<1x128x128xf32, #tpu.memory_space<vmem_shared>>
    %dma_start3A_943 = tpu.memref_squeeze %dma_start3A_942 : memref<1x128x128xf32, #tpu.memory_space<vmem_shared>> -> memref<128x128xf32, #tpu.memory_space<vmem_shared>>
    tpu.enqueue_dma source(%dma_start3A_943 : memref<128x128xf32, #tpu.memory_space<vmem_shared>>) target(%dma_start3A_939 : memref<128x128xf32, #tpu.memory_space<vmem>>) target_semaphore(%dma_start3A_935 : memref<!tpu.dma_semaphore, #tpu.memory_space<semaphore_mem>>)
    %dma_wait3A_944 = arith.constant 4 : i32
    %dma_wait3A_945 = arith.constant 4 : i32
    %dma_wait3A_946 = arith.constant 0 : i32
    %dma_wait3A_947 = arith.constant 0 : i32
    %dma_wait3A_948 = tpu.memref_slice %arg7[%dma_wait3A_944, %dma_wait3A_946, %dma_wait3A_947] : memref<6x128x128xf32, #tpu.memory_space<vmem>> -> memref<1x128x128xf32, #tpu.memory_space<vmem>>
    %dma_wait3A_949 = tpu.memref_squeeze %dma_wait3A_948 : memref<1x128x128xf32, #tpu.memory_space<vmem>> -> memref<128x128xf32, #tpu.memory_space<vmem>>
    %dma_wait3A_950 = arith.constant 0 : i32
    %dma_wait3A_951 = arith.constant 0 : i32
    %dma_wait3A_952 = tpu.memref_slice %arg8[%arg1, %dma_wait3A_950, %dma_wait3A_951] : memref<16x128x128xf32, #tpu.memory_space<vmem_shared>> -> memref<1x128x128xf32, #tpu.memory_space<vmem_shared>>
    %dma_wait3A_953 = tpu.memref_squeeze %dma_wait3A_952 : memref<1x128x128xf32, #tpu.memory_space<vmem_shared>> -> memref<128x128xf32, #tpu.memory_space<vmem_shared>>
    %dma_wait3A_954 = tpu.memref_slice %arg9[%dma_wait3A_945] : memref<6x!tpu.dma_semaphore, #tpu.memory_space<semaphore_mem>> -> memref<1x!tpu.dma_semaphore, #tpu.memory_space<semaphore_mem>>
    %dma_wait3A_955 = tpu.memref_squeeze %dma_wait3A_954 : memref<1x!tpu.dma_semaphore, #tpu.memory_space<semaphore_mem>> -> memref<!tpu.dma_semaphore, #tpu.memory_space<semaphore_mem>>
    %dma_wait3A_956 = arith.constant 0 : i32
    %dma_wait3A_957 = arith.constant 0 : i32
    %dma_wait3A_958 = tpu.memref_slice %arg7[%dma_wait3A_944, %dma_wait3A_956, %dma_wait3A_957] : memref<6x128x128xf32, #tpu.memory_space<vmem>> -> memref<1x128x128xf32, #tpu.memory_space<vmem>>
    %dma_wait3A_959 = tpu.memref_squeeze %dma_wait3A_958 : memref<1x128x128xf32, #tpu.memory_space<vmem>> -> memref<128x128xf32, #tpu.memory_space<vmem>>
    %dma_wait3A_960 = arith.constant 0 : i32
    %dma_wait3A_961 = arith.constant 0 : i32
    %dma_wait3A_962 = tpu.memref_slice %arg8[%arg1, %dma_wait3A_960, %dma_wait3A_961] : memref<16x128x128xf32, #tpu.memory_space<vmem_shared>> -> memref<1x128x128xf32, #tpu.memory_space<vmem_shared>>
    %dma_wait3A_963 = tpu.memref_squeeze %dma_wait3A_962 : memref<1x128x128xf32, #tpu.memory_space<vmem_shared>> -> memref<128x128xf32, #tpu.memory_space<vmem_shared>>
    tpu.wait_dma2 semaphore(%dma_wait3A_955 : memref<!tpu.dma_semaphore, #tpu.memory_space<semaphore_mem>>) src(%dma_wait3A_963 : memref<128x128xf32, #tpu.memory_space<vmem_shared>>) dst(%dma_wait3A_959 : memref<128x128xf32, #tpu.memory_space<vmem>>)
    %dma_start3A_964 = arith.constant 10 : i32
    %dma_start3A_965 = arith.constant 4 : i32
    %dma_start3A_966 = arith.constant 4 : i32
    %dma_start3A_967 = arith.constant 0 : i32
    %dma_start3A_968 = arith.constant 0 : i32
    %dma_start3A_969 = tpu.memref_slice %arg7[%dma_start3A_965, %dma_start3A_967, %dma_start3A_968] : memref<6x128x128xf32, #tpu.memory_space<vmem>> -> memref<1x128x128xf32, #tpu.memory_space<vmem>>
    %dma_start3A_970 = tpu.memref_squeeze %dma_start3A_969 : memref<1x128x128xf32, #tpu.memory_space<vmem>> -> memref<128x128xf32, #tpu.memory_space<vmem>>
    %dma_start3A_971 = arith.constant 0 : i32
    %dma_start3A_972 = tpu.memref_slice %arg6[%dma_start3A_964, %dma_start3A_971] : memref<16x128xi32, #tpu.memory_space<vmem>> -> memref<1x128xi32, #tpu.memory_space<vmem>>
    %dma_start3A_973 = tpu.memref_squeeze %dma_start3A_972 : memref<1x128xi32, #tpu.memory_space<vmem>> -> memref<128xi32, #tpu.memory_space<vmem>>
    %dma_start3A_974 = arith.constant 0 : i32
    %dma_start3A_975 = arith.constant 0 : i32
    %dma_start3A_976 = tpu.memref_slice %arg3[%dma_start3A_974, %dma_start3A_975] : memref<100000x128xf32, #tpu.memory_space<hbm>> -> memref<100000x128xf32, #tpu.memory_space<hbm>>
    %dma_start3A_977 = tpu.memref_slice %arg10[%dma_start3A_966] : memref<6x!tpu.dma_semaphore, #tpu.memory_space<semaphore_mem>> -> memref<1x!tpu.dma_semaphore, #tpu.memory_space<semaphore_mem>>
    %dma_start3A_978 = tpu.memref_squeeze %dma_start3A_977 : memref<1x!tpu.dma_semaphore, #tpu.memory_space<semaphore_mem>> -> memref<!tpu.dma_semaphore, #tpu.memory_space<semaphore_mem>>
    tpu.enqueue_indirect_dma source(%dma_start3A_976 : memref<100000x128xf32, #tpu.memory_space<hbm>>) target(%dma_start3A_970 : memref<128x128xf32, #tpu.memory_space<vmem>>) offsets(%dma_start3A_973 : memref<128xi32, #tpu.memory_space<vmem>>) semaphore(%dma_start3A_978 : memref<!tpu.dma_semaphore, #tpu.memory_space<semaphore_mem>>) {add = true}
    %dma_wait3A_979 = arith.constant 7 : i32
    %dma_wait3A_980 = arith.constant 1 : i32
    %dma_wait3A_981 = arith.constant 1 : i32
    %dma_wait3A_982 = arith.constant 0 : i32
    %dma_wait3A_983 = arith.constant 0 : i32
    %dma_wait3A_984 = tpu.memref_slice %arg7[%dma_wait3A_980, %dma_wait3A_982, %dma_wait3A_983] : memref<6x128x128xf32, #tpu.memory_space<vmem>> -> memref<1x128x128xf32, #tpu.memory_space<vmem>>
    %dma_wait3A_985 = tpu.memref_squeeze %dma_wait3A_984 : memref<1x128x128xf32, #tpu.memory_space<vmem>> -> memref<128x128xf32, #tpu.memory_space<vmem>>
    %dma_wait3A_986 = arith.constant 0 : i32
    %dma_wait3A_987 = tpu.memref_slice %arg6[%dma_wait3A_979, %dma_wait3A_986] : memref<16x128xi32, #tpu.memory_space<vmem>> -> memref<1x128xi32, #tpu.memory_space<vmem>>
    %dma_wait3A_988 = tpu.memref_squeeze %dma_wait3A_987 : memref<1x128xi32, #tpu.memory_space<vmem>> -> memref<128xi32, #tpu.memory_space<vmem>>
    %dma_wait3A_989 = arith.constant 0 : i32
    %dma_wait3A_990 = arith.constant 0 : i32
    %dma_wait3A_991 = tpu.memref_slice %arg3[%dma_wait3A_989, %dma_wait3A_990] : memref<100000x128xf32, #tpu.memory_space<hbm>> -> memref<100000x128xf32, #tpu.memory_space<hbm>>
    %dma_wait3A_992 = tpu.memref_slice %arg10[%dma_wait3A_981] : memref<6x!tpu.dma_semaphore, #tpu.memory_space<semaphore_mem>> -> memref<1x!tpu.dma_semaphore, #tpu.memory_space<semaphore_mem>>
    %dma_wait3A_993 = tpu.memref_squeeze %dma_wait3A_992 : memref<1x!tpu.dma_semaphore, #tpu.memory_space<semaphore_mem>> -> memref<!tpu.dma_semaphore, #tpu.memory_space<semaphore_mem>>
    tpu.wait_indirect_dma semaphore(%dma_wait3A_993 : memref<!tpu.dma_semaphore, #tpu.memory_space<semaphore_mem>>) src(%dma_wait3A_991 : memref<100000x128xf32, #tpu.memory_space<hbm>>) dst(%dma_wait3A_985 : memref<128x128xf32, #tpu.memory_space<vmem>>)
    %add3A_994 = arith.constant 7 : i32
    %add3A_995 = arith.addi %mul3A_2, %add3A_994 : i32
    %dma_start3A_996 = arith.constant 1 : i32
    %dma_start3A_997 = arith.constant 1 : i32
    %dma_start3A_998 = arith.constant 0 : i32
    %dma_start3A_999 = arith.constant 0 : i32
    %dma_start3A_1000 = tpu.memref_slice %arg7[%dma_start3A_996, %dma_start3A_998, %dma_start3A_999] : memref<6x128x128xf32, #tpu.memory_space<vmem>> -> memref<1x128x128xf32, #tpu.memory_space<vmem>>
    %dma_start3A_1001 = tpu.memref_squeeze %dma_start3A_1000 : memref<1x128x128xf32, #tpu.memory_space<vmem>> -> memref<128x128xf32, #tpu.memory_space<vmem>>
    %dma_start3A_1002 = arith.constant 0 : i32
    %dma_start3A_1003 = tpu.memref_slice %arg5[%add3A_995, %mul3A_0, %dma_start3A_1002] : memref<32x2048x128xf32, #tpu.memory_space<hbm>> -> memref<1x128x128xf32, #tpu.memory_space<hbm>>
    %dma_start3A_1004 = tpu.memref_squeeze %dma_start3A_1003 : memref<1x128x128xf32, #tpu.memory_space<hbm>> -> memref<128x128xf32, #tpu.memory_space<hbm>>
    %dma_start3A_1005 = tpu.memref_slice %arg11[%dma_start3A_997] : memref<6x!tpu.dma_semaphore, #tpu.memory_space<semaphore_mem>> -> memref<1x!tpu.dma_semaphore, #tpu.memory_space<semaphore_mem>>
    %dma_start3A_1006 = tpu.memref_squeeze %dma_start3A_1005 : memref<1x!tpu.dma_semaphore, #tpu.memory_space<semaphore_mem>> -> memref<!tpu.dma_semaphore, #tpu.memory_space<semaphore_mem>>
    %dma_start3A_1007 = arith.constant 0 : i32
    %dma_start3A_1008 = tpu.memref_slice %arg5[%add3A_995, %mul3A_0, %dma_start3A_1007] : memref<32x2048x128xf32, #tpu.memory_space<hbm>> -> memref<1x128x128xf32, #tpu.memory_space<hbm>>
    %dma_start3A_1009 = tpu.memref_squeeze %dma_start3A_1008 : memref<1x128x128xf32, #tpu.memory_space<hbm>> -> memref<128x128xf32, #tpu.memory_space<hbm>>
    %dma_start3A_1010 = arith.constant 0 : i32
    %dma_start3A_1011 = arith.constant 0 : i32
    %dma_start3A_1012 = tpu.memref_slice %arg7[%dma_start3A_996, %dma_start3A_1010, %dma_start3A_1011] : memref<6x128x128xf32, #tpu.memory_space<vmem>> -> memref<1x128x128xf32, #tpu.memory_space<vmem>>
    %dma_start3A_1013 = tpu.memref_squeeze %dma_start3A_1012 : memref<1x128x128xf32, #tpu.memory_space<vmem>> -> memref<128x128xf32, #tpu.memory_space<vmem>>
    tpu.enqueue_dma source(%dma_start3A_1013 : memref<128x128xf32, #tpu.memory_space<vmem>>) target(%dma_start3A_1009 : memref<128x128xf32, #tpu.memory_space<hbm>>) target_semaphore(%dma_start3A_1006 : memref<!tpu.dma_semaphore, #tpu.memory_space<semaphore_mem>>)
    %dma_wait3A_1014 = arith.constant 0 : i32
    %dma_wait3A_1015 = arith.constant 0 : i32
    %dma_wait3A_1016 = arith.constant 0 : i32
    %dma_wait3A_1017 = arith.constant 0 : i32
    %dma_wait3A_1018 = tpu.memref_slice %arg7[%dma_wait3A_1014, %dma_wait3A_1016, %dma_wait3A_1017] : memref<6x128x128xf32, #tpu.memory_space<vmem>> -> memref<1x128x128xf32, #tpu.memory_space<vmem>>
    %dma_wait3A_1019 = tpu.memref_squeeze %dma_wait3A_1018 : memref<1x128x128xf32, #tpu.memory_space<vmem>> -> memref<128x128xf32, #tpu.memory_space<vmem>>
    %dma_wait3A_1020 = arith.constant 0 : i32
    %dma_wait3A_1021 = tpu.memref_slice %arg5[%add3A_887, %mul3A_0, %dma_wait3A_1020] : memref<32x2048x128xf32, #tpu.memory_space<hbm>> -> memref<1x128x128xf32, #tpu.memory_space<hbm>>
    %dma_wait3A_1022 = tpu.memref_squeeze %dma_wait3A_1021 : memref<1x128x128xf32, #tpu.memory_space<hbm>> -> memref<128x128xf32, #tpu.memory_space<hbm>>
    %dma_wait3A_1023 = tpu.memref_slice %arg11[%dma_wait3A_1015] : memref<6x!tpu.dma_semaphore, #tpu.memory_space<semaphore_mem>> -> memref<1x!tpu.dma_semaphore, #tpu.memory_space<semaphore_mem>>
    %dma_wait3A_1024 = tpu.memref_squeeze %dma_wait3A_1023 : memref<1x!tpu.dma_semaphore, #tpu.memory_space<semaphore_mem>> -> memref<!tpu.dma_semaphore, #tpu.memory_space<semaphore_mem>>
    %dma_wait3A_1025 = arith.constant 0 : i32
    %dma_wait3A_1026 = tpu.memref_slice %arg5[%add3A_887, %mul3A_0, %dma_wait3A_1025] : memref<32x2048x128xf32, #tpu.memory_space<hbm>> -> memref<1x128x128xf32, #tpu.memory_space<hbm>>
    %dma_wait3A_1027 = tpu.memref_squeeze %dma_wait3A_1026 : memref<1x128x128xf32, #tpu.memory_space<hbm>> -> memref<128x128xf32, #tpu.memory_space<hbm>>
    %dma_wait3A_1028 = arith.constant 0 : i32
    %dma_wait3A_1029 = arith.constant 0 : i32
    %dma_wait3A_1030 = tpu.memref_slice %arg7[%dma_wait3A_1014, %dma_wait3A_1028, %dma_wait3A_1029] : memref<6x128x128xf32, #tpu.memory_space<vmem>> -> memref<1x128x128xf32, #tpu.memory_space<vmem>>
    %dma_wait3A_1031 = tpu.memref_squeeze %dma_wait3A_1030 : memref<1x128x128xf32, #tpu.memory_space<vmem>> -> memref<128x128xf32, #tpu.memory_space<vmem>>
    tpu.wait_dma2 semaphore(%dma_wait3A_1024 : memref<!tpu.dma_semaphore, #tpu.memory_space<semaphore_mem>>) src(%dma_wait3A_1031 : memref<128x128xf32, #tpu.memory_space<vmem>>) dst(%dma_wait3A_1027 : memref<128x128xf32, #tpu.memory_space<hbm>>)
    %dma_start3A_1032 = arith.constant 0 : i32
    %dma_start3A_1033 = arith.constant 0 : i32
    %dma_start3A_1034 = arith.constant 0 : i32
    %dma_start3A_1035 = arith.constant 0 : i32
    %dma_start3A_1036 = tpu.memref_slice %arg7[%dma_start3A_1032, %dma_start3A_1034, %dma_start3A_1035] : memref<6x128x128xf32, #tpu.memory_space<vmem>> -> memref<1x128x128xf32, #tpu.memory_space<vmem>>
    %dma_start3A_1037 = tpu.memref_squeeze %dma_start3A_1036 : memref<1x128x128xf32, #tpu.memory_space<vmem>> -> memref<128x128xf32, #tpu.memory_space<vmem>>
    %dma_start3A_1038 = arith.constant 0 : i32
    %dma_start3A_1039 = arith.constant 0 : i32
    %dma_start3A_1040 = tpu.memref_slice %arg8[%arg1, %dma_start3A_1038, %dma_start3A_1039] : memref<16x128x128xf32, #tpu.memory_space<vmem_shared>> -> memref<1x128x128xf32, #tpu.memory_space<vmem_shared>>
    %dma_start3A_1041 = tpu.memref_squeeze %dma_start3A_1040 : memref<1x128x128xf32, #tpu.memory_space<vmem_shared>> -> memref<128x128xf32, #tpu.memory_space<vmem_shared>>
    %dma_start3A_1042 = tpu.memref_slice %arg9[%dma_start3A_1033] : memref<6x!tpu.dma_semaphore, #tpu.memory_space<semaphore_mem>> -> memref<1x!tpu.dma_semaphore, #tpu.memory_space<semaphore_mem>>
    %dma_start3A_1043 = tpu.memref_squeeze %dma_start3A_1042 : memref<1x!tpu.dma_semaphore, #tpu.memory_space<semaphore_mem>> -> memref<!tpu.dma_semaphore, #tpu.memory_space<semaphore_mem>>
    %dma_start3A_1044 = arith.constant 0 : i32
    %dma_start3A_1045 = arith.constant 0 : i32
    %dma_start3A_1046 = tpu.memref_slice %arg7[%dma_start3A_1032, %dma_start3A_1044, %dma_start3A_1045] : memref<6x128x128xf32, #tpu.memory_space<vmem>> -> memref<1x128x128xf32, #tpu.memory_space<vmem>>
    %dma_start3A_1047 = tpu.memref_squeeze %dma_start3A_1046 : memref<1x128x128xf32, #tpu.memory_space<vmem>> -> memref<128x128xf32, #tpu.memory_space<vmem>>
    %dma_start3A_1048 = arith.constant 0 : i32
    %dma_start3A_1049 = arith.constant 0 : i32
    %dma_start3A_1050 = tpu.memref_slice %arg8[%arg1, %dma_start3A_1048, %dma_start3A_1049] : memref<16x128x128xf32, #tpu.memory_space<vmem_shared>> -> memref<1x128x128xf32, #tpu.memory_space<vmem_shared>>
    %dma_start3A_1051 = tpu.memref_squeeze %dma_start3A_1050 : memref<1x128x128xf32, #tpu.memory_space<vmem_shared>> -> memref<128x128xf32, #tpu.memory_space<vmem_shared>>
    tpu.enqueue_dma source(%dma_start3A_1051 : memref<128x128xf32, #tpu.memory_space<vmem_shared>>) target(%dma_start3A_1047 : memref<128x128xf32, #tpu.memory_space<vmem>>) target_semaphore(%dma_start3A_1043 : memref<!tpu.dma_semaphore, #tpu.memory_space<semaphore_mem>>)
    %dma_wait3A_1052 = arith.constant 5 : i32
    %dma_wait3A_1053 = arith.constant 5 : i32
    %dma_wait3A_1054 = arith.constant 0 : i32
    %dma_wait3A_1055 = arith.constant 0 : i32
    %dma_wait3A_1056 = tpu.memref_slice %arg7[%dma_wait3A_1052, %dma_wait3A_1054, %dma_wait3A_1055] : memref<6x128x128xf32, #tpu.memory_space<vmem>> -> memref<1x128x128xf32, #tpu.memory_space<vmem>>
    %dma_wait3A_1057 = tpu.memref_squeeze %dma_wait3A_1056 : memref<1x128x128xf32, #tpu.memory_space<vmem>> -> memref<128x128xf32, #tpu.memory_space<vmem>>
    %dma_wait3A_1058 = arith.constant 0 : i32
    %dma_wait3A_1059 = arith.constant 0 : i32
    %dma_wait3A_1060 = tpu.memref_slice %arg8[%arg1, %dma_wait3A_1058, %dma_wait3A_1059] : memref<16x128x128xf32, #tpu.memory_space<vmem_shared>> -> memref<1x128x128xf32, #tpu.memory_space<vmem_shared>>
    %dma_wait3A_1061 = tpu.memref_squeeze %dma_wait3A_1060 : memref<1x128x128xf32, #tpu.memory_space<vmem_shared>> -> memref<128x128xf32, #tpu.memory_space<vmem_shared>>
    %dma_wait3A_1062 = tpu.memref_slice %arg9[%dma_wait3A_1053] : memref<6x!tpu.dma_semaphore, #tpu.memory_space<semaphore_mem>> -> memref<1x!tpu.dma_semaphore, #tpu.memory_space<semaphore_mem>>
    %dma_wait3A_1063 = tpu.memref_squeeze %dma_wait3A_1062 : memref<1x!tpu.dma_semaphore, #tpu.memory_space<semaphore_mem>> -> memref<!tpu.dma_semaphore, #tpu.memory_space<semaphore_mem>>
    %dma_wait3A_1064 = arith.constant 0 : i32
    %dma_wait3A_1065 = arith.constant 0 : i32
    %dma_wait3A_1066 = tpu.memref_slice %arg7[%dma_wait3A_1052, %dma_wait3A_1064, %dma_wait3A_1065] : memref<6x128x128xf32, #tpu.memory_space<vmem>> -> memref<1x128x128xf32, #tpu.memory_space<vmem>>
    %dma_wait3A_1067 = tpu.memref_squeeze %dma_wait3A_1066 : memref<1x128x128xf32, #tpu.memory_space<vmem>> -> memref<128x128xf32, #tpu.memory_space<vmem>>
    %dma_wait3A_1068 = arith.constant 0 : i32
    %dma_wait3A_1069 = arith.constant 0 : i32
    %dma_wait3A_1070 = tpu.memref_slice %arg8[%arg1, %dma_wait3A_1068, %dma_wait3A_1069] : memref<16x128x128xf32, #tpu.memory_space<vmem_shared>> -> memref<1x128x128xf32, #tpu.memory_space<vmem_shared>>
    %dma_wait3A_1071 = tpu.memref_squeeze %dma_wait3A_1070 : memref<1x128x128xf32, #tpu.memory_space<vmem_shared>> -> memref<128x128xf32, #tpu.memory_space<vmem_shared>>
    tpu.wait_dma2 semaphore(%dma_wait3A_1063 : memref<!tpu.dma_semaphore, #tpu.memory_space<semaphore_mem>>) src(%dma_wait3A_1071 : memref<128x128xf32, #tpu.memory_space<vmem_shared>>) dst(%dma_wait3A_1067 : memref<128x128xf32, #tpu.memory_space<vmem>>)
    %dma_start3A_1072 = arith.constant 11 : i32
    %dma_start3A_1073 = arith.constant 5 : i32
    %dma_start3A_1074 = arith.constant 5 : i32
    %dma_start3A_1075 = arith.constant 0 : i32
    %dma_start3A_1076 = arith.constant 0 : i32
    %dma_start3A_1077 = tpu.memref_slice %arg7[%dma_start3A_1073, %dma_start3A_1075, %dma_start3A_1076] : memref<6x128x128xf32, #tpu.memory_space<vmem>> -> memref<1x128x128xf32, #tpu.memory_space<vmem>>
    %dma_start3A_1078 = tpu.memref_squeeze %dma_start3A_1077 : memref<1x128x128xf32, #tpu.memory_space<vmem>> -> memref<128x128xf32, #tpu.memory_space<vmem>>
    %dma_start3A_1079 = arith.constant 0 : i32
    %dma_start3A_1080 = tpu.memref_slice %arg6[%dma_start3A_1072, %dma_start3A_1079] : memref<16x128xi32, #tpu.memory_space<vmem>> -> memref<1x128xi32, #tpu.memory_space<vmem>>
    %dma_start3A_1081 = tpu.memref_squeeze %dma_start3A_1080 : memref<1x128xi32, #tpu.memory_space<vmem>> -> memref<128xi32, #tpu.memory_space<vmem>>
    %dma_start3A_1082 = arith.constant 0 : i32
    %dma_start3A_1083 = arith.constant 0 : i32
    %dma_start3A_1084 = tpu.memref_slice %arg3[%dma_start3A_1082, %dma_start3A_1083] : memref<100000x128xf32, #tpu.memory_space<hbm>> -> memref<100000x128xf32, #tpu.memory_space<hbm>>
    %dma_start3A_1085 = tpu.memref_slice %arg10[%dma_start3A_1074] : memref<6x!tpu.dma_semaphore, #tpu.memory_space<semaphore_mem>> -> memref<1x!tpu.dma_semaphore, #tpu.memory_space<semaphore_mem>>
    %dma_start3A_1086 = tpu.memref_squeeze %dma_start3A_1085 : memref<1x!tpu.dma_semaphore, #tpu.memory_space<semaphore_mem>> -> memref<!tpu.dma_semaphore, #tpu.memory_space<semaphore_mem>>
    tpu.enqueue_indirect_dma source(%dma_start3A_1084 : memref<100000x128xf32, #tpu.memory_space<hbm>>) target(%dma_start3A_1078 : memref<128x128xf32, #tpu.memory_space<vmem>>) offsets(%dma_start3A_1081 : memref<128xi32, #tpu.memory_space<vmem>>) semaphore(%dma_start3A_1086 : memref<!tpu.dma_semaphore, #tpu.memory_space<semaphore_mem>>) {add = true}
    %dma_wait3A_1087 = arith.constant 8 : i32
    %dma_wait3A_1088 = arith.constant 2 : i32
    %dma_wait3A_1089 = arith.constant 2 : i32
    %dma_wait3A_1090 = arith.constant 0 : i32
    %dma_wait3A_1091 = arith.constant 0 : i32
    %dma_wait3A_1092 = tpu.memref_slice %arg7[%dma_wait3A_1088, %dma_wait3A_1090, %dma_wait3A_1091] : memref<6x128x128xf32, #tpu.memory_space<vmem>> -> memref<1x128x128xf32, #tpu.memory_space<vmem>>
    %dma_wait3A_1093 = tpu.memref_squeeze %dma_wait3A_1092 : memref<1x128x128xf32, #tpu.memory_space<vmem>> -> memref<128x128xf32, #tpu.memory_space<vmem>>
    %dma_wait3A_1094 = arith.constant 0 : i32
    %dma_wait3A_1095 = tpu.memref_slice %arg6[%dma_wait3A_1087, %dma_wait3A_1094] : memref<16x128xi32, #tpu.memory_space<vmem>> -> memref<1x128xi32, #tpu.memory_space<vmem>>
    %dma_wait3A_1096 = tpu.memref_squeeze %dma_wait3A_1095 : memref<1x128xi32, #tpu.memory_space<vmem>> -> memref<128xi32, #tpu.memory_space<vmem>>
    %dma_wait3A_1097 = arith.constant 0 : i32
    %dma_wait3A_1098 = arith.constant 0 : i32
    %dma_wait3A_1099 = tpu.memref_slice %arg3[%dma_wait3A_1097, %dma_wait3A_1098] : memref<100000x128xf32, #tpu.memory_space<hbm>> -> memref<100000x128xf32, #tpu.memory_space<hbm>>
    %dma_wait3A_1100 = tpu.memref_slice %arg10[%dma_wait3A_1089] : memref<6x!tpu.dma_semaphore, #tpu.memory_space<semaphore_mem>> -> memref<1x!tpu.dma_semaphore, #tpu.memory_space<semaphore_mem>>
    %dma_wait3A_1101 = tpu.memref_squeeze %dma_wait3A_1100 : memref<1x!tpu.dma_semaphore, #tpu.memory_space<semaphore_mem>> -> memref<!tpu.dma_semaphore, #tpu.memory_space<semaphore_mem>>
    tpu.wait_indirect_dma semaphore(%dma_wait3A_1101 : memref<!tpu.dma_semaphore, #tpu.memory_space<semaphore_mem>>) src(%dma_wait3A_1099 : memref<100000x128xf32, #tpu.memory_space<hbm>>) dst(%dma_wait3A_1093 : memref<128x128xf32, #tpu.memory_space<vmem>>)
    %add3A_1102 = arith.constant 8 : i32
    %add3A_1103 = arith.addi %mul3A_2, %add3A_1102 : i32
    %dma_start3A_1104 = arith.constant 2 : i32
    %dma_start3A_1105 = arith.constant 2 : i32
    %dma_start3A_1106 = arith.constant 0 : i32
    %dma_start3A_1107 = arith.constant 0 : i32
    %dma_start3A_1108 = tpu.memref_slice %arg7[%dma_start3A_1104, %dma_start3A_1106, %dma_start3A_1107] : memref<6x128x128xf32, #tpu.memory_space<vmem>> -> memref<1x128x128xf32, #tpu.memory_space<vmem>>
    %dma_start3A_1109 = tpu.memref_squeeze %dma_start3A_1108 : memref<1x128x128xf32, #tpu.memory_space<vmem>> -> memref<128x128xf32, #tpu.memory_space<vmem>>
    %dma_start3A_1110 = arith.constant 0 : i32
    %dma_start3A_1111 = tpu.memref_slice %arg5[%add3A_1103, %mul3A_0, %dma_start3A_1110] : memref<32x2048x128xf32, #tpu.memory_space<hbm>> -> memref<1x128x128xf32, #tpu.memory_space<hbm>>
    %dma_start3A_1112 = tpu.memref_squeeze %dma_start3A_1111 : memref<1x128x128xf32, #tpu.memory_space<hbm>> -> memref<128x128xf32, #tpu.memory_space<hbm>>
    %dma_start3A_1113 = tpu.memref_slice %arg11[%dma_start3A_1105] : memref<6x!tpu.dma_semaphore, #tpu.memory_space<semaphore_mem>> -> memref<1x!tpu.dma_semaphore, #tpu.memory_space<semaphore_mem>>
    %dma_start3A_1114 = tpu.memref_squeeze %dma_start3A_1113 : memref<1x!tpu.dma_semaphore, #tpu.memory_space<semaphore_mem>> -> memref<!tpu.dma_semaphore, #tpu.memory_space<semaphore_mem>>
    %dma_start3A_1115 = arith.constant 0 : i32
    %dma_start3A_1116 = tpu.memref_slice %arg5[%add3A_1103, %mul3A_0, %dma_start3A_1115] : memref<32x2048x128xf32, #tpu.memory_space<hbm>> -> memref<1x128x128xf32, #tpu.memory_space<hbm>>
    %dma_start3A_1117 = tpu.memref_squeeze %dma_start3A_1116 : memref<1x128x128xf32, #tpu.memory_space<hbm>> -> memref<128x128xf32, #tpu.memory_space<hbm>>
    %dma_start3A_1118 = arith.constant 0 : i32
    %dma_start3A_1119 = arith.constant 0 : i32
    %dma_start3A_1120 = tpu.memref_slice %arg7[%dma_start3A_1104, %dma_start3A_1118, %dma_start3A_1119] : memref<6x128x128xf32, #tpu.memory_space<vmem>> -> memref<1x128x128xf32, #tpu.memory_space<vmem>>
    %dma_start3A_1121 = tpu.memref_squeeze %dma_start3A_1120 : memref<1x128x128xf32, #tpu.memory_space<vmem>> -> memref<128x128xf32, #tpu.memory_space<vmem>>
    tpu.enqueue_dma source(%dma_start3A_1121 : memref<128x128xf32, #tpu.memory_space<vmem>>) target(%dma_start3A_1117 : memref<128x128xf32, #tpu.memory_space<hbm>>) target_semaphore(%dma_start3A_1114 : memref<!tpu.dma_semaphore, #tpu.memory_space<semaphore_mem>>)
    %dma_wait3A_1122 = arith.constant 1 : i32
    %dma_wait3A_1123 = arith.constant 1 : i32
    %dma_wait3A_1124 = arith.constant 0 : i32
    %dma_wait3A_1125 = arith.constant 0 : i32
    %dma_wait3A_1126 = tpu.memref_slice %arg7[%dma_wait3A_1122, %dma_wait3A_1124, %dma_wait3A_1125] : memref<6x128x128xf32, #tpu.memory_space<vmem>> -> memref<1x128x128xf32, #tpu.memory_space<vmem>>
    %dma_wait3A_1127 = tpu.memref_squeeze %dma_wait3A_1126 : memref<1x128x128xf32, #tpu.memory_space<vmem>> -> memref<128x128xf32, #tpu.memory_space<vmem>>
    %dma_wait3A_1128 = arith.constant 0 : i32
    %dma_wait3A_1129 = tpu.memref_slice %arg5[%add3A_995, %mul3A_0, %dma_wait3A_1128] : memref<32x2048x128xf32, #tpu.memory_space<hbm>> -> memref<1x128x128xf32, #tpu.memory_space<hbm>>
    %dma_wait3A_1130 = tpu.memref_squeeze %dma_wait3A_1129 : memref<1x128x128xf32, #tpu.memory_space<hbm>> -> memref<128x128xf32, #tpu.memory_space<hbm>>
    %dma_wait3A_1131 = tpu.memref_slice %arg11[%dma_wait3A_1123] : memref<6x!tpu.dma_semaphore, #tpu.memory_space<semaphore_mem>> -> memref<1x!tpu.dma_semaphore, #tpu.memory_space<semaphore_mem>>
    %dma_wait3A_1132 = tpu.memref_squeeze %dma_wait3A_1131 : memref<1x!tpu.dma_semaphore, #tpu.memory_space<semaphore_mem>> -> memref<!tpu.dma_semaphore, #tpu.memory_space<semaphore_mem>>
    %dma_wait3A_1133 = arith.constant 0 : i32
    %dma_wait3A_1134 = tpu.memref_slice %arg5[%add3A_995, %mul3A_0, %dma_wait3A_1133] : memref<32x2048x128xf32, #tpu.memory_space<hbm>> -> memref<1x128x128xf32, #tpu.memory_space<hbm>>
    %dma_wait3A_1135 = tpu.memref_squeeze %dma_wait3A_1134 : memref<1x128x128xf32, #tpu.memory_space<hbm>> -> memref<128x128xf32, #tpu.memory_space<hbm>>
    %dma_wait3A_1136 = arith.constant 0 : i32
    %dma_wait3A_1137 = arith.constant 0 : i32
    %dma_wait3A_1138 = tpu.memref_slice %arg7[%dma_wait3A_1122, %dma_wait3A_1136, %dma_wait3A_1137] : memref<6x128x128xf32, #tpu.memory_space<vmem>> -> memref<1x128x128xf32, #tpu.memory_space<vmem>>
    %dma_wait3A_1139 = tpu.memref_squeeze %dma_wait3A_1138 : memref<1x128x128xf32, #tpu.memory_space<vmem>> -> memref<128x128xf32, #tpu.memory_space<vmem>>
    tpu.wait_dma2 semaphore(%dma_wait3A_1132 : memref<!tpu.dma_semaphore, #tpu.memory_space<semaphore_mem>>) src(%dma_wait3A_1139 : memref<128x128xf32, #tpu.memory_space<vmem>>) dst(%dma_wait3A_1135 : memref<128x128xf32, #tpu.memory_space<hbm>>)
    %dma_start3A_1140 = arith.constant 1 : i32
    %dma_start3A_1141 = arith.constant 1 : i32
    %dma_start3A_1142 = arith.constant 0 : i32
    %dma_start3A_1143 = arith.constant 0 : i32
    %dma_start3A_1144 = tpu.memref_slice %arg7[%dma_start3A_1140, %dma_start3A_1142, %dma_start3A_1143] : memref<6x128x128xf32, #tpu.memory_space<vmem>> -> memref<1x128x128xf32, #tpu.memory_space<vmem>>
    %dma_start3A_1145 = tpu.memref_squeeze %dma_start3A_1144 : memref<1x128x128xf32, #tpu.memory_space<vmem>> -> memref<128x128xf32, #tpu.memory_space<vmem>>
    %dma_start3A_1146 = arith.constant 0 : i32
    %dma_start3A_1147 = arith.constant 0 : i32
    %dma_start3A_1148 = tpu.memref_slice %arg8[%arg1, %dma_start3A_1146, %dma_start3A_1147] : memref<16x128x128xf32, #tpu.memory_space<vmem_shared>> -> memref<1x128x128xf32, #tpu.memory_space<vmem_shared>>
    %dma_start3A_1149 = tpu.memref_squeeze %dma_start3A_1148 : memref<1x128x128xf32, #tpu.memory_space<vmem_shared>> -> memref<128x128xf32, #tpu.memory_space<vmem_shared>>
    %dma_start3A_1150 = tpu.memref_slice %arg9[%dma_start3A_1141] : memref<6x!tpu.dma_semaphore, #tpu.memory_space<semaphore_mem>> -> memref<1x!tpu.dma_semaphore, #tpu.memory_space<semaphore_mem>>
    %dma_start3A_1151 = tpu.memref_squeeze %dma_start3A_1150 : memref<1x!tpu.dma_semaphore, #tpu.memory_space<semaphore_mem>> -> memref<!tpu.dma_semaphore, #tpu.memory_space<semaphore_mem>>
    %dma_start3A_1152 = arith.constant 0 : i32
    %dma_start3A_1153 = arith.constant 0 : i32
    %dma_start3A_1154 = tpu.memref_slice %arg7[%dma_start3A_1140, %dma_start3A_1152, %dma_start3A_1153] : memref<6x128x128xf32, #tpu.memory_space<vmem>> -> memref<1x128x128xf32, #tpu.memory_space<vmem>>
    %dma_start3A_1155 = tpu.memref_squeeze %dma_start3A_1154 : memref<1x128x128xf32, #tpu.memory_space<vmem>> -> memref<128x128xf32, #tpu.memory_space<vmem>>
    %dma_start3A_1156 = arith.constant 0 : i32
    %dma_start3A_1157 = arith.constant 0 : i32
    %dma_start3A_1158 = tpu.memref_slice %arg8[%arg1, %dma_start3A_1156, %dma_start3A_1157] : memref<16x128x128xf32, #tpu.memory_space<vmem_shared>> -> memref<1x128x128xf32, #tpu.memory_space<vmem_shared>>
    %dma_start3A_1159 = tpu.memref_squeeze %dma_start3A_1158 : memref<1x128x128xf32, #tpu.memory_space<vmem_shared>> -> memref<128x128xf32, #tpu.memory_space<vmem_shared>>
    tpu.enqueue_dma source(%dma_start3A_1159 : memref<128x128xf32, #tpu.memory_space<vmem_shared>>) target(%dma_start3A_1155 : memref<128x128xf32, #tpu.memory_space<vmem>>) target_semaphore(%dma_start3A_1151 : memref<!tpu.dma_semaphore, #tpu.memory_space<semaphore_mem>>)
    %dma_wait3A_1160 = arith.constant 0 : i32
    %dma_wait3A_1161 = arith.constant 0 : i32
    %dma_wait3A_1162 = arith.constant 0 : i32
    %dma_wait3A_1163 = arith.constant 0 : i32
    %dma_wait3A_1164 = tpu.memref_slice %arg7[%dma_wait3A_1160, %dma_wait3A_1162, %dma_wait3A_1163] : memref<6x128x128xf32, #tpu.memory_space<vmem>> -> memref<1x128x128xf32, #tpu.memory_space<vmem>>
    %dma_wait3A_1165 = tpu.memref_squeeze %dma_wait3A_1164 : memref<1x128x128xf32, #tpu.memory_space<vmem>> -> memref<128x128xf32, #tpu.memory_space<vmem>>
    %dma_wait3A_1166 = arith.constant 0 : i32
    %dma_wait3A_1167 = arith.constant 0 : i32
    %dma_wait3A_1168 = tpu.memref_slice %arg8[%arg1, %dma_wait3A_1166, %dma_wait3A_1167] : memref<16x128x128xf32, #tpu.memory_space<vmem_shared>> -> memref<1x128x128xf32, #tpu.memory_space<vmem_shared>>
    %dma_wait3A_1169 = tpu.memref_squeeze %dma_wait3A_1168 : memref<1x128x128xf32, #tpu.memory_space<vmem_shared>> -> memref<128x128xf32, #tpu.memory_space<vmem_shared>>
    %dma_wait3A_1170 = tpu.memref_slice %arg9[%dma_wait3A_1161] : memref<6x!tpu.dma_semaphore, #tpu.memory_space<semaphore_mem>> -> memref<1x!tpu.dma_semaphore, #tpu.memory_space<semaphore_mem>>
    %dma_wait3A_1171 = tpu.memref_squeeze %dma_wait3A_1170 : memref<1x!tpu.dma_semaphore, #tpu.memory_space<semaphore_mem>> -> memref<!tpu.dma_semaphore, #tpu.memory_space<semaphore_mem>>
    %dma_wait3A_1172 = arith.constant 0 : i32
    %dma_wait3A_1173 = arith.constant 0 : i32
    %dma_wait3A_1174 = tpu.memref_slice %arg7[%dma_wait3A_1160, %dma_wait3A_1172, %dma_wait3A_1173] : memref<6x128x128xf32, #tpu.memory_space<vmem>> -> memref<1x128x128xf32, #tpu.memory_space<vmem>>
    %dma_wait3A_1175 = tpu.memref_squeeze %dma_wait3A_1174 : memref<1x128x128xf32, #tpu.memory_space<vmem>> -> memref<128x128xf32, #tpu.memory_space<vmem>>
    %dma_wait3A_1176 = arith.constant 0 : i32
    %dma_wait3A_1177 = arith.constant 0 : i32
    %dma_wait3A_1178 = tpu.memref_slice %arg8[%arg1, %dma_wait3A_1176, %dma_wait3A_1177] : memref<16x128x128xf32, #tpu.memory_space<vmem_shared>> -> memref<1x128x128xf32, #tpu.memory_space<vmem_shared>>
    %dma_wait3A_1179 = tpu.memref_squeeze %dma_wait3A_1178 : memref<1x128x128xf32, #tpu.memory_space<vmem_shared>> -> memref<128x128xf32, #tpu.memory_space<vmem_shared>>
    tpu.wait_dma2 semaphore(%dma_wait3A_1171 : memref<!tpu.dma_semaphore, #tpu.memory_space<semaphore_mem>>) src(%dma_wait3A_1179 : memref<128x128xf32, #tpu.memory_space<vmem_shared>>) dst(%dma_wait3A_1175 : memref<128x128xf32, #tpu.memory_space<vmem>>)
    %dma_start3A_1180 = arith.constant 12 : i32
    %dma_start3A_1181 = arith.constant 0 : i32
    %dma_start3A_1182 = arith.constant 0 : i32
    %dma_start3A_1183 = arith.constant 0 : i32
    %dma_start3A_1184 = arith.constant 0 : i32
    %dma_start3A_1185 = tpu.memref_slice %arg7[%dma_start3A_1181, %dma_start3A_1183, %dma_start3A_1184] : memref<6x128x128xf32, #tpu.memory_space<vmem>> -> memref<1x128x128xf32, #tpu.memory_space<vmem>>
    %dma_start3A_1186 = tpu.memref_squeeze %dma_start3A_1185 : memref<1x128x128xf32, #tpu.memory_space<vmem>> -> memref<128x128xf32, #tpu.memory_space<vmem>>
    %dma_start3A_1187 = arith.constant 0 : i32
    %dma_start3A_1188 = tpu.memref_slice %arg6[%dma_start3A_1180, %dma_start3A_1187] : memref<16x128xi32, #tpu.memory_space<vmem>> -> memref<1x128xi32, #tpu.memory_space<vmem>>
    %dma_start3A_1189 = tpu.memref_squeeze %dma_start3A_1188 : memref<1x128xi32, #tpu.memory_space<vmem>> -> memref<128xi32, #tpu.memory_space<vmem>>
    %dma_start3A_1190 = arith.constant 0 : i32
    %dma_start3A_1191 = arith.constant 0 : i32
    %dma_start3A_1192 = tpu.memref_slice %arg3[%dma_start3A_1190, %dma_start3A_1191] : memref<100000x128xf32, #tpu.memory_space<hbm>> -> memref<100000x128xf32, #tpu.memory_space<hbm>>
    %dma_start3A_1193 = tpu.memref_slice %arg10[%dma_start3A_1182] : memref<6x!tpu.dma_semaphore, #tpu.memory_space<semaphore_mem>> -> memref<1x!tpu.dma_semaphore, #tpu.memory_space<semaphore_mem>>
    %dma_start3A_1194 = tpu.memref_squeeze %dma_start3A_1193 : memref<1x!tpu.dma_semaphore, #tpu.memory_space<semaphore_mem>> -> memref<!tpu.dma_semaphore, #tpu.memory_space<semaphore_mem>>
    tpu.enqueue_indirect_dma source(%dma_start3A_1192 : memref<100000x128xf32, #tpu.memory_space<hbm>>) target(%dma_start3A_1186 : memref<128x128xf32, #tpu.memory_space<vmem>>) offsets(%dma_start3A_1189 : memref<128xi32, #tpu.memory_space<vmem>>) semaphore(%dma_start3A_1194 : memref<!tpu.dma_semaphore, #tpu.memory_space<semaphore_mem>>) {add = true}
    %dma_wait3A_1195 = arith.constant 9 : i32
    %dma_wait3A_1196 = arith.constant 3 : i32
    %dma_wait3A_1197 = arith.constant 3 : i32
    %dma_wait3A_1198 = arith.constant 0 : i32
    %dma_wait3A_1199 = arith.constant 0 : i32
    %dma_wait3A_1200 = tpu.memref_slice %arg7[%dma_wait3A_1196, %dma_wait3A_1198, %dma_wait3A_1199] : memref<6x128x128xf32, #tpu.memory_space<vmem>> -> memref<1x128x128xf32, #tpu.memory_space<vmem>>
    %dma_wait3A_1201 = tpu.memref_squeeze %dma_wait3A_1200 : memref<1x128x128xf32, #tpu.memory_space<vmem>> -> memref<128x128xf32, #tpu.memory_space<vmem>>
    %dma_wait3A_1202 = arith.constant 0 : i32
    %dma_wait3A_1203 = tpu.memref_slice %arg6[%dma_wait3A_1195, %dma_wait3A_1202] : memref<16x128xi32, #tpu.memory_space<vmem>> -> memref<1x128xi32, #tpu.memory_space<vmem>>
    %dma_wait3A_1204 = tpu.memref_squeeze %dma_wait3A_1203 : memref<1x128xi32, #tpu.memory_space<vmem>> -> memref<128xi32, #tpu.memory_space<vmem>>
    %dma_wait3A_1205 = arith.constant 0 : i32
    %dma_wait3A_1206 = arith.constant 0 : i32
    %dma_wait3A_1207 = tpu.memref_slice %arg3[%dma_wait3A_1205, %dma_wait3A_1206] : memref<100000x128xf32, #tpu.memory_space<hbm>> -> memref<100000x128xf32, #tpu.memory_space<hbm>>
    %dma_wait3A_1208 = tpu.memref_slice %arg10[%dma_wait3A_1197] : memref<6x!tpu.dma_semaphore, #tpu.memory_space<semaphore_mem>> -> memref<1x!tpu.dma_semaphore, #tpu.memory_space<semaphore_mem>>
    %dma_wait3A_1209 = tpu.memref_squeeze %dma_wait3A_1208 : memref<1x!tpu.dma_semaphore, #tpu.memory_space<semaphore_mem>> -> memref<!tpu.dma_semaphore, #tpu.memory_space<semaphore_mem>>
    tpu.wait_indirect_dma semaphore(%dma_wait3A_1209 : memref<!tpu.dma_semaphore, #tpu.memory_space<semaphore_mem>>) src(%dma_wait3A_1207 : memref<100000x128xf32, #tpu.memory_space<hbm>>) dst(%dma_wait3A_1201 : memref<128x128xf32, #tpu.memory_space<vmem>>)
    %add3A_1210 = arith.constant 9 : i32
    %add3A_1211 = arith.addi %mul3A_2, %add3A_1210 : i32
    %dma_start3A_1212 = arith.constant 3 : i32
    %dma_start3A_1213 = arith.constant 3 : i32
    %dma_start3A_1214 = arith.constant 0 : i32
    %dma_start3A_1215 = arith.constant 0 : i32
    %dma_start3A_1216 = tpu.memref_slice %arg7[%dma_start3A_1212, %dma_start3A_1214, %dma_start3A_1215] : memref<6x128x128xf32, #tpu.memory_space<vmem>> -> memref<1x128x128xf32, #tpu.memory_space<vmem>>
    %dma_start3A_1217 = tpu.memref_squeeze %dma_start3A_1216 : memref<1x128x128xf32, #tpu.memory_space<vmem>> -> memref<128x128xf32, #tpu.memory_space<vmem>>
    %dma_start3A_1218 = arith.constant 0 : i32
    %dma_start3A_1219 = tpu.memref_slice %arg5[%add3A_1211, %mul3A_0, %dma_start3A_1218] : memref<32x2048x128xf32, #tpu.memory_space<hbm>> -> memref<1x128x128xf32, #tpu.memory_space<hbm>>
    %dma_start3A_1220 = tpu.memref_squeeze %dma_start3A_1219 : memref<1x128x128xf32, #tpu.memory_space<hbm>> -> memref<128x128xf32, #tpu.memory_space<hbm>>
    %dma_start3A_1221 = tpu.memref_slice %arg11[%dma_start3A_1213] : memref<6x!tpu.dma_semaphore, #tpu.memory_space<semaphore_mem>> -> memref<1x!tpu.dma_semaphore, #tpu.memory_space<semaphore_mem>>
    %dma_start3A_1222 = tpu.memref_squeeze %dma_start3A_1221 : memref<1x!tpu.dma_semaphore, #tpu.memory_space<semaphore_mem>> -> memref<!tpu.dma_semaphore, #tpu.memory_space<semaphore_mem>>
    %dma_start3A_1223 = arith.constant 0 : i32
    %dma_start3A_1224 = tpu.memref_slice %arg5[%add3A_1211, %mul3A_0, %dma_start3A_1223] : memref<32x2048x128xf32, #tpu.memory_space<hbm>> -> memref<1x128x128xf32, #tpu.memory_space<hbm>>
    %dma_start3A_1225 = tpu.memref_squeeze %dma_start3A_1224 : memref<1x128x128xf32, #tpu.memory_space<hbm>> -> memref<128x128xf32, #tpu.memory_space<hbm>>
    %dma_start3A_1226 = arith.constant 0 : i32
    %dma_start3A_1227 = arith.constant 0 : i32
    %dma_start3A_1228 = tpu.memref_slice %arg7[%dma_start3A_1212, %dma_start3A_1226, %dma_start3A_1227] : memref<6x128x128xf32, #tpu.memory_space<vmem>> -> memref<1x128x128xf32, #tpu.memory_space<vmem>>
    %dma_start3A_1229 = tpu.memref_squeeze %dma_start3A_1228 : memref<1x128x128xf32, #tpu.memory_space<vmem>> -> memref<128x128xf32, #tpu.memory_space<vmem>>
    tpu.enqueue_dma source(%dma_start3A_1229 : memref<128x128xf32, #tpu.memory_space<vmem>>) target(%dma_start3A_1225 : memref<128x128xf32, #tpu.memory_space<hbm>>) target_semaphore(%dma_start3A_1222 : memref<!tpu.dma_semaphore, #tpu.memory_space<semaphore_mem>>)
    %dma_wait3A_1230 = arith.constant 2 : i32
    %dma_wait3A_1231 = arith.constant 2 : i32
    %dma_wait3A_1232 = arith.constant 0 : i32
    %dma_wait3A_1233 = arith.constant 0 : i32
    %dma_wait3A_1234 = tpu.memref_slice %arg7[%dma_wait3A_1230, %dma_wait3A_1232, %dma_wait3A_1233] : memref<6x128x128xf32, #tpu.memory_space<vmem>> -> memref<1x128x128xf32, #tpu.memory_space<vmem>>
    %dma_wait3A_1235 = tpu.memref_squeeze %dma_wait3A_1234 : memref<1x128x128xf32, #tpu.memory_space<vmem>> -> memref<128x128xf32, #tpu.memory_space<vmem>>
    %dma_wait3A_1236 = arith.constant 0 : i32
    %dma_wait3A_1237 = tpu.memref_slice %arg5[%add3A_1103, %mul3A_0, %dma_wait3A_1236] : memref<32x2048x128xf32, #tpu.memory_space<hbm>> -> memref<1x128x128xf32, #tpu.memory_space<hbm>>
    %dma_wait3A_1238 = tpu.memref_squeeze %dma_wait3A_1237 : memref<1x128x128xf32, #tpu.memory_space<hbm>> -> memref<128x128xf32, #tpu.memory_space<hbm>>
    %dma_wait3A_1239 = tpu.memref_slice %arg11[%dma_wait3A_1231] : memref<6x!tpu.dma_semaphore, #tpu.memory_space<semaphore_mem>> -> memref<1x!tpu.dma_semaphore, #tpu.memory_space<semaphore_mem>>
    %dma_wait3A_1240 = tpu.memref_squeeze %dma_wait3A_1239 : memref<1x!tpu.dma_semaphore, #tpu.memory_space<semaphore_mem>> -> memref<!tpu.dma_semaphore, #tpu.memory_space<semaphore_mem>>
    %dma_wait3A_1241 = arith.constant 0 : i32
    %dma_wait3A_1242 = tpu.memref_slice %arg5[%add3A_1103, %mul3A_0, %dma_wait3A_1241] : memref<32x2048x128xf32, #tpu.memory_space<hbm>> -> memref<1x128x128xf32, #tpu.memory_space<hbm>>
    %dma_wait3A_1243 = tpu.memref_squeeze %dma_wait3A_1242 : memref<1x128x128xf32, #tpu.memory_space<hbm>> -> memref<128x128xf32, #tpu.memory_space<hbm>>
    %dma_wait3A_1244 = arith.constant 0 : i32
    %dma_wait3A_1245 = arith.constant 0 : i32
    %dma_wait3A_1246 = tpu.memref_slice %arg7[%dma_wait3A_1230, %dma_wait3A_1244, %dma_wait3A_1245] : memref<6x128x128xf32, #tpu.memory_space<vmem>> -> memref<1x128x128xf32, #tpu.memory_space<vmem>>
    %dma_wait3A_1247 = tpu.memref_squeeze %dma_wait3A_1246 : memref<1x128x128xf32, #tpu.memory_space<vmem>> -> memref<128x128xf32, #tpu.memory_space<vmem>>
    tpu.wait_dma2 semaphore(%dma_wait3A_1240 : memref<!tpu.dma_semaphore, #tpu.memory_space<semaphore_mem>>) src(%dma_wait3A_1247 : memref<128x128xf32, #tpu.memory_space<vmem>>) dst(%dma_wait3A_1243 : memref<128x128xf32, #tpu.memory_space<hbm>>)
    %dma_start3A_1248 = arith.constant 2 : i32
    %dma_start3A_1249 = arith.constant 2 : i32
    %dma_start3A_1250 = arith.constant 0 : i32
    %dma_start3A_1251 = arith.constant 0 : i32
    %dma_start3A_1252 = tpu.memref_slice %arg7[%dma_start3A_1248, %dma_start3A_1250, %dma_start3A_1251] : memref<6x128x128xf32, #tpu.memory_space<vmem>> -> memref<1x128x128xf32, #tpu.memory_space<vmem>>
    %dma_start3A_1253 = tpu.memref_squeeze %dma_start3A_1252 : memref<1x128x128xf32, #tpu.memory_space<vmem>> -> memref<128x128xf32, #tpu.memory_space<vmem>>
    %dma_start3A_1254 = arith.constant 0 : i32
    %dma_start3A_1255 = arith.constant 0 : i32
    %dma_start3A_1256 = tpu.memref_slice %arg8[%arg1, %dma_start3A_1254, %dma_start3A_1255] : memref<16x128x128xf32, #tpu.memory_space<vmem_shared>> -> memref<1x128x128xf32, #tpu.memory_space<vmem_shared>>
    %dma_start3A_1257 = tpu.memref_squeeze %dma_start3A_1256 : memref<1x128x128xf32, #tpu.memory_space<vmem_shared>> -> memref<128x128xf32, #tpu.memory_space<vmem_shared>>
    %dma_start3A_1258 = tpu.memref_slice %arg9[%dma_start3A_1249] : memref<6x!tpu.dma_semaphore, #tpu.memory_space<semaphore_mem>> -> memref<1x!tpu.dma_semaphore, #tpu.memory_space<semaphore_mem>>
    %dma_start3A_1259 = tpu.memref_squeeze %dma_start3A_1258 : memref<1x!tpu.dma_semaphore, #tpu.memory_space<semaphore_mem>> -> memref<!tpu.dma_semaphore, #tpu.memory_space<semaphore_mem>>
    %dma_start3A_1260 = arith.constant 0 : i32
    %dma_start3A_1261 = arith.constant 0 : i32
    %dma_start3A_1262 = tpu.memref_slice %arg7[%dma_start3A_1248, %dma_start3A_1260, %dma_start3A_1261] : memref<6x128x128xf32, #tpu.memory_space<vmem>> -> memref<1x128x128xf32, #tpu.memory_space<vmem>>
    %dma_start3A_1263 = tpu.memref_squeeze %dma_start3A_1262 : memref<1x128x128xf32, #tpu.memory_space<vmem>> -> memref<128x128xf32, #tpu.memory_space<vmem>>
    %dma_start3A_1264 = arith.constant 0 : i32
    %dma_start3A_1265 = arith.constant 0 : i32
    %dma_start3A_1266 = tpu.memref_slice %arg8[%arg1, %dma_start3A_1264, %dma_start3A_1265] : memref<16x128x128xf32, #tpu.memory_space<vmem_shared>> -> memref<1x128x128xf32, #tpu.memory_space<vmem_shared>>
    %dma_start3A_1267 = tpu.memref_squeeze %dma_start3A_1266 : memref<1x128x128xf32, #tpu.memory_space<vmem_shared>> -> memref<128x128xf32, #tpu.memory_space<vmem_shared>>
    tpu.enqueue_dma source(%dma_start3A_1267 : memref<128x128xf32, #tpu.memory_space<vmem_shared>>) target(%dma_start3A_1263 : memref<128x128xf32, #tpu.memory_space<vmem>>) target_semaphore(%dma_start3A_1259 : memref<!tpu.dma_semaphore, #tpu.memory_space<semaphore_mem>>)
    %dma_wait3A_1268 = arith.constant 1 : i32
    %dma_wait3A_1269 = arith.constant 1 : i32
    %dma_wait3A_1270 = arith.constant 0 : i32
    %dma_wait3A_1271 = arith.constant 0 : i32
    %dma_wait3A_1272 = tpu.memref_slice %arg7[%dma_wait3A_1268, %dma_wait3A_1270, %dma_wait3A_1271] : memref<6x128x128xf32, #tpu.memory_space<vmem>> -> memref<1x128x128xf32, #tpu.memory_space<vmem>>
    %dma_wait3A_1273 = tpu.memref_squeeze %dma_wait3A_1272 : memref<1x128x128xf32, #tpu.memory_space<vmem>> -> memref<128x128xf32, #tpu.memory_space<vmem>>
    %dma_wait3A_1274 = arith.constant 0 : i32
    %dma_wait3A_1275 = arith.constant 0 : i32
    %dma_wait3A_1276 = tpu.memref_slice %arg8[%arg1, %dma_wait3A_1274, %dma_wait3A_1275] : memref<16x128x128xf32, #tpu.memory_space<vmem_shared>> -> memref<1x128x128xf32, #tpu.memory_space<vmem_shared>>
    %dma_wait3A_1277 = tpu.memref_squeeze %dma_wait3A_1276 : memref<1x128x128xf32, #tpu.memory_space<vmem_shared>> -> memref<128x128xf32, #tpu.memory_space<vmem_shared>>
    %dma_wait3A_1278 = tpu.memref_slice %arg9[%dma_wait3A_1269] : memref<6x!tpu.dma_semaphore, #tpu.memory_space<semaphore_mem>> -> memref<1x!tpu.dma_semaphore, #tpu.memory_space<semaphore_mem>>
    %dma_wait3A_1279 = tpu.memref_squeeze %dma_wait3A_1278 : memref<1x!tpu.dma_semaphore, #tpu.memory_space<semaphore_mem>> -> memref<!tpu.dma_semaphore, #tpu.memory_space<semaphore_mem>>
    %dma_wait3A_1280 = arith.constant 0 : i32
    %dma_wait3A_1281 = arith.constant 0 : i32
    %dma_wait3A_1282 = tpu.memref_slice %arg7[%dma_wait3A_1268, %dma_wait3A_1280, %dma_wait3A_1281] : memref<6x128x128xf32, #tpu.memory_space<vmem>> -> memref<1x128x128xf32, #tpu.memory_space<vmem>>
    %dma_wait3A_1283 = tpu.memref_squeeze %dma_wait3A_1282 : memref<1x128x128xf32, #tpu.memory_space<vmem>> -> memref<128x128xf32, #tpu.memory_space<vmem>>
    %dma_wait3A_1284 = arith.constant 0 : i32
    %dma_wait3A_1285 = arith.constant 0 : i32
    %dma_wait3A_1286 = tpu.memref_slice %arg8[%arg1, %dma_wait3A_1284, %dma_wait3A_1285] : memref<16x128x128xf32, #tpu.memory_space<vmem_shared>> -> memref<1x128x128xf32, #tpu.memory_space<vmem_shared>>
    %dma_wait3A_1287 = tpu.memref_squeeze %dma_wait3A_1286 : memref<1x128x128xf32, #tpu.memory_space<vmem_shared>> -> memref<128x128xf32, #tpu.memory_space<vmem_shared>>
    tpu.wait_dma2 semaphore(%dma_wait3A_1279 : memref<!tpu.dma_semaphore, #tpu.memory_space<semaphore_mem>>) src(%dma_wait3A_1287 : memref<128x128xf32, #tpu.memory_space<vmem_shared>>) dst(%dma_wait3A_1283 : memref<128x128xf32, #tpu.memory_space<vmem>>)
    %dma_start3A_1288 = arith.constant 13 : i32
    %dma_start3A_1289 = arith.constant 1 : i32
    %dma_start3A_1290 = arith.constant 1 : i32
    %dma_start3A_1291 = arith.constant 0 : i32
    %dma_start3A_1292 = arith.constant 0 : i32
    %dma_start3A_1293 = tpu.memref_slice %arg7[%dma_start3A_1289, %dma_start3A_1291, %dma_start3A_1292] : memref<6x128x128xf32, #tpu.memory_space<vmem>> -> memref<1x128x128xf32, #tpu.memory_space<vmem>>
    %dma_start3A_1294 = tpu.memref_squeeze %dma_start3A_1293 : memref<1x128x128xf32, #tpu.memory_space<vmem>> -> memref<128x128xf32, #tpu.memory_space<vmem>>
    %dma_start3A_1295 = arith.constant 0 : i32
    %dma_start3A_1296 = tpu.memref_slice %arg6[%dma_start3A_1288, %dma_start3A_1295] : memref<16x128xi32, #tpu.memory_space<vmem>> -> memref<1x128xi32, #tpu.memory_space<vmem>>
    %dma_start3A_1297 = tpu.memref_squeeze %dma_start3A_1296 : memref<1x128xi32, #tpu.memory_space<vmem>> -> memref<128xi32, #tpu.memory_space<vmem>>
    %dma_start3A_1298 = arith.constant 0 : i32
    %dma_start3A_1299 = arith.constant 0 : i32
    %dma_start3A_1300 = tpu.memref_slice %arg3[%dma_start3A_1298, %dma_start3A_1299] : memref<100000x128xf32, #tpu.memory_space<hbm>> -> memref<100000x128xf32, #tpu.memory_space<hbm>>
    %dma_start3A_1301 = tpu.memref_slice %arg10[%dma_start3A_1290] : memref<6x!tpu.dma_semaphore, #tpu.memory_space<semaphore_mem>> -> memref<1x!tpu.dma_semaphore, #tpu.memory_space<semaphore_mem>>
    %dma_start3A_1302 = tpu.memref_squeeze %dma_start3A_1301 : memref<1x!tpu.dma_semaphore, #tpu.memory_space<semaphore_mem>> -> memref<!tpu.dma_semaphore, #tpu.memory_space<semaphore_mem>>
    tpu.enqueue_indirect_dma source(%dma_start3A_1300 : memref<100000x128xf32, #tpu.memory_space<hbm>>) target(%dma_start3A_1294 : memref<128x128xf32, #tpu.memory_space<vmem>>) offsets(%dma_start3A_1297 : memref<128xi32, #tpu.memory_space<vmem>>) semaphore(%dma_start3A_1302 : memref<!tpu.dma_semaphore, #tpu.memory_space<semaphore_mem>>) {add = true}
    %dma_wait3A_1303 = arith.constant 10 : i32
    %dma_wait3A_1304 = arith.constant 4 : i32
    %dma_wait3A_1305 = arith.constant 4 : i32
    %dma_wait3A_1306 = arith.constant 0 : i32
    %dma_wait3A_1307 = arith.constant 0 : i32
    %dma_wait3A_1308 = tpu.memref_slice %arg7[%dma_wait3A_1304, %dma_wait3A_1306, %dma_wait3A_1307] : memref<6x128x128xf32, #tpu.memory_space<vmem>> -> memref<1x128x128xf32, #tpu.memory_space<vmem>>
    %dma_wait3A_1309 = tpu.memref_squeeze %dma_wait3A_1308 : memref<1x128x128xf32, #tpu.memory_space<vmem>> -> memref<128x128xf32, #tpu.memory_space<vmem>>
    %dma_wait3A_1310 = arith.constant 0 : i32
    %dma_wait3A_1311 = tpu.memref_slice %arg6[%dma_wait3A_1303, %dma_wait3A_1310] : memref<16x128xi32, #tpu.memory_space<vmem>> -> memref<1x128xi32, #tpu.memory_space<vmem>>
    %dma_wait3A_1312 = tpu.memref_squeeze %dma_wait3A_1311 : memref<1x128xi32, #tpu.memory_space<vmem>> -> memref<128xi32, #tpu.memory_space<vmem>>
    %dma_wait3A_1313 = arith.constant 0 : i32
    %dma_wait3A_1314 = arith.constant 0 : i32
    %dma_wait3A_1315 = tpu.memref_slice %arg3[%dma_wait3A_1313, %dma_wait3A_1314] : memref<100000x128xf32, #tpu.memory_space<hbm>> -> memref<100000x128xf32, #tpu.memory_space<hbm>>
    %dma_wait3A_1316 = tpu.memref_slice %arg10[%dma_wait3A_1305] : memref<6x!tpu.dma_semaphore, #tpu.memory_space<semaphore_mem>> -> memref<1x!tpu.dma_semaphore, #tpu.memory_space<semaphore_mem>>
    %dma_wait3A_1317 = tpu.memref_squeeze %dma_wait3A_1316 : memref<1x!tpu.dma_semaphore, #tpu.memory_space<semaphore_mem>> -> memref<!tpu.dma_semaphore, #tpu.memory_space<semaphore_mem>>
    tpu.wait_indirect_dma semaphore(%dma_wait3A_1317 : memref<!tpu.dma_semaphore, #tpu.memory_space<semaphore_mem>>) src(%dma_wait3A_1315 : memref<100000x128xf32, #tpu.memory_space<hbm>>) dst(%dma_wait3A_1309 : memref<128x128xf32, #tpu.memory_space<vmem>>)
    %add3A_1318 = arith.constant 10 : i32
    %add3A_1319 = arith.addi %mul3A_2, %add3A_1318 : i32
    %dma_start3A_1320 = arith.constant 4 : i32
    %dma_start3A_1321 = arith.constant 4 : i32
    %dma_start3A_1322 = arith.constant 0 : i32
    %dma_start3A_1323 = arith.constant 0 : i32
    %dma_start3A_1324 = tpu.memref_slice %arg7[%dma_start3A_1320, %dma_start3A_1322, %dma_start3A_1323] : memref<6x128x128xf32, #tpu.memory_space<vmem>> -> memref<1x128x128xf32, #tpu.memory_space<vmem>>
    %dma_start3A_1325 = tpu.memref_squeeze %dma_start3A_1324 : memref<1x128x128xf32, #tpu.memory_space<vmem>> -> memref<128x128xf32, #tpu.memory_space<vmem>>
    %dma_start3A_1326 = arith.constant 0 : i32
    %dma_start3A_1327 = tpu.memref_slice %arg5[%add3A_1319, %mul3A_0, %dma_start3A_1326] : memref<32x2048x128xf32, #tpu.memory_space<hbm>> -> memref<1x128x128xf32, #tpu.memory_space<hbm>>
    %dma_start3A_1328 = tpu.memref_squeeze %dma_start3A_1327 : memref<1x128x128xf32, #tpu.memory_space<hbm>> -> memref<128x128xf32, #tpu.memory_space<hbm>>
    %dma_start3A_1329 = tpu.memref_slice %arg11[%dma_start3A_1321] : memref<6x!tpu.dma_semaphore, #tpu.memory_space<semaphore_mem>> -> memref<1x!tpu.dma_semaphore, #tpu.memory_space<semaphore_mem>>
    %dma_start3A_1330 = tpu.memref_squeeze %dma_start3A_1329 : memref<1x!tpu.dma_semaphore, #tpu.memory_space<semaphore_mem>> -> memref<!tpu.dma_semaphore, #tpu.memory_space<semaphore_mem>>
    %dma_start3A_1331 = arith.constant 0 : i32
    %dma_start3A_1332 = tpu.memref_slice %arg5[%add3A_1319, %mul3A_0, %dma_start3A_1331] : memref<32x2048x128xf32, #tpu.memory_space<hbm>> -> memref<1x128x128xf32, #tpu.memory_space<hbm>>
    %dma_start3A_1333 = tpu.memref_squeeze %dma_start3A_1332 : memref<1x128x128xf32, #tpu.memory_space<hbm>> -> memref<128x128xf32, #tpu.memory_space<hbm>>
    %dma_start3A_1334 = arith.constant 0 : i32
    %dma_start3A_1335 = arith.constant 0 : i32
    %dma_start3A_1336 = tpu.memref_slice %arg7[%dma_start3A_1320, %dma_start3A_1334, %dma_start3A_1335] : memref<6x128x128xf32, #tpu.memory_space<vmem>> -> memref<1x128x128xf32, #tpu.memory_space<vmem>>
    %dma_start3A_1337 = tpu.memref_squeeze %dma_start3A_1336 : memref<1x128x128xf32, #tpu.memory_space<vmem>> -> memref<128x128xf32, #tpu.memory_space<vmem>>
    tpu.enqueue_dma source(%dma_start3A_1337 : memref<128x128xf32, #tpu.memory_space<vmem>>) target(%dma_start3A_1333 : memref<128x128xf32, #tpu.memory_space<hbm>>) target_semaphore(%dma_start3A_1330 : memref<!tpu.dma_semaphore, #tpu.memory_space<semaphore_mem>>)
    %dma_wait3A_1338 = arith.constant 3 : i32
    %dma_wait3A_1339 = arith.constant 3 : i32
    %dma_wait3A_1340 = arith.constant 0 : i32
    %dma_wait3A_1341 = arith.constant 0 : i32
    %dma_wait3A_1342 = tpu.memref_slice %arg7[%dma_wait3A_1338, %dma_wait3A_1340, %dma_wait3A_1341] : memref<6x128x128xf32, #tpu.memory_space<vmem>> -> memref<1x128x128xf32, #tpu.memory_space<vmem>>
    %dma_wait3A_1343 = tpu.memref_squeeze %dma_wait3A_1342 : memref<1x128x128xf32, #tpu.memory_space<vmem>> -> memref<128x128xf32, #tpu.memory_space<vmem>>
    %dma_wait3A_1344 = arith.constant 0 : i32
    %dma_wait3A_1345 = tpu.memref_slice %arg5[%add3A_1211, %mul3A_0, %dma_wait3A_1344] : memref<32x2048x128xf32, #tpu.memory_space<hbm>> -> memref<1x128x128xf32, #tpu.memory_space<hbm>>
    %dma_wait3A_1346 = tpu.memref_squeeze %dma_wait3A_1345 : memref<1x128x128xf32, #tpu.memory_space<hbm>> -> memref<128x128xf32, #tpu.memory_space<hbm>>
    %dma_wait3A_1347 = tpu.memref_slice %arg11[%dma_wait3A_1339] : memref<6x!tpu.dma_semaphore, #tpu.memory_space<semaphore_mem>> -> memref<1x!tpu.dma_semaphore, #tpu.memory_space<semaphore_mem>>
    %dma_wait3A_1348 = tpu.memref_squeeze %dma_wait3A_1347 : memref<1x!tpu.dma_semaphore, #tpu.memory_space<semaphore_mem>> -> memref<!tpu.dma_semaphore, #tpu.memory_space<semaphore_mem>>
    %dma_wait3A_1349 = arith.constant 0 : i32
    %dma_wait3A_1350 = tpu.memref_slice %arg5[%add3A_1211, %mul3A_0, %dma_wait3A_1349] : memref<32x2048x128xf32, #tpu.memory_space<hbm>> -> memref<1x128x128xf32, #tpu.memory_space<hbm>>
    %dma_wait3A_1351 = tpu.memref_squeeze %dma_wait3A_1350 : memref<1x128x128xf32, #tpu.memory_space<hbm>> -> memref<128x128xf32, #tpu.memory_space<hbm>>
    %dma_wait3A_1352 = arith.constant 0 : i32
    %dma_wait3A_1353 = arith.constant 0 : i32
    %dma_wait3A_1354 = tpu.memref_slice %arg7[%dma_wait3A_1338, %dma_wait3A_1352, %dma_wait3A_1353] : memref<6x128x128xf32, #tpu.memory_space<vmem>> -> memref<1x128x128xf32, #tpu.memory_space<vmem>>
    %dma_wait3A_1355 = tpu.memref_squeeze %dma_wait3A_1354 : memref<1x128x128xf32, #tpu.memory_space<vmem>> -> memref<128x128xf32, #tpu.memory_space<vmem>>
    tpu.wait_dma2 semaphore(%dma_wait3A_1348 : memref<!tpu.dma_semaphore, #tpu.memory_space<semaphore_mem>>) src(%dma_wait3A_1355 : memref<128x128xf32, #tpu.memory_space<vmem>>) dst(%dma_wait3A_1351 : memref<128x128xf32, #tpu.memory_space<hbm>>)
    %dma_start3A_1356 = arith.constant 3 : i32
    %dma_start3A_1357 = arith.constant 3 : i32
    %dma_start3A_1358 = arith.constant 0 : i32
    %dma_start3A_1359 = arith.constant 0 : i32
    %dma_start3A_1360 = tpu.memref_slice %arg7[%dma_start3A_1356, %dma_start3A_1358, %dma_start3A_1359] : memref<6x128x128xf32, #tpu.memory_space<vmem>> -> memref<1x128x128xf32, #tpu.memory_space<vmem>>
    %dma_start3A_1361 = tpu.memref_squeeze %dma_start3A_1360 : memref<1x128x128xf32, #tpu.memory_space<vmem>> -> memref<128x128xf32, #tpu.memory_space<vmem>>
    %dma_start3A_1362 = arith.constant 0 : i32
    %dma_start3A_1363 = arith.constant 0 : i32
    %dma_start3A_1364 = tpu.memref_slice %arg8[%arg1, %dma_start3A_1362, %dma_start3A_1363] : memref<16x128x128xf32, #tpu.memory_space<vmem_shared>> -> memref<1x128x128xf32, #tpu.memory_space<vmem_shared>>
    %dma_start3A_1365 = tpu.memref_squeeze %dma_start3A_1364 : memref<1x128x128xf32, #tpu.memory_space<vmem_shared>> -> memref<128x128xf32, #tpu.memory_space<vmem_shared>>
    %dma_start3A_1366 = tpu.memref_slice %arg9[%dma_start3A_1357] : memref<6x!tpu.dma_semaphore, #tpu.memory_space<semaphore_mem>> -> memref<1x!tpu.dma_semaphore, #tpu.memory_space<semaphore_mem>>
    %dma_start3A_1367 = tpu.memref_squeeze %dma_start3A_1366 : memref<1x!tpu.dma_semaphore, #tpu.memory_space<semaphore_mem>> -> memref<!tpu.dma_semaphore, #tpu.memory_space<semaphore_mem>>
    %dma_start3A_1368 = arith.constant 0 : i32
    %dma_start3A_1369 = arith.constant 0 : i32
    %dma_start3A_1370 = tpu.memref_slice %arg7[%dma_start3A_1356, %dma_start3A_1368, %dma_start3A_1369] : memref<6x128x128xf32, #tpu.memory_space<vmem>> -> memref<1x128x128xf32, #tpu.memory_space<vmem>>
    %dma_start3A_1371 = tpu.memref_squeeze %dma_start3A_1370 : memref<1x128x128xf32, #tpu.memory_space<vmem>> -> memref<128x128xf32, #tpu.memory_space<vmem>>
    %dma_start3A_1372 = arith.constant 0 : i32
    %dma_start3A_1373 = arith.constant 0 : i32
    %dma_start3A_1374 = tpu.memref_slice %arg8[%arg1, %dma_start3A_1372, %dma_start3A_1373] : memref<16x128x128xf32, #tpu.memory_space<vmem_shared>> -> memref<1x128x128xf32, #tpu.memory_space<vmem_shared>>
    %dma_start3A_1375 = tpu.memref_squeeze %dma_start3A_1374 : memref<1x128x128xf32, #tpu.memory_space<vmem_shared>> -> memref<128x128xf32, #tpu.memory_space<vmem_shared>>
    tpu.enqueue_dma source(%dma_start3A_1375 : memref<128x128xf32, #tpu.memory_space<vmem_shared>>) target(%dma_start3A_1371 : memref<128x128xf32, #tpu.memory_space<vmem>>) target_semaphore(%dma_start3A_1367 : memref<!tpu.dma_semaphore, #tpu.memory_space<semaphore_mem>>)
    %dma_wait3A_1376 = arith.constant 2 : i32
    %dma_wait3A_1377 = arith.constant 2 : i32
    %dma_wait3A_1378 = arith.constant 0 : i32
    %dma_wait3A_1379 = arith.constant 0 : i32
    %dma_wait3A_1380 = tpu.memref_slice %arg7[%dma_wait3A_1376, %dma_wait3A_1378, %dma_wait3A_1379] : memref<6x128x128xf32, #tpu.memory_space<vmem>> -> memref<1x128x128xf32, #tpu.memory_space<vmem>>
    %dma_wait3A_1381 = tpu.memref_squeeze %dma_wait3A_1380 : memref<1x128x128xf32, #tpu.memory_space<vmem>> -> memref<128x128xf32, #tpu.memory_space<vmem>>
    %dma_wait3A_1382 = arith.constant 0 : i32
    %dma_wait3A_1383 = arith.constant 0 : i32
    %dma_wait3A_1384 = tpu.memref_slice %arg8[%arg1, %dma_wait3A_1382, %dma_wait3A_1383] : memref<16x128x128xf32, #tpu.memory_space<vmem_shared>> -> memref<1x128x128xf32, #tpu.memory_space<vmem_shared>>
    %dma_wait3A_1385 = tpu.memref_squeeze %dma_wait3A_1384 : memref<1x128x128xf32, #tpu.memory_space<vmem_shared>> -> memref<128x128xf32, #tpu.memory_space<vmem_shared>>
    %dma_wait3A_1386 = tpu.memref_slice %arg9[%dma_wait3A_1377] : memref<6x!tpu.dma_semaphore, #tpu.memory_space<semaphore_mem>> -> memref<1x!tpu.dma_semaphore, #tpu.memory_space<semaphore_mem>>
    %dma_wait3A_1387 = tpu.memref_squeeze %dma_wait3A_1386 : memref<1x!tpu.dma_semaphore, #tpu.memory_space<semaphore_mem>> -> memref<!tpu.dma_semaphore, #tpu.memory_space<semaphore_mem>>
    %dma_wait3A_1388 = arith.constant 0 : i32
    %dma_wait3A_1389 = arith.constant 0 : i32
    %dma_wait3A_1390 = tpu.memref_slice %arg7[%dma_wait3A_1376, %dma_wait3A_1388, %dma_wait3A_1389] : memref<6x128x128xf32, #tpu.memory_space<vmem>> -> memref<1x128x128xf32, #tpu.memory_space<vmem>>
    %dma_wait3A_1391 = tpu.memref_squeeze %dma_wait3A_1390 : memref<1x128x128xf32, #tpu.memory_space<vmem>> -> memref<128x128xf32, #tpu.memory_space<vmem>>
    %dma_wait3A_1392 = arith.constant 0 : i32
    %dma_wait3A_1393 = arith.constant 0 : i32
    %dma_wait3A_1394 = tpu.memref_slice %arg8[%arg1, %dma_wait3A_1392, %dma_wait3A_1393] : memref<16x128x128xf32, #tpu.memory_space<vmem_shared>> -> memref<1x128x128xf32, #tpu.memory_space<vmem_shared>>
    %dma_wait3A_1395 = tpu.memref_squeeze %dma_wait3A_1394 : memref<1x128x128xf32, #tpu.memory_space<vmem_shared>> -> memref<128x128xf32, #tpu.memory_space<vmem_shared>>
    tpu.wait_dma2 semaphore(%dma_wait3A_1387 : memref<!tpu.dma_semaphore, #tpu.memory_space<semaphore_mem>>) src(%dma_wait3A_1395 : memref<128x128xf32, #tpu.memory_space<vmem_shared>>) dst(%dma_wait3A_1391 : memref<128x128xf32, #tpu.memory_space<vmem>>)
    %dma_start3A_1396 = arith.constant 14 : i32
    %dma_start3A_1397 = arith.constant 2 : i32
    %dma_start3A_1398 = arith.constant 2 : i32
    %dma_start3A_1399 = arith.constant 0 : i32
    %dma_start3A_1400 = arith.constant 0 : i32
    %dma_start3A_1401 = tpu.memref_slice %arg7[%dma_start3A_1397, %dma_start3A_1399, %dma_start3A_1400] : memref<6x128x128xf32, #tpu.memory_space<vmem>> -> memref<1x128x128xf32, #tpu.memory_space<vmem>>
    %dma_start3A_1402 = tpu.memref_squeeze %dma_start3A_1401 : memref<1x128x128xf32, #tpu.memory_space<vmem>> -> memref<128x128xf32, #tpu.memory_space<vmem>>
    %dma_start3A_1403 = arith.constant 0 : i32
    %dma_start3A_1404 = tpu.memref_slice %arg6[%dma_start3A_1396, %dma_start3A_1403] : memref<16x128xi32, #tpu.memory_space<vmem>> -> memref<1x128xi32, #tpu.memory_space<vmem>>
    %dma_start3A_1405 = tpu.memref_squeeze %dma_start3A_1404 : memref<1x128xi32, #tpu.memory_space<vmem>> -> memref<128xi32, #tpu.memory_space<vmem>>
    %dma_start3A_1406 = arith.constant 0 : i32
    %dma_start3A_1407 = arith.constant 0 : i32
    %dma_start3A_1408 = tpu.memref_slice %arg3[%dma_start3A_1406, %dma_start3A_1407] : memref<100000x128xf32, #tpu.memory_space<hbm>> -> memref<100000x128xf32, #tpu.memory_space<hbm>>
    %dma_start3A_1409 = tpu.memref_slice %arg10[%dma_start3A_1398] : memref<6x!tpu.dma_semaphore, #tpu.memory_space<semaphore_mem>> -> memref<1x!tpu.dma_semaphore, #tpu.memory_space<semaphore_mem>>
    %dma_start3A_1410 = tpu.memref_squeeze %dma_start3A_1409 : memref<1x!tpu.dma_semaphore, #tpu.memory_space<semaphore_mem>> -> memref<!tpu.dma_semaphore, #tpu.memory_space<semaphore_mem>>
    tpu.enqueue_indirect_dma source(%dma_start3A_1408 : memref<100000x128xf32, #tpu.memory_space<hbm>>) target(%dma_start3A_1402 : memref<128x128xf32, #tpu.memory_space<vmem>>) offsets(%dma_start3A_1405 : memref<128xi32, #tpu.memory_space<vmem>>) semaphore(%dma_start3A_1410 : memref<!tpu.dma_semaphore, #tpu.memory_space<semaphore_mem>>) {add = true}
    %dma_wait3A_1411 = arith.constant 11 : i32
    %dma_wait3A_1412 = arith.constant 5 : i32
    %dma_wait3A_1413 = arith.constant 5 : i32
    %dma_wait3A_1414 = arith.constant 0 : i32
    %dma_wait3A_1415 = arith.constant 0 : i32
    %dma_wait3A_1416 = tpu.memref_slice %arg7[%dma_wait3A_1412, %dma_wait3A_1414, %dma_wait3A_1415] : memref<6x128x128xf32, #tpu.memory_space<vmem>> -> memref<1x128x128xf32, #tpu.memory_space<vmem>>
    %dma_wait3A_1417 = tpu.memref_squeeze %dma_wait3A_1416 : memref<1x128x128xf32, #tpu.memory_space<vmem>> -> memref<128x128xf32, #tpu.memory_space<vmem>>
    %dma_wait3A_1418 = arith.constant 0 : i32
    %dma_wait3A_1419 = tpu.memref_slice %arg6[%dma_wait3A_1411, %dma_wait3A_1418] : memref<16x128xi32, #tpu.memory_space<vmem>> -> memref<1x128xi32, #tpu.memory_space<vmem>>
    %dma_wait3A_1420 = tpu.memref_squeeze %dma_wait3A_1419 : memref<1x128xi32, #tpu.memory_space<vmem>> -> memref<128xi32, #tpu.memory_space<vmem>>
    %dma_wait3A_1421 = arith.constant 0 : i32
    %dma_wait3A_1422 = arith.constant 0 : i32
    %dma_wait3A_1423 = tpu.memref_slice %arg3[%dma_wait3A_1421, %dma_wait3A_1422] : memref<100000x128xf32, #tpu.memory_space<hbm>> -> memref<100000x128xf32, #tpu.memory_space<hbm>>
    %dma_wait3A_1424 = tpu.memref_slice %arg10[%dma_wait3A_1413] : memref<6x!tpu.dma_semaphore, #tpu.memory_space<semaphore_mem>> -> memref<1x!tpu.dma_semaphore, #tpu.memory_space<semaphore_mem>>
    %dma_wait3A_1425 = tpu.memref_squeeze %dma_wait3A_1424 : memref<1x!tpu.dma_semaphore, #tpu.memory_space<semaphore_mem>> -> memref<!tpu.dma_semaphore, #tpu.memory_space<semaphore_mem>>
    tpu.wait_indirect_dma semaphore(%dma_wait3A_1425 : memref<!tpu.dma_semaphore, #tpu.memory_space<semaphore_mem>>) src(%dma_wait3A_1423 : memref<100000x128xf32, #tpu.memory_space<hbm>>) dst(%dma_wait3A_1417 : memref<128x128xf32, #tpu.memory_space<vmem>>)
    %add3A_1426 = arith.constant 11 : i32
    %add3A_1427 = arith.addi %mul3A_2, %add3A_1426 : i32
    %dma_start3A_1428 = arith.constant 5 : i32
    %dma_start3A_1429 = arith.constant 5 : i32
    %dma_start3A_1430 = arith.constant 0 : i32
    %dma_start3A_1431 = arith.constant 0 : i32
    %dma_start3A_1432 = tpu.memref_slice %arg7[%dma_start3A_1428, %dma_start3A_1430, %dma_start3A_1431] : memref<6x128x128xf32, #tpu.memory_space<vmem>> -> memref<1x128x128xf32, #tpu.memory_space<vmem>>
    %dma_start3A_1433 = tpu.memref_squeeze %dma_start3A_1432 : memref<1x128x128xf32, #tpu.memory_space<vmem>> -> memref<128x128xf32, #tpu.memory_space<vmem>>
    %dma_start3A_1434 = arith.constant 0 : i32
    %dma_start3A_1435 = tpu.memref_slice %arg5[%add3A_1427, %mul3A_0, %dma_start3A_1434] : memref<32x2048x128xf32, #tpu.memory_space<hbm>> -> memref<1x128x128xf32, #tpu.memory_space<hbm>>
    %dma_start3A_1436 = tpu.memref_squeeze %dma_start3A_1435 : memref<1x128x128xf32, #tpu.memory_space<hbm>> -> memref<128x128xf32, #tpu.memory_space<hbm>>
    %dma_start3A_1437 = tpu.memref_slice %arg11[%dma_start3A_1429] : memref<6x!tpu.dma_semaphore, #tpu.memory_space<semaphore_mem>> -> memref<1x!tpu.dma_semaphore, #tpu.memory_space<semaphore_mem>>
    %dma_start3A_1438 = tpu.memref_squeeze %dma_start3A_1437 : memref<1x!tpu.dma_semaphore, #tpu.memory_space<semaphore_mem>> -> memref<!tpu.dma_semaphore, #tpu.memory_space<semaphore_mem>>
    %dma_start3A_1439 = arith.constant 0 : i32
    %dma_start3A_1440 = tpu.memref_slice %arg5[%add3A_1427, %mul3A_0, %dma_start3A_1439] : memref<32x2048x128xf32, #tpu.memory_space<hbm>> -> memref<1x128x128xf32, #tpu.memory_space<hbm>>
    %dma_start3A_1441 = tpu.memref_squeeze %dma_start3A_1440 : memref<1x128x128xf32, #tpu.memory_space<hbm>> -> memref<128x128xf32, #tpu.memory_space<hbm>>
    %dma_start3A_1442 = arith.constant 0 : i32
    %dma_start3A_1443 = arith.constant 0 : i32
    %dma_start3A_1444 = tpu.memref_slice %arg7[%dma_start3A_1428, %dma_start3A_1442, %dma_start3A_1443] : memref<6x128x128xf32, #tpu.memory_space<vmem>> -> memref<1x128x128xf32, #tpu.memory_space<vmem>>
    %dma_start3A_1445 = tpu.memref_squeeze %dma_start3A_1444 : memref<1x128x128xf32, #tpu.memory_space<vmem>> -> memref<128x128xf32, #tpu.memory_space<vmem>>
    tpu.enqueue_dma source(%dma_start3A_1445 : memref<128x128xf32, #tpu.memory_space<vmem>>) target(%dma_start3A_1441 : memref<128x128xf32, #tpu.memory_space<hbm>>) target_semaphore(%dma_start3A_1438 : memref<!tpu.dma_semaphore, #tpu.memory_space<semaphore_mem>>)
    %dma_wait3A_1446 = arith.constant 3 : i32
    %dma_wait3A_1447 = arith.constant 3 : i32
    %dma_wait3A_1448 = arith.constant 0 : i32
    %dma_wait3A_1449 = arith.constant 0 : i32
    %dma_wait3A_1450 = tpu.memref_slice %arg7[%dma_wait3A_1446, %dma_wait3A_1448, %dma_wait3A_1449] : memref<6x128x128xf32, #tpu.memory_space<vmem>> -> memref<1x128x128xf32, #tpu.memory_space<vmem>>
    %dma_wait3A_1451 = tpu.memref_squeeze %dma_wait3A_1450 : memref<1x128x128xf32, #tpu.memory_space<vmem>> -> memref<128x128xf32, #tpu.memory_space<vmem>>
    %dma_wait3A_1452 = arith.constant 0 : i32
    %dma_wait3A_1453 = arith.constant 0 : i32
    %dma_wait3A_1454 = tpu.memref_slice %arg8[%arg1, %dma_wait3A_1452, %dma_wait3A_1453] : memref<16x128x128xf32, #tpu.memory_space<vmem_shared>> -> memref<1x128x128xf32, #tpu.memory_space<vmem_shared>>
    %dma_wait3A_1455 = tpu.memref_squeeze %dma_wait3A_1454 : memref<1x128x128xf32, #tpu.memory_space<vmem_shared>> -> memref<128x128xf32, #tpu.memory_space<vmem_shared>>
    %dma_wait3A_1456 = tpu.memref_slice %arg9[%dma_wait3A_1447] : memref<6x!tpu.dma_semaphore, #tpu.memory_space<semaphore_mem>> -> memref<1x!tpu.dma_semaphore, #tpu.memory_space<semaphore_mem>>
    %dma_wait3A_1457 = tpu.memref_squeeze %dma_wait3A_1456 : memref<1x!tpu.dma_semaphore, #tpu.memory_space<semaphore_mem>> -> memref<!tpu.dma_semaphore, #tpu.memory_space<semaphore_mem>>
    %dma_wait3A_1458 = arith.constant 0 : i32
    %dma_wait3A_1459 = arith.constant 0 : i32
    %dma_wait3A_1460 = tpu.memref_slice %arg7[%dma_wait3A_1446, %dma_wait3A_1458, %dma_wait3A_1459] : memref<6x128x128xf32, #tpu.memory_space<vmem>> -> memref<1x128x128xf32, #tpu.memory_space<vmem>>
    %dma_wait3A_1461 = tpu.memref_squeeze %dma_wait3A_1460 : memref<1x128x128xf32, #tpu.memory_space<vmem>> -> memref<128x128xf32, #tpu.memory_space<vmem>>
    %dma_wait3A_1462 = arith.constant 0 : i32
    %dma_wait3A_1463 = arith.constant 0 : i32
    %dma_wait3A_1464 = tpu.memref_slice %arg8[%arg1, %dma_wait3A_1462, %dma_wait3A_1463] : memref<16x128x128xf32, #tpu.memory_space<vmem_shared>> -> memref<1x128x128xf32, #tpu.memory_space<vmem_shared>>
    %dma_wait3A_1465 = tpu.memref_squeeze %dma_wait3A_1464 : memref<1x128x128xf32, #tpu.memory_space<vmem_shared>> -> memref<128x128xf32, #tpu.memory_space<vmem_shared>>
    tpu.wait_dma2 semaphore(%dma_wait3A_1457 : memref<!tpu.dma_semaphore, #tpu.memory_space<semaphore_mem>>) src(%dma_wait3A_1465 : memref<128x128xf32, #tpu.memory_space<vmem_shared>>) dst(%dma_wait3A_1461 : memref<128x128xf32, #tpu.memory_space<vmem>>)
    %dma_start3A_1466 = arith.constant 15 : i32
    %dma_start3A_1467 = arith.constant 3 : i32
    %dma_start3A_1468 = arith.constant 3 : i32
    %dma_start3A_1469 = arith.constant 0 : i32
    %dma_start3A_1470 = arith.constant 0 : i32
    %dma_start3A_1471 = tpu.memref_slice %arg7[%dma_start3A_1467, %dma_start3A_1469, %dma_start3A_1470] : memref<6x128x128xf32, #tpu.memory_space<vmem>> -> memref<1x128x128xf32, #tpu.memory_space<vmem>>
    %dma_start3A_1472 = tpu.memref_squeeze %dma_start3A_1471 : memref<1x128x128xf32, #tpu.memory_space<vmem>> -> memref<128x128xf32, #tpu.memory_space<vmem>>
    %dma_start3A_1473 = arith.constant 0 : i32
    %dma_start3A_1474 = tpu.memref_slice %arg6[%dma_start3A_1466, %dma_start3A_1473] : memref<16x128xi32, #tpu.memory_space<vmem>> -> memref<1x128xi32, #tpu.memory_space<vmem>>
    %dma_start3A_1475 = tpu.memref_squeeze %dma_start3A_1474 : memref<1x128xi32, #tpu.memory_space<vmem>> -> memref<128xi32, #tpu.memory_space<vmem>>
    %dma_start3A_1476 = arith.constant 0 : i32
    %dma_start3A_1477 = arith.constant 0 : i32
    %dma_start3A_1478 = tpu.memref_slice %arg3[%dma_start3A_1476, %dma_start3A_1477] : memref<100000x128xf32, #tpu.memory_space<hbm>> -> memref<100000x128xf32, #tpu.memory_space<hbm>>
    %dma_start3A_1479 = tpu.memref_slice %arg10[%dma_start3A_1468] : memref<6x!tpu.dma_semaphore, #tpu.memory_space<semaphore_mem>> -> memref<1x!tpu.dma_semaphore, #tpu.memory_space<semaphore_mem>>
    %dma_start3A_1480 = tpu.memref_squeeze %dma_start3A_1479 : memref<1x!tpu.dma_semaphore, #tpu.memory_space<semaphore_mem>> -> memref<!tpu.dma_semaphore, #tpu.memory_space<semaphore_mem>>
    tpu.enqueue_indirect_dma source(%dma_start3A_1478 : memref<100000x128xf32, #tpu.memory_space<hbm>>) target(%dma_start3A_1472 : memref<128x128xf32, #tpu.memory_space<vmem>>) offsets(%dma_start3A_1475 : memref<128xi32, #tpu.memory_space<vmem>>) semaphore(%dma_start3A_1480 : memref<!tpu.dma_semaphore, #tpu.memory_space<semaphore_mem>>) {add = true}
    %dma_wait3A_1481 = arith.constant 12 : i32
    %dma_wait3A_1482 = arith.constant 0 : i32
    %dma_wait3A_1483 = arith.constant 0 : i32
    %dma_wait3A_1484 = arith.constant 0 : i32
    %dma_wait3A_1485 = arith.constant 0 : i32
    %dma_wait3A_1486 = tpu.memref_slice %arg7[%dma_wait3A_1482, %dma_wait3A_1484, %dma_wait3A_1485] : memref<6x128x128xf32, #tpu.memory_space<vmem>> -> memref<1x128x128xf32, #tpu.memory_space<vmem>>
    %dma_wait3A_1487 = tpu.memref_squeeze %dma_wait3A_1486 : memref<1x128x128xf32, #tpu.memory_space<vmem>> -> memref<128x128xf32, #tpu.memory_space<vmem>>
    %dma_wait3A_1488 = arith.constant 0 : i32
    %dma_wait3A_1489 = tpu.memref_slice %arg6[%dma_wait3A_1481, %dma_wait3A_1488] : memref<16x128xi32, #tpu.memory_space<vmem>> -> memref<1x128xi32, #tpu.memory_space<vmem>>
    %dma_wait3A_1490 = tpu.memref_squeeze %dma_wait3A_1489 : memref<1x128xi32, #tpu.memory_space<vmem>> -> memref<128xi32, #tpu.memory_space<vmem>>
    %dma_wait3A_1491 = arith.constant 0 : i32
    %dma_wait3A_1492 = arith.constant 0 : i32
    %dma_wait3A_1493 = tpu.memref_slice %arg3[%dma_wait3A_1491, %dma_wait3A_1492] : memref<100000x128xf32, #tpu.memory_space<hbm>> -> memref<100000x128xf32, #tpu.memory_space<hbm>>
    %dma_wait3A_1494 = tpu.memref_slice %arg10[%dma_wait3A_1483] : memref<6x!tpu.dma_semaphore, #tpu.memory_space<semaphore_mem>> -> memref<1x!tpu.dma_semaphore, #tpu.memory_space<semaphore_mem>>
    %dma_wait3A_1495 = tpu.memref_squeeze %dma_wait3A_1494 : memref<1x!tpu.dma_semaphore, #tpu.memory_space<semaphore_mem>> -> memref<!tpu.dma_semaphore, #tpu.memory_space<semaphore_mem>>
    tpu.wait_indirect_dma semaphore(%dma_wait3A_1495 : memref<!tpu.dma_semaphore, #tpu.memory_space<semaphore_mem>>) src(%dma_wait3A_1493 : memref<100000x128xf32, #tpu.memory_space<hbm>>) dst(%dma_wait3A_1487 : memref<128x128xf32, #tpu.memory_space<vmem>>)
    %add3A_1496 = arith.constant 12 : i32
    %add3A_1497 = arith.addi %mul3A_2, %add3A_1496 : i32
    %dma_start3A_1498 = arith.constant 0 : i32
    %dma_start3A_1499 = arith.constant 0 : i32
    %dma_start3A_1500 = arith.constant 0 : i32
    %dma_start3A_1501 = arith.constant 0 : i32
    %dma_start3A_1502 = tpu.memref_slice %arg7[%dma_start3A_1498, %dma_start3A_1500, %dma_start3A_1501] : memref<6x128x128xf32, #tpu.memory_space<vmem>> -> memref<1x128x128xf32, #tpu.memory_space<vmem>>
    %dma_start3A_1503 = tpu.memref_squeeze %dma_start3A_1502 : memref<1x128x128xf32, #tpu.memory_space<vmem>> -> memref<128x128xf32, #tpu.memory_space<vmem>>
    %dma_start3A_1504 = arith.constant 0 : i32
    %dma_start3A_1505 = tpu.memref_slice %arg5[%add3A_1497, %mul3A_0, %dma_start3A_1504] : memref<32x2048x128xf32, #tpu.memory_space<hbm>> -> memref<1x128x128xf32, #tpu.memory_space<hbm>>
    %dma_start3A_1506 = tpu.memref_squeeze %dma_start3A_1505 : memref<1x128x128xf32, #tpu.memory_space<hbm>> -> memref<128x128xf32, #tpu.memory_space<hbm>>
    %dma_start3A_1507 = tpu.memref_slice %arg11[%dma_start3A_1499] : memref<6x!tpu.dma_semaphore, #tpu.memory_space<semaphore_mem>> -> memref<1x!tpu.dma_semaphore, #tpu.memory_space<semaphore_mem>>
    %dma_start3A_1508 = tpu.memref_squeeze %dma_start3A_1507 : memref<1x!tpu.dma_semaphore, #tpu.memory_space<semaphore_mem>> -> memref<!tpu.dma_semaphore, #tpu.memory_space<semaphore_mem>>
    %dma_start3A_1509 = arith.constant 0 : i32
    %dma_start3A_1510 = tpu.memref_slice %arg5[%add3A_1497, %mul3A_0, %dma_start3A_1509] : memref<32x2048x128xf32, #tpu.memory_space<hbm>> -> memref<1x128x128xf32, #tpu.memory_space<hbm>>
    %dma_start3A_1511 = tpu.memref_squeeze %dma_start3A_1510 : memref<1x128x128xf32, #tpu.memory_space<hbm>> -> memref<128x128xf32, #tpu.memory_space<hbm>>
    %dma_start3A_1512 = arith.constant 0 : i32
    %dma_start3A_1513 = arith.constant 0 : i32
    %dma_start3A_1514 = tpu.memref_slice %arg7[%dma_start3A_1498, %dma_start3A_1512, %dma_start3A_1513] : memref<6x128x128xf32, #tpu.memory_space<vmem>> -> memref<1x128x128xf32, #tpu.memory_space<vmem>>
    %dma_start3A_1515 = tpu.memref_squeeze %dma_start3A_1514 : memref<1x128x128xf32, #tpu.memory_space<vmem>> -> memref<128x128xf32, #tpu.memory_space<vmem>>
    tpu.enqueue_dma source(%dma_start3A_1515 : memref<128x128xf32, #tpu.memory_space<vmem>>) target(%dma_start3A_1511 : memref<128x128xf32, #tpu.memory_space<hbm>>) target_semaphore(%dma_start3A_1508 : memref<!tpu.dma_semaphore, #tpu.memory_space<semaphore_mem>>)
    %dma_wait3A_1516 = arith.constant 13 : i32
    %dma_wait3A_1517 = arith.constant 1 : i32
    %dma_wait3A_1518 = arith.constant 1 : i32
    %dma_wait3A_1519 = arith.constant 0 : i32
    %dma_wait3A_1520 = arith.constant 0 : i32
    %dma_wait3A_1521 = tpu.memref_slice %arg7[%dma_wait3A_1517, %dma_wait3A_1519, %dma_wait3A_1520] : memref<6x128x128xf32, #tpu.memory_space<vmem>> -> memref<1x128x128xf32, #tpu.memory_space<vmem>>
    %dma_wait3A_1522 = tpu.memref_squeeze %dma_wait3A_1521 : memref<1x128x128xf32, #tpu.memory_space<vmem>> -> memref<128x128xf32, #tpu.memory_space<vmem>>
    %dma_wait3A_1523 = arith.constant 0 : i32
    %dma_wait3A_1524 = tpu.memref_slice %arg6[%dma_wait3A_1516, %dma_wait3A_1523] : memref<16x128xi32, #tpu.memory_space<vmem>> -> memref<1x128xi32, #tpu.memory_space<vmem>>
    %dma_wait3A_1525 = tpu.memref_squeeze %dma_wait3A_1524 : memref<1x128xi32, #tpu.memory_space<vmem>> -> memref<128xi32, #tpu.memory_space<vmem>>
    %dma_wait3A_1526 = arith.constant 0 : i32
    %dma_wait3A_1527 = arith.constant 0 : i32
    %dma_wait3A_1528 = tpu.memref_slice %arg3[%dma_wait3A_1526, %dma_wait3A_1527] : memref<100000x128xf32, #tpu.memory_space<hbm>> -> memref<100000x128xf32, #tpu.memory_space<hbm>>
    %dma_wait3A_1529 = tpu.memref_slice %arg10[%dma_wait3A_1518] : memref<6x!tpu.dma_semaphore, #tpu.memory_space<semaphore_mem>> -> memref<1x!tpu.dma_semaphore, #tpu.memory_space<semaphore_mem>>
    %dma_wait3A_1530 = tpu.memref_squeeze %dma_wait3A_1529 : memref<1x!tpu.dma_semaphore, #tpu.memory_space<semaphore_mem>> -> memref<!tpu.dma_semaphore, #tpu.memory_space<semaphore_mem>>
    tpu.wait_indirect_dma semaphore(%dma_wait3A_1530 : memref<!tpu.dma_semaphore, #tpu.memory_space<semaphore_mem>>) src(%dma_wait3A_1528 : memref<100000x128xf32, #tpu.memory_space<hbm>>) dst(%dma_wait3A_1522 : memref<128x128xf32, #tpu.memory_space<vmem>>)
    %add3A_1531 = arith.constant 13 : i32
    %add3A_1532 = arith.addi %mul3A_2, %add3A_1531 : i32
    %dma_start3A_1533 = arith.constant 1 : i32
    %dma_start3A_1534 = arith.constant 1 : i32
    %dma_start3A_1535 = arith.constant 0 : i32
    %dma_start3A_1536 = arith.constant 0 : i32
    %dma_start3A_1537 = tpu.memref_slice %arg7[%dma_start3A_1533, %dma_start3A_1535, %dma_start3A_1536] : memref<6x128x128xf32, #tpu.memory_space<vmem>> -> memref<1x128x128xf32, #tpu.memory_space<vmem>>
    %dma_start3A_1538 = tpu.memref_squeeze %dma_start3A_1537 : memref<1x128x128xf32, #tpu.memory_space<vmem>> -> memref<128x128xf32, #tpu.memory_space<vmem>>
    %dma_start3A_1539 = arith.constant 0 : i32
    %dma_start3A_1540 = tpu.memref_slice %arg5[%add3A_1532, %mul3A_0, %dma_start3A_1539] : memref<32x2048x128xf32, #tpu.memory_space<hbm>> -> memref<1x128x128xf32, #tpu.memory_space<hbm>>
    %dma_start3A_1541 = tpu.memref_squeeze %dma_start3A_1540 : memref<1x128x128xf32, #tpu.memory_space<hbm>> -> memref<128x128xf32, #tpu.memory_space<hbm>>
    %dma_start3A_1542 = tpu.memref_slice %arg11[%dma_start3A_1534] : memref<6x!tpu.dma_semaphore, #tpu.memory_space<semaphore_mem>> -> memref<1x!tpu.dma_semaphore, #tpu.memory_space<semaphore_mem>>
    %dma_start3A_1543 = tpu.memref_squeeze %dma_start3A_1542 : memref<1x!tpu.dma_semaphore, #tpu.memory_space<semaphore_mem>> -> memref<!tpu.dma_semaphore, #tpu.memory_space<semaphore_mem>>
    %dma_start3A_1544 = arith.constant 0 : i32
    %dma_start3A_1545 = tpu.memref_slice %arg5[%add3A_1532, %mul3A_0, %dma_start3A_1544] : memref<32x2048x128xf32, #tpu.memory_space<hbm>> -> memref<1x128x128xf32, #tpu.memory_space<hbm>>
    %dma_start3A_1546 = tpu.memref_squeeze %dma_start3A_1545 : memref<1x128x128xf32, #tpu.memory_space<hbm>> -> memref<128x128xf32, #tpu.memory_space<hbm>>
    %dma_start3A_1547 = arith.constant 0 : i32
    %dma_start3A_1548 = arith.constant 0 : i32
    %dma_start3A_1549 = tpu.memref_slice %arg7[%dma_start3A_1533, %dma_start3A_1547, %dma_start3A_1548] : memref<6x128x128xf32, #tpu.memory_space<vmem>> -> memref<1x128x128xf32, #tpu.memory_space<vmem>>
    %dma_start3A_1550 = tpu.memref_squeeze %dma_start3A_1549 : memref<1x128x128xf32, #tpu.memory_space<vmem>> -> memref<128x128xf32, #tpu.memory_space<vmem>>
    tpu.enqueue_dma source(%dma_start3A_1550 : memref<128x128xf32, #tpu.memory_space<vmem>>) target(%dma_start3A_1546 : memref<128x128xf32, #tpu.memory_space<hbm>>) target_semaphore(%dma_start3A_1543 : memref<!tpu.dma_semaphore, #tpu.memory_space<semaphore_mem>>)
    %dma_wait3A_1551 = arith.constant 14 : i32
    %dma_wait3A_1552 = arith.constant 2 : i32
    %dma_wait3A_1553 = arith.constant 2 : i32
    %dma_wait3A_1554 = arith.constant 0 : i32
    %dma_wait3A_1555 = arith.constant 0 : i32
    %dma_wait3A_1556 = tpu.memref_slice %arg7[%dma_wait3A_1552, %dma_wait3A_1554, %dma_wait3A_1555] : memref<6x128x128xf32, #tpu.memory_space<vmem>> -> memref<1x128x128xf32, #tpu.memory_space<vmem>>
    %dma_wait3A_1557 = tpu.memref_squeeze %dma_wait3A_1556 : memref<1x128x128xf32, #tpu.memory_space<vmem>> -> memref<128x128xf32, #tpu.memory_space<vmem>>
    %dma_wait3A_1558 = arith.constant 0 : i32
    %dma_wait3A_1559 = tpu.memref_slice %arg6[%dma_wait3A_1551, %dma_wait3A_1558] : memref<16x128xi32, #tpu.memory_space<vmem>> -> memref<1x128xi32, #tpu.memory_space<vmem>>
    %dma_wait3A_1560 = tpu.memref_squeeze %dma_wait3A_1559 : memref<1x128xi32, #tpu.memory_space<vmem>> -> memref<128xi32, #tpu.memory_space<vmem>>
    %dma_wait3A_1561 = arith.constant 0 : i32
    %dma_wait3A_1562 = arith.constant 0 : i32
    %dma_wait3A_1563 = tpu.memref_slice %arg3[%dma_wait3A_1561, %dma_wait3A_1562] : memref<100000x128xf32, #tpu.memory_space<hbm>> -> memref<100000x128xf32, #tpu.memory_space<hbm>>
    %dma_wait3A_1564 = tpu.memref_slice %arg10[%dma_wait3A_1553] : memref<6x!tpu.dma_semaphore, #tpu.memory_space<semaphore_mem>> -> memref<1x!tpu.dma_semaphore, #tpu.memory_space<semaphore_mem>>
    %dma_wait3A_1565 = tpu.memref_squeeze %dma_wait3A_1564 : memref<1x!tpu.dma_semaphore, #tpu.memory_space<semaphore_mem>> -> memref<!tpu.dma_semaphore, #tpu.memory_space<semaphore_mem>>
    tpu.wait_indirect_dma semaphore(%dma_wait3A_1565 : memref<!tpu.dma_semaphore, #tpu.memory_space<semaphore_mem>>) src(%dma_wait3A_1563 : memref<100000x128xf32, #tpu.memory_space<hbm>>) dst(%dma_wait3A_1557 : memref<128x128xf32, #tpu.memory_space<vmem>>)
    %add3A_1566 = arith.constant 14 : i32
    %add3A_1567 = arith.addi %mul3A_2, %add3A_1566 : i32
    %dma_start3A_1568 = arith.constant 2 : i32
    %dma_start3A_1569 = arith.constant 2 : i32
    %dma_start3A_1570 = arith.constant 0 : i32
    %dma_start3A_1571 = arith.constant 0 : i32
    %dma_start3A_1572 = tpu.memref_slice %arg7[%dma_start3A_1568, %dma_start3A_1570, %dma_start3A_1571] : memref<6x128x128xf32, #tpu.memory_space<vmem>> -> memref<1x128x128xf32, #tpu.memory_space<vmem>>
    %dma_start3A_1573 = tpu.memref_squeeze %dma_start3A_1572 : memref<1x128x128xf32, #tpu.memory_space<vmem>> -> memref<128x128xf32, #tpu.memory_space<vmem>>
    %dma_start3A_1574 = arith.constant 0 : i32
    %dma_start3A_1575 = tpu.memref_slice %arg5[%add3A_1567, %mul3A_0, %dma_start3A_1574] : memref<32x2048x128xf32, #tpu.memory_space<hbm>> -> memref<1x128x128xf32, #tpu.memory_space<hbm>>
    %dma_start3A_1576 = tpu.memref_squeeze %dma_start3A_1575 : memref<1x128x128xf32, #tpu.memory_space<hbm>> -> memref<128x128xf32, #tpu.memory_space<hbm>>
    %dma_start3A_1577 = tpu.memref_slice %arg11[%dma_start3A_1569] : memref<6x!tpu.dma_semaphore, #tpu.memory_space<semaphore_mem>> -> memref<1x!tpu.dma_semaphore, #tpu.memory_space<semaphore_mem>>
    %dma_start3A_1578 = tpu.memref_squeeze %dma_start3A_1577 : memref<1x!tpu.dma_semaphore, #tpu.memory_space<semaphore_mem>> -> memref<!tpu.dma_semaphore, #tpu.memory_space<semaphore_mem>>
    %dma_start3A_1579 = arith.constant 0 : i32
    %dma_start3A_1580 = tpu.memref_slice %arg5[%add3A_1567, %mul3A_0, %dma_start3A_1579] : memref<32x2048x128xf32, #tpu.memory_space<hbm>> -> memref<1x128x128xf32, #tpu.memory_space<hbm>>
    %dma_start3A_1581 = tpu.memref_squeeze %dma_start3A_1580 : memref<1x128x128xf32, #tpu.memory_space<hbm>> -> memref<128x128xf32, #tpu.memory_space<hbm>>
    %dma_start3A_1582 = arith.constant 0 : i32
    %dma_start3A_1583 = arith.constant 0 : i32
    %dma_start3A_1584 = tpu.memref_slice %arg7[%dma_start3A_1568, %dma_start3A_1582, %dma_start3A_1583] : memref<6x128x128xf32, #tpu.memory_space<vmem>> -> memref<1x128x128xf32, #tpu.memory_space<vmem>>
    %dma_start3A_1585 = tpu.memref_squeeze %dma_start3A_1584 : memref<1x128x128xf32, #tpu.memory_space<vmem>> -> memref<128x128xf32, #tpu.memory_space<vmem>>
    tpu.enqueue_dma source(%dma_start3A_1585 : memref<128x128xf32, #tpu.memory_space<vmem>>) target(%dma_start3A_1581 : memref<128x128xf32, #tpu.memory_space<hbm>>) target_semaphore(%dma_start3A_1578 : memref<!tpu.dma_semaphore, #tpu.memory_space<semaphore_mem>>)
    %dma_wait3A_1586 = arith.constant 15 : i32
    %dma_wait3A_1587 = arith.constant 3 : i32
    %dma_wait3A_1588 = arith.constant 3 : i32
    %dma_wait3A_1589 = arith.constant 0 : i32
    %dma_wait3A_1590 = arith.constant 0 : i32
    %dma_wait3A_1591 = tpu.memref_slice %arg7[%dma_wait3A_1587, %dma_wait3A_1589, %dma_wait3A_1590] : memref<6x128x128xf32, #tpu.memory_space<vmem>> -> memref<1x128x128xf32, #tpu.memory_space<vmem>>
    %dma_wait3A_1592 = tpu.memref_squeeze %dma_wait3A_1591 : memref<1x128x128xf32, #tpu.memory_space<vmem>> -> memref<128x128xf32, #tpu.memory_space<vmem>>
    %dma_wait3A_1593 = arith.constant 0 : i32
    %dma_wait3A_1594 = tpu.memref_slice %arg6[%dma_wait3A_1586, %dma_wait3A_1593] : memref<16x128xi32, #tpu.memory_space<vmem>> -> memref<1x128xi32, #tpu.memory_space<vmem>>
    %dma_wait3A_1595 = tpu.memref_squeeze %dma_wait3A_1594 : memref<1x128xi32, #tpu.memory_space<vmem>> -> memref<128xi32, #tpu.memory_space<vmem>>
    %dma_wait3A_1596 = arith.constant 0 : i32
    %dma_wait3A_1597 = arith.constant 0 : i32
    %dma_wait3A_1598 = tpu.memref_slice %arg3[%dma_wait3A_1596, %dma_wait3A_1597] : memref<100000x128xf32, #tpu.memory_space<hbm>> -> memref<100000x128xf32, #tpu.memory_space<hbm>>
    %dma_wait3A_1599 = tpu.memref_slice %arg10[%dma_wait3A_1588] : memref<6x!tpu.dma_semaphore, #tpu.memory_space<semaphore_mem>> -> memref<1x!tpu.dma_semaphore, #tpu.memory_space<semaphore_mem>>
    %dma_wait3A_1600 = tpu.memref_squeeze %dma_wait3A_1599 : memref<1x!tpu.dma_semaphore, #tpu.memory_space<semaphore_mem>> -> memref<!tpu.dma_semaphore, #tpu.memory_space<semaphore_mem>>
    tpu.wait_indirect_dma semaphore(%dma_wait3A_1600 : memref<!tpu.dma_semaphore, #tpu.memory_space<semaphore_mem>>) src(%dma_wait3A_1598 : memref<100000x128xf32, #tpu.memory_space<hbm>>) dst(%dma_wait3A_1592 : memref<128x128xf32, #tpu.memory_space<vmem>>)
    %add3A_1601 = arith.constant 15 : i32
    %add3A_1602 = arith.addi %mul3A_2, %add3A_1601 : i32
    %dma_start3A_1603 = arith.constant 3 : i32
    %dma_start3A_1604 = arith.constant 3 : i32
    %dma_start3A_1605 = arith.constant 0 : i32
    %dma_start3A_1606 = arith.constant 0 : i32
    %dma_start3A_1607 = tpu.memref_slice %arg7[%dma_start3A_1603, %dma_start3A_1605, %dma_start3A_1606] : memref<6x128x128xf32, #tpu.memory_space<vmem>> -> memref<1x128x128xf32, #tpu.memory_space<vmem>>
    %dma_start3A_1608 = tpu.memref_squeeze %dma_start3A_1607 : memref<1x128x128xf32, #tpu.memory_space<vmem>> -> memref<128x128xf32, #tpu.memory_space<vmem>>
    %dma_start3A_1609 = arith.constant 0 : i32
    %dma_start3A_1610 = tpu.memref_slice %arg5[%add3A_1602, %mul3A_0, %dma_start3A_1609] : memref<32x2048x128xf32, #tpu.memory_space<hbm>> -> memref<1x128x128xf32, #tpu.memory_space<hbm>>
    %dma_start3A_1611 = tpu.memref_squeeze %dma_start3A_1610 : memref<1x128x128xf32, #tpu.memory_space<hbm>> -> memref<128x128xf32, #tpu.memory_space<hbm>>
    %dma_start3A_1612 = tpu.memref_slice %arg11[%dma_start3A_1604] : memref<6x!tpu.dma_semaphore, #tpu.memory_space<semaphore_mem>> -> memref<1x!tpu.dma_semaphore, #tpu.memory_space<semaphore_mem>>
    %dma_start3A_1613 = tpu.memref_squeeze %dma_start3A_1612 : memref<1x!tpu.dma_semaphore, #tpu.memory_space<semaphore_mem>> -> memref<!tpu.dma_semaphore, #tpu.memory_space<semaphore_mem>>
    %dma_start3A_1614 = arith.constant 0 : i32
    %dma_start3A_1615 = tpu.memref_slice %arg5[%add3A_1602, %mul3A_0, %dma_start3A_1614] : memref<32x2048x128xf32, #tpu.memory_space<hbm>> -> memref<1x128x128xf32, #tpu.memory_space<hbm>>
    %dma_start3A_1616 = tpu.memref_squeeze %dma_start3A_1615 : memref<1x128x128xf32, #tpu.memory_space<hbm>> -> memref<128x128xf32, #tpu.memory_space<hbm>>
    %dma_start3A_1617 = arith.constant 0 : i32
    %dma_start3A_1618 = arith.constant 0 : i32
    %dma_start3A_1619 = tpu.memref_slice %arg7[%dma_start3A_1603, %dma_start3A_1617, %dma_start3A_1618] : memref<6x128x128xf32, #tpu.memory_space<vmem>> -> memref<1x128x128xf32, #tpu.memory_space<vmem>>
    %dma_start3A_1620 = tpu.memref_squeeze %dma_start3A_1619 : memref<1x128x128xf32, #tpu.memory_space<vmem>> -> memref<128x128xf32, #tpu.memory_space<vmem>>
    tpu.enqueue_dma source(%dma_start3A_1620 : memref<128x128xf32, #tpu.memory_space<vmem>>) target(%dma_start3A_1616 : memref<128x128xf32, #tpu.memory_space<hbm>>) target_semaphore(%dma_start3A_1613 : memref<!tpu.dma_semaphore, #tpu.memory_space<semaphore_mem>>)
    %dma_wait3A_1621 = arith.constant 4 : i32
    %dma_wait3A_1622 = arith.constant 4 : i32
    %dma_wait3A_1623 = arith.constant 0 : i32
    %dma_wait3A_1624 = arith.constant 0 : i32
    %dma_wait3A_1625 = tpu.memref_slice %arg7[%dma_wait3A_1621, %dma_wait3A_1623, %dma_wait3A_1624] : memref<6x128x128xf32, #tpu.memory_space<vmem>> -> memref<1x128x128xf32, #tpu.memory_space<vmem>>
    %dma_wait3A_1626 = tpu.memref_squeeze %dma_wait3A_1625 : memref<1x128x128xf32, #tpu.memory_space<vmem>> -> memref<128x128xf32, #tpu.memory_space<vmem>>
    %dma_wait3A_1627 = arith.constant 0 : i32
    %dma_wait3A_1628 = tpu.memref_slice %arg5[%add3A_1319, %mul3A_0, %dma_wait3A_1627] : memref<32x2048x128xf32, #tpu.memory_space<hbm>> -> memref<1x128x128xf32, #tpu.memory_space<hbm>>
    %dma_wait3A_1629 = tpu.memref_squeeze %dma_wait3A_1628 : memref<1x128x128xf32, #tpu.memory_space<hbm>> -> memref<128x128xf32, #tpu.memory_space<hbm>>
    %dma_wait3A_1630 = tpu.memref_slice %arg11[%dma_wait3A_1622] : memref<6x!tpu.dma_semaphore, #tpu.memory_space<semaphore_mem>> -> memref<1x!tpu.dma_semaphore, #tpu.memory_space<semaphore_mem>>
    %dma_wait3A_1631 = tpu.memref_squeeze %dma_wait3A_1630 : memref<1x!tpu.dma_semaphore, #tpu.memory_space<semaphore_mem>> -> memref<!tpu.dma_semaphore, #tpu.memory_space<semaphore_mem>>
    %dma_wait3A_1632 = arith.constant 0 : i32
    %dma_wait3A_1633 = tpu.memref_slice %arg5[%add3A_1319, %mul3A_0, %dma_wait3A_1632] : memref<32x2048x128xf32, #tpu.memory_space<hbm>> -> memref<1x128x128xf32, #tpu.memory_space<hbm>>
    %dma_wait3A_1634 = tpu.memref_squeeze %dma_wait3A_1633 : memref<1x128x128xf32, #tpu.memory_space<hbm>> -> memref<128x128xf32, #tpu.memory_space<hbm>>
    %dma_wait3A_1635 = arith.constant 0 : i32
    %dma_wait3A_1636 = arith.constant 0 : i32
    %dma_wait3A_1637 = tpu.memref_slice %arg7[%dma_wait3A_1621, %dma_wait3A_1635, %dma_wait3A_1636] : memref<6x128x128xf32, #tpu.memory_space<vmem>> -> memref<1x128x128xf32, #tpu.memory_space<vmem>>
    %dma_wait3A_1638 = tpu.memref_squeeze %dma_wait3A_1637 : memref<1x128x128xf32, #tpu.memory_space<vmem>> -> memref<128x128xf32, #tpu.memory_space<vmem>>
    tpu.wait_dma2 semaphore(%dma_wait3A_1631 : memref<!tpu.dma_semaphore, #tpu.memory_space<semaphore_mem>>) src(%dma_wait3A_1638 : memref<128x128xf32, #tpu.memory_space<vmem>>) dst(%dma_wait3A_1634 : memref<128x128xf32, #tpu.memory_space<hbm>>)
    %dma_wait3A_1639 = arith.constant 5 : i32
    %dma_wait3A_1640 = arith.constant 5 : i32
    %dma_wait3A_1641 = arith.constant 0 : i32
    %dma_wait3A_1642 = arith.constant 0 : i32
    %dma_wait3A_1643 = tpu.memref_slice %arg7[%dma_wait3A_1639, %dma_wait3A_1641, %dma_wait3A_1642] : memref<6x128x128xf32, #tpu.memory_space<vmem>> -> memref<1x128x128xf32, #tpu.memory_space<vmem>>
    %dma_wait3A_1644 = tpu.memref_squeeze %dma_wait3A_1643 : memref<1x128x128xf32, #tpu.memory_space<vmem>> -> memref<128x128xf32, #tpu.memory_space<vmem>>
    %dma_wait3A_1645 = arith.constant 0 : i32
    %dma_wait3A_1646 = tpu.memref_slice %arg5[%add3A_1427, %mul3A_0, %dma_wait3A_1645] : memref<32x2048x128xf32, #tpu.memory_space<hbm>> -> memref<1x128x128xf32, #tpu.memory_space<hbm>>
    %dma_wait3A_1647 = tpu.memref_squeeze %dma_wait3A_1646 : memref<1x128x128xf32, #tpu.memory_space<hbm>> -> memref<128x128xf32, #tpu.memory_space<hbm>>
    %dma_wait3A_1648 = tpu.memref_slice %arg11[%dma_wait3A_1640] : memref<6x!tpu.dma_semaphore, #tpu.memory_space<semaphore_mem>> -> memref<1x!tpu.dma_semaphore, #tpu.memory_space<semaphore_mem>>
    %dma_wait3A_1649 = tpu.memref_squeeze %dma_wait3A_1648 : memref<1x!tpu.dma_semaphore, #tpu.memory_space<semaphore_mem>> -> memref<!tpu.dma_semaphore, #tpu.memory_space<semaphore_mem>>
    %dma_wait3A_1650 = arith.constant 0 : i32
    %dma_wait3A_1651 = tpu.memref_slice %arg5[%add3A_1427, %mul3A_0, %dma_wait3A_1650] : memref<32x2048x128xf32, #tpu.memory_space<hbm>> -> memref<1x128x128xf32, #tpu.memory_space<hbm>>
    %dma_wait3A_1652 = tpu.memref_squeeze %dma_wait3A_1651 : memref<1x128x128xf32, #tpu.memory_space<hbm>> -> memref<128x128xf32, #tpu.memory_space<hbm>>
    %dma_wait3A_1653 = arith.constant 0 : i32
    %dma_wait3A_1654 = arith.constant 0 : i32
    %dma_wait3A_1655 = tpu.memref_slice %arg7[%dma_wait3A_1639, %dma_wait3A_1653, %dma_wait3A_1654] : memref<6x128x128xf32, #tpu.memory_space<vmem>> -> memref<1x128x128xf32, #tpu.memory_space<vmem>>
    %dma_wait3A_1656 = tpu.memref_squeeze %dma_wait3A_1655 : memref<1x128x128xf32, #tpu.memory_space<vmem>> -> memref<128x128xf32, #tpu.memory_space<vmem>>
    tpu.wait_dma2 semaphore(%dma_wait3A_1649 : memref<!tpu.dma_semaphore, #tpu.memory_space<semaphore_mem>>) src(%dma_wait3A_1656 : memref<128x128xf32, #tpu.memory_space<vmem>>) dst(%dma_wait3A_1652 : memref<128x128xf32, #tpu.memory_space<hbm>>)
    %dma_wait3A_1657 = arith.constant 0 : i32
    %dma_wait3A_1658 = arith.constant 0 : i32
    %dma_wait3A_1659 = arith.constant 0 : i32
    %dma_wait3A_1660 = arith.constant 0 : i32
    %dma_wait3A_1661 = tpu.memref_slice %arg7[%dma_wait3A_1657, %dma_wait3A_1659, %dma_wait3A_1660] : memref<6x128x128xf32, #tpu.memory_space<vmem>> -> memref<1x128x128xf32, #tpu.memory_space<vmem>>
    %dma_wait3A_1662 = tpu.memref_squeeze %dma_wait3A_1661 : memref<1x128x128xf32, #tpu.memory_space<vmem>> -> memref<128x128xf32, #tpu.memory_space<vmem>>
    %dma_wait3A_1663 = arith.constant 0 : i32
    %dma_wait3A_1664 = tpu.memref_slice %arg5[%add3A_1497, %mul3A_0, %dma_wait3A_1663] : memref<32x2048x128xf32, #tpu.memory_space<hbm>> -> memref<1x128x128xf32, #tpu.memory_space<hbm>>
    %dma_wait3A_1665 = tpu.memref_squeeze %dma_wait3A_1664 : memref<1x128x128xf32, #tpu.memory_space<hbm>> -> memref<128x128xf32, #tpu.memory_space<hbm>>
    %dma_wait3A_1666 = tpu.memref_slice %arg11[%dma_wait3A_1658] : memref<6x!tpu.dma_semaphore, #tpu.memory_space<semaphore_mem>> -> memref<1x!tpu.dma_semaphore, #tpu.memory_space<semaphore_mem>>
    %dma_wait3A_1667 = tpu.memref_squeeze %dma_wait3A_1666 : memref<1x!tpu.dma_semaphore, #tpu.memory_space<semaphore_mem>> -> memref<!tpu.dma_semaphore, #tpu.memory_space<semaphore_mem>>
    %dma_wait3A_1668 = arith.constant 0 : i32
    %dma_wait3A_1669 = tpu.memref_slice %arg5[%add3A_1497, %mul3A_0, %dma_wait3A_1668] : memref<32x2048x128xf32, #tpu.memory_space<hbm>> -> memref<1x128x128xf32, #tpu.memory_space<hbm>>
    %dma_wait3A_1670 = tpu.memref_squeeze %dma_wait3A_1669 : memref<1x128x128xf32, #tpu.memory_space<hbm>> -> memref<128x128xf32, #tpu.memory_space<hbm>>
    %dma_wait3A_1671 = arith.constant 0 : i32
    %dma_wait3A_1672 = arith.constant 0 : i32
    %dma_wait3A_1673 = tpu.memref_slice %arg7[%dma_wait3A_1657, %dma_wait3A_1671, %dma_wait3A_1672] : memref<6x128x128xf32, #tpu.memory_space<vmem>> -> memref<1x128x128xf32, #tpu.memory_space<vmem>>
    %dma_wait3A_1674 = tpu.memref_squeeze %dma_wait3A_1673 : memref<1x128x128xf32, #tpu.memory_space<vmem>> -> memref<128x128xf32, #tpu.memory_space<vmem>>
    tpu.wait_dma2 semaphore(%dma_wait3A_1667 : memref<!tpu.dma_semaphore, #tpu.memory_space<semaphore_mem>>) src(%dma_wait3A_1674 : memref<128x128xf32, #tpu.memory_space<vmem>>) dst(%dma_wait3A_1670 : memref<128x128xf32, #tpu.memory_space<hbm>>)
    %dma_wait3A_1675 = arith.constant 1 : i32
    %dma_wait3A_1676 = arith.constant 1 : i32
    %dma_wait3A_1677 = arith.constant 0 : i32
    %dma_wait3A_1678 = arith.constant 0 : i32
    %dma_wait3A_1679 = tpu.memref_slice %arg7[%dma_wait3A_1675, %dma_wait3A_1677, %dma_wait3A_1678] : memref<6x128x128xf32, #tpu.memory_space<vmem>> -> memref<1x128x128xf32, #tpu.memory_space<vmem>>
    %dma_wait3A_1680 = tpu.memref_squeeze %dma_wait3A_1679 : memref<1x128x128xf32, #tpu.memory_space<vmem>> -> memref<128x128xf32, #tpu.memory_space<vmem>>
    %dma_wait3A_1681 = arith.constant 0 : i32
    %dma_wait3A_1682 = tpu.memref_slice %arg5[%add3A_1532, %mul3A_0, %dma_wait3A_1681] : memref<32x2048x128xf32, #tpu.memory_space<hbm>> -> memref<1x128x128xf32, #tpu.memory_space<hbm>>
    %dma_wait3A_1683 = tpu.memref_squeeze %dma_wait3A_1682 : memref<1x128x128xf32, #tpu.memory_space<hbm>> -> memref<128x128xf32, #tpu.memory_space<hbm>>
    %dma_wait3A_1684 = tpu.memref_slice %arg11[%dma_wait3A_1676] : memref<6x!tpu.dma_semaphore, #tpu.memory_space<semaphore_mem>> -> memref<1x!tpu.dma_semaphore, #tpu.memory_space<semaphore_mem>>
    %dma_wait3A_1685 = tpu.memref_squeeze %dma_wait3A_1684 : memref<1x!tpu.dma_semaphore, #tpu.memory_space<semaphore_mem>> -> memref<!tpu.dma_semaphore, #tpu.memory_space<semaphore_mem>>
    %dma_wait3A_1686 = arith.constant 0 : i32
    %dma_wait3A_1687 = tpu.memref_slice %arg5[%add3A_1532, %mul3A_0, %dma_wait3A_1686] : memref<32x2048x128xf32, #tpu.memory_space<hbm>> -> memref<1x128x128xf32, #tpu.memory_space<hbm>>
    %dma_wait3A_1688 = tpu.memref_squeeze %dma_wait3A_1687 : memref<1x128x128xf32, #tpu.memory_space<hbm>> -> memref<128x128xf32, #tpu.memory_space<hbm>>
    %dma_wait3A_1689 = arith.constant 0 : i32
    %dma_wait3A_1690 = arith.constant 0 : i32
    %dma_wait3A_1691 = tpu.memref_slice %arg7[%dma_wait3A_1675, %dma_wait3A_1689, %dma_wait3A_1690] : memref<6x128x128xf32, #tpu.memory_space<vmem>> -> memref<1x128x128xf32, #tpu.memory_space<vmem>>
    %dma_wait3A_1692 = tpu.memref_squeeze %dma_wait3A_1691 : memref<1x128x128xf32, #tpu.memory_space<vmem>> -> memref<128x128xf32, #tpu.memory_space<vmem>>
    tpu.wait_dma2 semaphore(%dma_wait3A_1685 : memref<!tpu.dma_semaphore, #tpu.memory_space<semaphore_mem>>) src(%dma_wait3A_1692 : memref<128x128xf32, #tpu.memory_space<vmem>>) dst(%dma_wait3A_1688 : memref<128x128xf32, #tpu.memory_space<hbm>>)
    %dma_wait3A_1693 = arith.constant 2 : i32
    %dma_wait3A_1694 = arith.constant 2 : i32
    %dma_wait3A_1695 = arith.constant 0 : i32
    %dma_wait3A_1696 = arith.constant 0 : i32
    %dma_wait3A_1697 = tpu.memref_slice %arg7[%dma_wait3A_1693, %dma_wait3A_1695, %dma_wait3A_1696] : memref<6x128x128xf32, #tpu.memory_space<vmem>> -> memref<1x128x128xf32, #tpu.memory_space<vmem>>
    %dma_wait3A_1698 = tpu.memref_squeeze %dma_wait3A_1697 : memref<1x128x128xf32, #tpu.memory_space<vmem>> -> memref<128x128xf32, #tpu.memory_space<vmem>>
    %dma_wait3A_1699 = arith.constant 0 : i32
    %dma_wait3A_1700 = tpu.memref_slice %arg5[%add3A_1567, %mul3A_0, %dma_wait3A_1699] : memref<32x2048x128xf32, #tpu.memory_space<hbm>> -> memref<1x128x128xf32, #tpu.memory_space<hbm>>
    %dma_wait3A_1701 = tpu.memref_squeeze %dma_wait3A_1700 : memref<1x128x128xf32, #tpu.memory_space<hbm>> -> memref<128x128xf32, #tpu.memory_space<hbm>>
    %dma_wait3A_1702 = tpu.memref_slice %arg11[%dma_wait3A_1694] : memref<6x!tpu.dma_semaphore, #tpu.memory_space<semaphore_mem>> -> memref<1x!tpu.dma_semaphore, #tpu.memory_space<semaphore_mem>>
    %dma_wait3A_1703 = tpu.memref_squeeze %dma_wait3A_1702 : memref<1x!tpu.dma_semaphore, #tpu.memory_space<semaphore_mem>> -> memref<!tpu.dma_semaphore, #tpu.memory_space<semaphore_mem>>
    %dma_wait3A_1704 = arith.constant 0 : i32
    %dma_wait3A_1705 = tpu.memref_slice %arg5[%add3A_1567, %mul3A_0, %dma_wait3A_1704] : memref<32x2048x128xf32, #tpu.memory_space<hbm>> -> memref<1x128x128xf32, #tpu.memory_space<hbm>>
    %dma_wait3A_1706 = tpu.memref_squeeze %dma_wait3A_1705 : memref<1x128x128xf32, #tpu.memory_space<hbm>> -> memref<128x128xf32, #tpu.memory_space<hbm>>
    %dma_wait3A_1707 = arith.constant 0 : i32
    %dma_wait3A_1708 = arith.constant 0 : i32
    %dma_wait3A_1709 = tpu.memref_slice %arg7[%dma_wait3A_1693, %dma_wait3A_1707, %dma_wait3A_1708] : memref<6x128x128xf32, #tpu.memory_space<vmem>> -> memref<1x128x128xf32, #tpu.memory_space<vmem>>
    %dma_wait3A_1710 = tpu.memref_squeeze %dma_wait3A_1709 : memref<1x128x128xf32, #tpu.memory_space<vmem>> -> memref<128x128xf32, #tpu.memory_space<vmem>>
    tpu.wait_dma2 semaphore(%dma_wait3A_1703 : memref<!tpu.dma_semaphore, #tpu.memory_space<semaphore_mem>>) src(%dma_wait3A_1710 : memref<128x128xf32, #tpu.memory_space<vmem>>) dst(%dma_wait3A_1706 : memref<128x128xf32, #tpu.memory_space<hbm>>)
    %dma_wait3A_1711 = arith.constant 3 : i32
    %dma_wait3A_1712 = arith.constant 3 : i32
    %dma_wait3A_1713 = arith.constant 0 : i32
    %dma_wait3A_1714 = arith.constant 0 : i32
    %dma_wait3A_1715 = tpu.memref_slice %arg7[%dma_wait3A_1711, %dma_wait3A_1713, %dma_wait3A_1714] : memref<6x128x128xf32, #tpu.memory_space<vmem>> -> memref<1x128x128xf32, #tpu.memory_space<vmem>>
    %dma_wait3A_1716 = tpu.memref_squeeze %dma_wait3A_1715 : memref<1x128x128xf32, #tpu.memory_space<vmem>> -> memref<128x128xf32, #tpu.memory_space<vmem>>
    %dma_wait3A_1717 = arith.constant 0 : i32
    %dma_wait3A_1718 = tpu.memref_slice %arg5[%add3A_1602, %mul3A_0, %dma_wait3A_1717] : memref<32x2048x128xf32, #tpu.memory_space<hbm>> -> memref<1x128x128xf32, #tpu.memory_space<hbm>>
    %dma_wait3A_1719 = tpu.memref_squeeze %dma_wait3A_1718 : memref<1x128x128xf32, #tpu.memory_space<hbm>> -> memref<128x128xf32, #tpu.memory_space<hbm>>
    %dma_wait3A_1720 = tpu.memref_slice %arg11[%dma_wait3A_1712] : memref<6x!tpu.dma_semaphore, #tpu.memory_space<semaphore_mem>> -> memref<1x!tpu.dma_semaphore, #tpu.memory_space<semaphore_mem>>
    %dma_wait3A_1721 = tpu.memref_squeeze %dma_wait3A_1720 : memref<1x!tpu.dma_semaphore, #tpu.memory_space<semaphore_mem>> -> memref<!tpu.dma_semaphore, #tpu.memory_space<semaphore_mem>>
    %dma_wait3A_1722 = arith.constant 0 : i32
    %dma_wait3A_1723 = tpu.memref_slice %arg5[%add3A_1602, %mul3A_0, %dma_wait3A_1722] : memref<32x2048x128xf32, #tpu.memory_space<hbm>> -> memref<1x128x128xf32, #tpu.memory_space<hbm>>
    %dma_wait3A_1724 = tpu.memref_squeeze %dma_wait3A_1723 : memref<1x128x128xf32, #tpu.memory_space<hbm>> -> memref<128x128xf32, #tpu.memory_space<hbm>>
    %dma_wait3A_1725 = arith.constant 0 : i32
    %dma_wait3A_1726 = arith.constant 0 : i32
    %dma_wait3A_1727 = tpu.memref_slice %arg7[%dma_wait3A_1711, %dma_wait3A_1725, %dma_wait3A_1726] : memref<6x128x128xf32, #tpu.memory_space<vmem>> -> memref<1x128x128xf32, #tpu.memory_space<vmem>>
    %dma_wait3A_1728 = tpu.memref_squeeze %dma_wait3A_1727 : memref<1x128x128xf32, #tpu.memory_space<vmem>> -> memref<128x128xf32, #tpu.memory_space<vmem>>
    tpu.wait_dma2 semaphore(%dma_wait3A_1721 : memref<!tpu.dma_semaphore, #tpu.memory_space<semaphore_mem>>) src(%dma_wait3A_1728 : memref<128x128xf32, #tpu.memory_space<vmem>>) dst(%dma_wait3A_1724 : memref<128x128xf32, #tpu.memory_space<hbm>>)
    return
  }
}

</mosaic_0001>

<sc_bundles>
// kernel: kernel.3.cloned.1.call-start
scs
__scs_entry_jumppad:
0x0: {  	(pc) =	sbr.rel $0x88, $3  }
0x1: {  	(tag) =	ssettag $0x0;
	lr =	simm.s32 $0x1  }
0x2: {  	[smem:$0x3F9F] =	sst lr;
	_ =	strace $0xD0000000  }
0x3: {  	_ = 	snop  }
0x4: {  	_ = 	snop  }
0x5: {  	_ = 	snop  }
0x6: {  	_ = 	snop  }
0x7: {  	_ = 	snop  }
__scs_overlays_trampoline_lowered:
0x8: {  	[smem:$0x3FAE] =	sst s0  }
0x9: {  	[smem:$0x3FAF] =	sst s1  }
0xa: {  	[smem:$0x3FB0] =	sst s2  }
0xb: {  	[smem:$0x3FB1] =	sst s3  }
0xc: {  	[smem:$0x3FB2] =	sst s4  }
0xd: {  	[smem:$0x3FB3] =	sst s5  }
0xe: {  	[smem:$0x3FB4] =	sst s6  }
0xf: {  	[smem:$0x3FB5] =	sst s7  }
0x10: {  	[smem:$0x3FB6] =	sst s8  }
0x11: {  	[smem:$0x3FB7] =	sst s9;
	s0 =	simm.s32 @!p0 $0x0  }
0x12: {  	s1 =	sld [smem:$0x3F9D];
	s0 =	simm.s32 @p0 $0x1  }
0x13: {  	[smem:$0x3FB8] =	sst s0;
	s0 =	simm.s32 @!p1 $0x0  }
0x14: {  	s2 =	sld [smem:$0x3F9C];
	s0 =	simm.s32 @p1 $0x1  }
0x15: {  	[smem:$0x3FB9] =	sst s0;
	s0 =	simm.s32 @!p2 $0x0  }
0x16: {  	s3 =	sld [smem:$0x3FDB];
	s0 =	simm.s32 @p2 $0x1  }
0x17: {  	s4 =	simm.s32 $0x1BF5;
	[smem:$0x3FBB] =	sst s0  }
0x18: {  	s0 =	sld [smem:$0x3F9E];
	_ =	swait.ge [sflag:s4], $0x0  }
0x19: {  	s7 =	sld [smem:$0x3F9F]  }
0x1a: {  	s8 =	sadd.s32 $0xFFFFE003, lr  }
0x1b: {  	s9 =	sadd.s32 $0xFFFFFEF7, lr;
	s5 =	simm.s32 $0xFFFFFFFF;
	p2 =	slt.u32 s8, $0xFFFFF086  }
0x1c: {  	p1 =	slt.u32 s9, $0xF7A;
	s5 =	simm.s32 @!p2 $0x0  }
0x1d: {  	s5 =	simm.s32 @p1 $0x1;
	p0 =	seq.s32 s7, s2  }
0x1e: {  	s7 =	smul.u32 @!p0 $0xF7A, s2;
	p2 =	seq.s32 @!p0 s5, $0x0  }
0x1f: {  	s9 =	smul.u32 $0xF7A, s1;
	s8 =	simm.s32 @!p0 $0x1BF5;
	p2 =	por !p2, p0  }
0x20: {  	[sflag:s8] =	ssyncset.s32 @!p0 $0xFFFFF086;
	s6 =	sadd.s32 @!p0 s3, s7;
	s7 =	simm.s32 @!p0 $0x108  }
0x21: {  	s3 =	sadd.s32 s3, s9;
	s6 =	sadd.s32 @!p0 $0x88, s6;
	s7 =	simm.s32 @p2 $0x1082  }
0x22: {  	[simem:s7], [sflag:s8] =	dma.local @!p0 [hbm:s6], $0xF7A  }
0x23: {  	s9 =	sor.u32 $0xD0000000, s2;
	s6 =	simm.s32 $0x108;
	_ =	swait.ge @!p0 [sflag:s8], $0x0  }
0x24: {  	s3 =	sadd.s32 $0x88, s3;
	s6 =	simm.s32 @!p1 $0x1082;
	[sflag:s4] =	ssyncset.s32 $0xFFFFF086  }
0x25: {  	[simem:s6], [sflag:s4] =	dma.local [hbm:s3], $0xF7A  }
0x26: {  	[smem:$0x3F9F] =	sst s1;
	(tag) =	ssettag s2;
	_ =	strace s9  }
0x27: {  	s1 =	sld [smem:$0x3FAF]  }
0x28: {  	s2 =	sld [smem:$0x3FB0]  }
0x29: {  	s4 =	sld [smem:$0x3FB2]  }
0x2a: {  	p0 =	seq.s32 s5, $0x0;
	s5 =	sld [smem:$0x3FB3]  }
0x2b: {  	s6 =	sld [smem:$0x3FB4]  }
0x2c: {  	s7 =	sld [smem:$0x3FB5]  }
0x2d: {  	s3 =	simm.s32 $0x108;
	s8 =	sld [smem:$0x3FB6]  }
0x2e: {  	s3 =	simm.s32 @!p0 $0x1082;
	s9 =	sld [smem:$0x3FB7]  }
0x2f: {  	lr =	sadd.s32 s0, s3;
	s0 =	sld [smem:$0x3FAE]  }
0x30: {  	s3 =	sld [smem:$0x3FB1]  }
0x31: {  	[smem:$0x3FBA] =	sst s10  }
0x32: {  	s10 =	sld [smem:$0x3FB8];
	_ =	sdelay $0x3  }
0x33: {  	p0 =	seq.s32 s10, $0x1;
	s10 =	sld [smem:$0x3FBA];
	_ =	sdelay $0x3  }
0x34: {  	[smem:$0x3FBA] =	sst s10  }
0x35: {  	s10 =	sld [smem:$0x3FB9];
	_ =	sdelay $0x3  }
0x36: {  	p1 =	seq.s32 s10, $0x1;
	s10 =	sld [smem:$0x3FBA];
	_ =	sdelay $0x3  }
0x37: {  	[smem:$0x3FBA] =	sst s10  }
0x38: {  	s10 =	sld [smem:$0x3FBB]  }
0x39: {  	_ = 	snop;
	(pc) =	sbr.ind lr, $3  }
0x3a: {  	_ = 	snop  }
0x3b: {  	_ = 	snop  }
0x3c: {  	p2 =	seq.s32 s10, $0x1;
	s10 =	sld [smem:$0x3FBA]  }
0x3d: {  	_ =	shalt  }
0x3e: {  	_ =	shalt  }
0x3f: {  	_ =	shalt  }
0x40: {  	_ =	shalt  }
0x41: {  	_ =	shalt  }
0x42: {  	_ =	shalt  }
0x43: {  	_ =	shalt  }
0x44: {  	_ =	shalt  }
0x45: {  	_ =	shalt  }
0x46: {  	_ =	shalt  }
0x47: {  	_ =	shalt  }
0x48: {  	_ =	shalt  }
0x49: {  	_ =	shalt  }
0x4a: {  	_ =	shalt  }
0x4b: {  	_ =	shalt  }
0x4c: {  	_ =	shalt  }
0x4d: {  	_ =	shalt  }
0x4e: {  	_ =	shalt  }
0x4f: {  	_ =	shalt  }
0x50: {  	_ =	shalt  }
0x51: {  	_ =	shalt  }
0x52: {  	_ =	shalt  }
0x53: {  	_ =	shalt  }
0x54: {  	_ =	shalt  }
0x55: {  	_ =	shalt  }
0x56: {  	_ =	shalt  }
0x57: {  	_ =	shalt  }
0x58: {  	_ =	shalt  }
0x59: {  	_ =	shalt  }
0x5a: {  	_ =	shalt  }
0x5b: {  	_ =	shalt  }
0x5c: {  	_ =	shalt  }
0x5d: {  	_ =	shalt  }
0x5e: {  	_ =	shalt  }
0x5f: {  	_ =	shalt  }
0x60: {  	_ =	shalt  }
0x61: {  	_ =	shalt  }
0x62: {  	_ =	shalt  }
0x63: {  	_ =	shalt  }
0x64: {  	_ =	shalt  }
0x65: {  	_ =	shalt  }
0x66: {  	_ =	shalt  }
0x67: {  	_ =	shalt  }
0x68: {  	_ =	shalt  }
0x69: {  	_ =	shalt  }
0x6a: {  	_ =	shalt  }
0x6b: {  	_ =	shalt  }
0x6c: {  	_ =	shalt  }
0x6d: {  	_ =	shalt  }
0x6e: {  	_ =	shalt  }
0x6f: {  	_ =	shalt  }
0x70: {  	_ =	shalt  }
0x71: {  	_ =	shalt  }
0x72: {  	_ =	shalt  }
0x73: {  	_ =	shalt  }
0x74: {  	_ =	shalt  }
0x75: {  	_ =	shalt  }
0x76: {  	_ =	shalt  }
0x77: {  	_ =	shalt  }
0x78: {  	_ =	shalt  }
0x79: {  	_ =	shalt  }
0x7a: {  	_ =	shalt  }
0x7b: {  	_ =	shalt  }
0x7c: {  	_ =	shalt  }
0x7d: {  	_ =	shalt  }
0x7e: {  	_ =	shalt  }
0x7f: {  	_ =	shalt  }
0x80: {  	_ =	shalt  }
0x81: {  	_ =	shalt  }
0x82: {  	_ =	shalt  }
0x83: {  	_ =	shalt  }
0x84: {  	_ =	shalt  }
0x85: {  	_ =	shalt  }
0x86: {  	_ =	shalt  }
0x87: {  	_ =	shalt  }
.Lfunc_end0:
.L_simem_size_0:
called_computation_lowered:
.L_overlay_start_0:
0x88: {  	s2 =	sld [smem:$0x3FD9]  }
0x89: {  	s3 =	sld [smem:$0x3FFE];
	_ =	sdelay $0x1  }
0x8a: {  	s1 =	srdreg.scid  }
0x8b: {  	s0 =	sand.u32 $0x1, s1  }
0x8c: {  	s17 =	sshll.u32 s0, $0xA;
	s2 =	sadd.s32 s3, s2  }
0x8d: {  	s2 =	sadd.s32 s2, s17  }
0x8e: {  	[smem:$0x3FC6] =	sst s2  }
0x8f: {  	_ = 	snop  }
0x90: {  	s2 =	sld [smem:$0x3FC9]  }
0x91: {  	s18 =	sld [smem:$0x3FC8]  }
0x92: {  	s4 =	sld [smem:$0x3FD0];
	(tm) =	ssettm $0x1  }
0x93: {  	s5 =	sld [smem:$0x3FFB];
	_ =	sdelay $0x3  }
0x94: {  	_ =	strace s5  }
0x95: {  	s5 =	sld [smem:$0x3FFC];
	_ =	sdelay $0x3  }
0x96: {  	_ =	strace s5  }
0x97: {  	s5 =	sld [smem:$0x3FFD];
	_ =	sdelay $0x3  }
0x98: {  	_ =	strace s5  }
0x99: {  	_ =	strace $0x8FFFFFFF  }
0x9a: {  	s19 =	sld [smem:$0x3FDB];
	_ =	sdelay $0x1  }
0x9b: {  	s6 =	simm.s32 $_scs_section_size  }
0x9c: {  	s7 =	simm.s32 $_size__tile_overlayer_lowered;
	s8 =	simm.s32 $_tile_overlayer_lowered  }
0x9d: {  	s22 =	simm.s32 $0x1BFF;
	s21 =	sshll.u32 s8, $0x1;
	s5 =	sadd.s32 s6, s19  }
0x9e: {  	s9 =	simm.s32 $0x0;
	s20 =	sshll.u32 s7, $0x1;
	s7 =	sadd.s32 s21, s5  }
0x9f: {  	[timem:s9], [sflag:s22] =	dma.local [hbm:s7], s20  }
0xa0: {  	_ =	swait.ge [sflag:s22], s20  }
0xa1: {  	s6 =	ssub.s32 $0x0, s20;
	[sflag:s22] =	ssyncset.done $0x0  }
0xa2: {  	[sflag:s22] =	ssyncadd.s32 s6;
	_ =	sdelay $0x1  }
0xa3: {  	s23 =	simm.s32 $0x1B8B  }
0xa4: {  	_ =	swait.ge [sflag:s23], $0x1  }
0xa5: {  	[sflag:s23] =	ssyncset.done $0x0  }
0xa6: {  	s25 =	simm.s32 $0x1B8E;
	s24 =	sld [smem:$0x3FFE];
	[sflag:s23] =	ssyncadd.s32 $0xFFFFFFFF  }
0xa7: {  	s26 =	simm.s32 $execute0_lowered;
	[smem:$0x3FD2] =	sst s25  }
0xa8: {  	s7 =	sshll.u32 s26, $0x1;
	_ =	strace $0x80000046;
	[dreg:$0x1] =	wrdreg $0xFFFFFFFF  }
0xa9: {  	s28 =	simm.s32 $_size_execute0_lowered;
	s5 =	sadd.s32 s5, s7;
	[dreg:$0x0] =	wrdreg $0x0  }
0xaa: {  	s7 =	sshll.u32 s28, $0x1;
	[dreg:$0x2] =	wrdreg s5  }
0xab: {  	[dreg:$0x3] =	wrdreg s7  }
0xac: {  	[dreg:$0x4] =	wrdreg $0xC0  }
0xad: {  	_ =	task [dreg:s9], $0x5FFFF  }
0xae: {  	[dreg:$0x1] =	wrdreg $0xFFFFFFFF  }
0xaf: {  	[dreg:$0x0] =	wrdreg $0x60  }
0xb0: {  	[dreg:$0x2] =	wrdreg s2  }
0xb1: {  	[dreg:$0x3] =	wrdreg s18  }
0xb2: {  	[dreg:$0x4] =	wrdreg s24  }
0xb3: {  	[dreg:$0x5] =	wrdreg s4  }
0xb4: {  	[dreg:$0x6] =	wrdreg $0x188000  }
0xb5: {  	[dreg:$0x7] =	wrdreg $0x9  }
0xb6: {  	_ =	task.clear_ibuf [dreg:s9], $0x8FFFF;
	_ =	strace $0x90000046  }
0xb7: {  	s29 =	simm.s32 $0x9;
	_ =	strace $0x80000048  }
0xb8: {  	_ =	swait.ge [sflag:s29], $0x1  }
0xb9: {  	[sflag:s29] =	ssyncadd.s32 $0xFFFFFFFF  }
0xba: {  	_ =	strace $0x90000048  }
0xbb: {  	_ =	sfence  }
0xbc: {  	s30 =	sld [smem:$0x0];
	_ =	sdelay $0x2  }
0xbd: {  	s31 =	sshll.u32 s1, $0xD;
	s1 =	sshrl.u32 s1, $0x2  }
0xbe: {  	s3 =	sand.u32 $0x4000, s31;
	s1 =	sadd.s32 s1, s30  }
0xbf: {  	s0 =	sor.u32 s3, s0;
	s1 =	sshll.u32 s1, $0x11  }
0xc0: {  	s0 =	sor.u32 s1, s0  }
0xc1: {  	s0 =	sadd.s32 $0x8F2B, s0  }
0xc2: {  	[sflag:s0] =	ssyncadd.remote.s32 $0x1  }
0xc3: {  	_ =	sfence.sel $0xFFFF  }
0xc4: {  	[dreg:$0x0] =	wrdreg $0xFFFFFFFF;
	(pc) =	sbr.abs _section_cstart, $3  }
0xc5: {  	[dreg:$0x1] =	wrdreg $0xFFFFFFFF  }
0xc6: {  	_ =	task.clear_ibuf [dreg:s9], $0x2FFFF;
	_ =	strace $0x9FFFFFFF  }
0xc7: {  	(tm) =	ssettm $0x7FFFFFFF  }
tec
execute0_lowered:
.L_overlay_start_1:
0x0: {  	(tag) =	ssettag $0x1  }
0x1: {  	s0 =	rddreg [dreg:$0x0]  }
0x2: {  	s3 =	rddreg [dreg:$0x1]  }
0x3: {  	s1 =	rddreg [dreg:$0x2]  }
0x4: {  	s4 =	rddreg [dreg:$0x3]  }
0x5: {  	s5 =	rddreg [dreg:$0x4]  }
0x6: {  	s2 =	simm.s32 $0x0;
	s11 =	stileid.u32;
	s6 =	srdreg.scid  }
0x7: {  	[smem:$0x7FF] =	sst s2;
	s7 =	sshll.u32 s11, $0xB;
	s6 =	sand.u32 $0x1, s6  }
0x8: {  	s8 =	sshll.u32 s11, $0x7;
	s29 =	sshll.u32 s11, $0xE;
	s11 =	simm.s32 $0x180  }
0x9: {  	_ =	strace $0x80000047;
	s9 =	sshll.u32 s6, $0x13;
	s10 =	sshll.u32 s6, $0xC  }
0xa: {  	s0 =	sadd.s32 s0, s8;
	s8 =	simm.s32 $0x4000;
	[dreg:$0x19] =	wrdreg s11  }
0xb: {  	s1 =	sadd.s32 s7, s1;
	s0 =	sadd.s32 s10, s0;
	[dreg:$0x17] =	wrdreg s8  }
0xc: {  	s7 =	sor.u32 s7, s9;
	s9 =	sadd.s32 $0x400, s1;
	[dreg:$0x6] =	wrdreg s0  }
0xd: {  	s7 =	sadd.s32 s4, s7;
	[dreg:$0x7] =	wrdreg s9  }
0xe: {  	s9 =	sadd.s32 s29, s5;
	s29 =	simm.s32 $0x780;
	[smem:$0x7F7] =	sst s7  }
0xf: {  	s10 =	sadd.s32 $0x8000, s7;
	[smem:$0x7FC] =	sst s29  }
0x10: {  	s31 =	simm.s32 $0x5;
	s12 =	sadd.s32 $0x10000, s7;
	[dreg:$0x8] =	wrdreg s10  }
0x11: {  	s30 =	simm.s32 $0x6;
	s13 =	sadd.s32 $0x18000, s7;
	[dreg:$0x9] =	wrdreg s12  }
0x12: {  	p0 =	por $0x0, $0x0;
	s14 =	sadd.s32 $0x20000, s7;
	[dreg:$0xa] =	wrdreg s13  }
0x13: {  	s28 =	simm.s32 $0xB;
	s15 =	sadd.s32 $0x28000, s7;
	[dreg:$0xb] =	wrdreg s14  }
0x14: {  	s23 =	ssub.s32 $0x2, s6;
	s16 =	sadd.s32 $0x30000, s7;
	[dreg:$0xc] =	wrdreg s15  }
0x15: {  	s6 =	simm.s32 $0xC800;
	s17 =	sadd.s32 $0x38000, s7;
	[dreg:$0xd] =	wrdreg s16  }
0x16: {  	s11 =	simm.s32 $0x10;
	s18 =	sadd.s32 $0x40000, s7;
	[dreg:$0xe] =	wrdreg s17  }
0x17: {  	s25 =	sshrl.u32 s23, $0x1;
	s19 =	sadd.s32 $0x48000, s7;
	[dreg:$0xf] =	wrdreg s18  }
0x18: {  	s8 =	simm.s32 $0x80;
	s20 =	sadd.s32 $0x50000, s7;
	[dreg:$0x10] =	wrdreg s19  }
0x19: {  	s1 =	ssub.s32 s23, s25;
	s21 =	sadd.s32 $0x58000, s7;
	[dreg:$0x11] =	wrdreg s20  }
0x1a: {  	s4 =	simm.s32 $0x4800;
	s22 =	sadd.s32 $0x60000, s7;
	[dreg:$0x12] =	wrdreg s21  }
0x1b: {  	s25 =	simm.s32 $0x1;
	s24 =	sadd.s32 $0x68000, s7;
	[dreg:$0x13] =	wrdreg s22  }
0x1c: {  	s5 =	simm.s32 $0x8800;
	s26 =	sadd.s32 $0x70000, s7;
	[dreg:$0x14] =	wrdreg s24  }
0x1d: {  	s23 =	simm.s32 $0x2;
	s7 =	sadd.s32 $0x78000, s7;
	[dreg:$0x15] =	wrdreg s26  }
0x1e: {  	s0 =	smax.u32 s1, $0x1;
	[dreg:$0x16] =	wrdreg s7;
	s10 =	simm.s32 $0x100  }
0x1f: {  	s1 =	simm.s32 $0x13;
	s12 =	simm.s32 $0x200;
	[dreg:$0x18] =	wrdreg s10  }
0x20: {  	s7 =	simm.s32 $0x800;
	s13 =	simm.s32 $0x280;
	[dreg:$0x1a] =	wrdreg s12  }
0x21: {  	s14 =	simm.s32 $0x300;
	s17 =	simm.s32 $0x3;
	[dreg:$0x1b] =	wrdreg s13  }
0x22: {  	s15 =	simm.s32 $0x380;
	s24 =	simm.s32 $0x10800;
	[dreg:$0x1c] =	wrdreg s14  }
0x23: {  	s16 =	simm.s32 $0x480;
	s18 =	simm.s32 $0x500;
	[dreg:$0x1d] =	wrdreg s15  }
0x24: {  	s19 =	simm.s32 $0x580;
	s22 =	simm.s32 $0x14800;
	[dreg:$0x1e] =	wrdreg s16  }
0x25: {  	s20 =	simm.s32 $0x600;
	s21 =	simm.s32 $0x680;
	[dreg:$0x1f] =	wrdreg s18  }
0x26: {  	s26 =	simm.s32 $0x700;
	p1 =	sne.s32 s0, $0x1;
	[smem:$0x7F8] =	sst s19  }
0x27: {  	s0 =	sadd.s32 $0xFFFFFFFF, s0;
	s15 =	simm.s32 $0x4;
	[smem:$0x7F9] =	sst s20  }
.Ltmp0:
0x28: {  	s14 =	simm.s32 $0x7;
	[smem:$0x7FA] =	sst s21;
	(pc) =	sbr.rel @!p1 .LBB2_3-.Ltmp0, $4  }
0x29: {  	s16 =	simm.s32 $0x8;
	s10 =	simm.s32 $0xD;
	[smem:$0x7FB] =	sst s26  }
0x2a: {  	s19 =	simm.s32 $0x9;
	[smem:$0x7FD] =	sst s0;
	s13 =	simm.s32 $0xE  }
0x2b: {  	s20 =	simm.s32 $0xA;
	s12 =	simm.s32 $0xF;
	s26 =	simm.s32 $0xC  }
0x2c: {  	s21 =	simm.s32 $0x11;
	s18 =	simm.s32 $0x12;
	s0 =	rddreg [dreg:$0x6]  }
0x2d: {  	s29 =	rddreg [dreg:$0x17];
	s21 =	simm.s32 $0x400  }
0x2e: {  	[tilespmem:s2], [sflag:$0x13] =	stream.strided.gather [hbm4b:s0+s21], $0x800, s29, s21, $0x38;
	[tilespmem:$0x1C800] =	vst v63  }
0x2f: {  	_ =	swait.ge [sflag:s1], $0x800  }
0x30: {  	[sflag:s1] =	ssyncset.done $0x0  }
0x31: {  	s0 =	rddreg [dreg:$0x7];
	[sflag:s1] =	ssyncadd.s32 $0xFFFFF800  }
0x32: {  	[tilespmem:s7], [sflag:$0x13] =	stream.linear.gather [hbm4b:s0+s2], $0x4000, $0x38;
	[tilespmem:$0x1C800] =	vst v63  }
0x33: {  	_ =	swait.ge [sflag:s1], $0x4000  }
0x34: {  	[sflag:s1] =	ssyncset.done $0x0  }
0x35: {  	[sflag:s1] =	ssyncadd.s32 $0xFFFFC000  }
0x36: {  	[spmem:s9] =	stream.linear.scatter [tilespmem:s7], [sflag:$0x13], $0x4000, $0x38;
	[tilespmem:$0x1C800] =	vst v63  }
0x37: {  	_ =	swait.ge [sflag:s1], $0x4000  }
0x38: {  	[sflag:s1] =	ssyncset.done $0x0  }
0x39: {  	[sflag:s1] =	ssyncadd.s32 $0xFFFFC000  }
0x3a: {  	[tilespmem:s7], [sflag:$0x1] =	stream.linear.gather [spmem:s9], $0x4000, $0x38;
	[tilespmem:$0x1C800] =	vst v63  }
0x3b: {  	_ = 	snop  }
0x3c: {  	[tilespmem:s4], [sflag:$0x2] =	stream.linear.gather [spmem:s9], $0x4000, $0x38;
	[tilespmem:$0x1C800] =	vst v63  }
0x3d: {  	_ =	swait.ge [sflag:s25], $0x4000  }
0x3e: {  	[sflag:s25] =	ssyncset.done $0x0  }
0x3f: {  	[sflag:s25] =	ssyncadd.s32 $0xFFFFC000  }
0x40: {  	[tilespmem:s7], [sflag:$0x7] =	stream.indirect.gather.add.f32 [hbm:s3], $0x80, s2, s8, $0xb8;
	[tilespmem:$0x1C800] =	vst v63  }
0x41: {  	_ = 	snop  }
0x42: {  	[tilespmem:s5], [sflag:$0x3] =	stream.linear.gather [spmem:s9], $0x4000, $0x38;
	[tilespmem:$0x1C800] =	vst v63  }
0x43: {  	_ =	swait.ge [sflag:s23], $0x4000  }
0x44: {  	[sflag:s23] =	ssyncset.done $0x0  }
0x45: {  	[sflag:s23] =	ssyncadd.s32 $0xFFFFC000  }
0x46: {  	[tilespmem:s4], [sflag:$0x8] =	stream.indirect.gather.add.f32 [hbm:s3], $0x80, s8, s8, $0xb8;
	[tilespmem:$0x1C800] =	vst v63  }
0x47: {  	_ = 	snop  }
0x48: {  	[tilespmem:s6], [sflag:$0x4] =	stream.linear.gather [spmem:s9], $0x4000, $0x38;
	[tilespmem:$0x1C800] =	vst v63  }
0x49: {  	_ =	swait.ge [sflag:s17], $0x4000  }
0x4a: {  	[sflag:s17] =	ssyncset.done $0x0  }
0x4b: {  	s0 =	rddreg [dreg:$0x18];
	[sflag:s17] =	ssyncadd.s32 $0xFFFFC000  }
0x4c: {  	[tilespmem:s5], [sflag:$0x9] =	stream.indirect.gather.add.f32 [hbm:s3], $0x80, s0, s8, $0xb8;
	[tilespmem:$0x1C800] =	vst v63  }
0x4d: {  	_ = 	snop  }
0x4e: {  	[tilespmem:s24], [sflag:$0x5] =	stream.linear.gather [spmem:s9], $0x4000, $0x38;
	[tilespmem:$0x1C800] =	vst v63  }
0x4f: {  	_ =	swait.ge [sflag:s15], $0x4000  }
0x50: {  	[sflag:s15] =	ssyncset.done $0x0  }
0x51: {  	s0 =	rddreg [dreg:$0x19];
	[sflag:s15] =	ssyncadd.s32 $0xFFFFC000  }
0x52: {  	[tilespmem:s6], [sflag:$0xA] =	stream.indirect.gather.add.f32 [hbm:s3], $0x80, s0, s8, $0xb8;
	[tilespmem:$0x1C800] =	vst v63  }
0x53: {  	_ =	swait.ge [sflag:s14], $0x4000  }
0x54: {  	s0 =	sld [smem:$0x7F7]  }
0x55: {  	[sflag:s14] =	ssyncset.done $0x0  }
0x56: {  	[sflag:s14] =	ssyncadd.s32 $0xFFFFC000  }
0x57: {  	[hbm4b:s0+s2] =	stream.linear.scatter [tilespmem:s7], [sflag:$0xD], $0x4000, $0x38;
	[tilespmem:$0x1C800] =	vst v63  }
0x58: {  	_ = 	snop  }
0x59: {  	[tilespmem:s22], [sflag:$0x6] =	stream.linear.gather [spmem:s9], $0x4000, $0x38;
	[tilespmem:$0x1C800] =	vst v63  }
0x5a: {  	_ =	swait.ge [sflag:s31], $0x4000  }
0x5b: {  	[sflag:s31] =	ssyncset.done $0x0  }
0x5c: {  	s0 =	rddreg [dreg:$0x1a];
	[sflag:s31] =	ssyncadd.s32 $0xFFFFC000  }
0x5d: {  	[tilespmem:s24], [sflag:$0xB] =	stream.indirect.gather.add.f32 [hbm:s3], $0x80, s0, s8, $0xb8;
	[tilespmem:$0x1C800] =	vst v63  }
0x5e: {  	_ =	swait.ge [sflag:s16], $0x4000  }
0x5f: {  	[sflag:s16] =	ssyncset.done $0x0  }
0x60: {  	s0 =	rddreg [dreg:$0x8];
	[sflag:s16] =	ssyncadd.s32 $0xFFFFC000  }
0x61: {  	[hbm4b:s0+s2] =	stream.linear.scatter [tilespmem:s4], [sflag:$0xE], $0x4000, $0x38;
	[tilespmem:$0x1C800] =	vst v63  }
0x62: {  	_ =	swait.ge [sflag:s10], $0x4000  }
0x63: {  	[sflag:s10] =	ssyncset.done $0x0  }
0x64: {  	[sflag:s10] =	ssyncadd.s32 $0xFFFFC000  }
0x65: {  	[tilespmem:s7], [sflag:$0x1] =	stream.linear.gather [spmem:s9], $0x4000, $0x38;
	[tilespmem:$0x1C800] =	vst v63  }
0x66: {  	_ =	swait.ge [sflag:s30], $0x4000  }
0x67: {  	[sflag:s30] =	ssyncset.done $0x0  }
0x68: {  	s0 =	rddreg [dreg:$0x1b];
	[sflag:s30] =	ssyncadd.s32 $0xFFFFC000  }
0x69: {  	[tilespmem:s22], [sflag:$0xC] =	stream.indirect.gather.add.f32 [hbm:s3], $0x80, s0, s8, $0xb8;
	[tilespmem:$0x1C800] =	vst v63  }
0x6a: {  	_ =	swait.ge [sflag:s19], $0x4000  }
0x6b: {  	[sflag:s19] =	ssyncset.done $0x0  }
0x6c: {  	s0 =	rddreg [dreg:$0x9];
	[sflag:s19] =	ssyncadd.s32 $0xFFFFC000  }
0x6d: {  	[hbm4b:s0+s2] =	stream.linear.scatter [tilespmem:s5], [sflag:$0xF], $0x4000, $0x38;
	[tilespmem:$0x1C800] =	vst v63  }
0x6e: {  	_ =	swait.ge [sflag:s13], $0x4000  }
0x6f: {  	[sflag:s13] =	ssyncset.done $0x0  }
0x70: {  	[sflag:s13] =	ssyncadd.s32 $0xFFFFC000  }
0x71: {  	[tilespmem:s4], [sflag:$0x2] =	stream.linear.gather [spmem:s9], $0x4000, $0x38;
	[tilespmem:$0x1C800] =	vst v63  }
0x72: {  	_ =	swait.ge [sflag:s25], $0x4000  }
0x73: {  	[sflag:s25] =	ssyncset.done $0x0  }
0x74: {  	s0 =	rddreg [dreg:$0x1c];
	[sflag:s25] =	ssyncadd.s32 $0xFFFFC000  }
0x75: {  	[tilespmem:s7], [sflag:$0x7] =	stream.indirect.gather.add.f32 [hbm:s3], $0x80, s0, s8, $0xb8;
	[tilespmem:$0x1C800] =	vst v63  }
0x76: {  	_ =	swait.ge [sflag:s20], $0x4000  }
0x77: {  	[sflag:s20] =	ssyncset.done $0x0  }
0x78: {  	s0 =	rddreg [dreg:$0xa];
	[sflag:s20] =	ssyncadd.s32 $0xFFFFC000  }
0x79: {  	[hbm4b:s0+s2] =	stream.linear.scatter [tilespmem:s6], [sflag:$0x10], $0x4000, $0x38;
	[tilespmem:$0x1C800] =	vst v63  }
0x7a: {  	_ =	swait.ge [sflag:s12], $0x4000  }
0x7b: {  	[sflag:s12] =	ssyncset.done $0x0  }
0x7c: {  	[sflag:s12] =	ssyncadd.s32 $0xFFFFC000  }
0x7d: {  	[tilespmem:s5], [sflag:$0x3] =	stream.linear.gather [spmem:s9], $0x4000, $0x38;
	[tilespmem:$0x1C800] =	vst v63  }
0x7e: {  	_ =	swait.ge [sflag:s23], $0x4000  }
0x7f: {  	[sflag:s23] =	ssyncset.done $0x0  }
0x80: {  	s0 =	rddreg [dreg:$0x1d];
	[sflag:s23] =	ssyncadd.s32 $0xFFFFC000  }
0x81: {  	[tilespmem:s4], [sflag:$0x8] =	stream.indirect.gather.add.f32 [hbm:s3], $0x80, s0, s8, $0xb8;
	[tilespmem:$0x1C800] =	vst v63  }
0x82: {  	_ =	swait.ge [sflag:s28], $0x4000  }
0x83: {  	[sflag:s28] =	ssyncset.done $0x0  }
0x84: {  	s0 =	rddreg [dreg:$0xb];
	[sflag:s28] =	ssyncadd.s32 $0xFFFFC000  }
0x85: {  	[hbm4b:s0+s2] =	stream.linear.scatter [tilespmem:s24], [sflag:$0x11], $0x4000, $0x38;
	[tilespmem:$0x1C800] =	vst v63  }
0x86: {  	_ =	swait.ge [sflag:s11], $0x4000  }
0x87: {  	[sflag:s11] =	ssyncset.done $0x0  }
0x88: {  	[sflag:s11] =	ssyncadd.s32 $0xFFFFC000  }
0x89: {  	[tilespmem:s6], [sflag:$0x4] =	stream.linear.gather [spmem:s9], $0x4000, $0x38;
	[tilespmem:$0x1C800] =	vst v63  }
0x8a: {  	_ =	swait.ge [sflag:s17], $0x4000  }
0x8b: {  	[sflag:s17] =	ssyncset.done $0x0  }
0x8c: {  	[sflag:s17] =	ssyncadd.s32 $0xFFFFC000  }
0x8d: {  	[tilespmem:s5], [sflag:$0x9] =	stream.indirect.gather.add.f32 [hbm:s3], $0x80, s21, s8, $0xb8;
	[tilespmem:$0x1C800] =	vst v63  }
0x8e: {  	_ =	swait.ge [sflag:s26], $0x4000  }
0x8f: {  	[sflag:s26] =	ssyncset.done $0x0  }
0x90: {  	s21 =	simm.s32 $0x11;
	s0 =	rddreg [dreg:$0xc];
	[sflag:s26] =	ssyncadd.s32 $0xFFFFC000  }
0x91: {  	[hbm4b:s0+s2] =	stream.linear.scatter [tilespmem:s22], [sflag:$0x12], $0x4000, $0x38;
	[tilespmem:$0x1C800] =	vst v63  }
0x92: {  	_ =	swait.ge [sflag:s21], $0x4000  }
0x93: {  	[sflag:s21] =	ssyncset.done $0x0  }
0x94: {  	[sflag:s21] =	ssyncadd.s32 $0xFFFFC000  }
0x95: {  	[tilespmem:s24], [sflag:$0x5] =	stream.linear.gather [spmem:s9], $0x4000, $0x38;
	[tilespmem:$0x1C800] =	vst v63  }
0x96: {  	_ =	swait.ge [sflag:s15], $0x4000  }
0x97: {  	[sflag:s15] =	ssyncset.done $0x0  }
0x98: {  	s0 =	rddreg [dreg:$0x1e];
	[sflag:s15] =	ssyncadd.s32 $0xFFFFC000  }
0x99: {  	[tilespmem:s6], [sflag:$0xA] =	stream.indirect.gather.add.f32 [hbm:s3], $0x80, s0, s8, $0xb8;
	[tilespmem:$0x1C800] =	vst v63  }
0x9a: {  	_ =	swait.ge [sflag:s14], $0x4000  }
0x9b: {  	[sflag:s14] =	ssyncset.done $0x0  }
0x9c: {  	s0 =	rddreg [dreg:$0xd];
	[sflag:s14] =	ssyncadd.s32 $0xFFFFC000  }
0x9d: {  	[hbm4b:s0+s2] =	stream.linear.scatter [tilespmem:s7], [sflag:$0xD], $0x4000, $0x38;
	[tilespmem:$0x1C800] =	vst v63  }
0x9e: {  	_ =	swait.ge [sflag:s18], $0x4000  }
0x9f: {  	[sflag:s18] =	ssyncset.done $0x0  }
0xa0: {  	[sflag:s18] =	ssyncadd.s32 $0xFFFFC000  }
0xa1: {  	[tilespmem:s22], [sflag:$0x6] =	stream.linear.gather [spmem:s9], $0x4000, $0x38;
	[tilespmem:$0x1C800] =	vst v63  }
0xa2: {  	_ =	swait.ge [sflag:s31], $0x4000  }
0xa3: {  	[sflag:s31] =	ssyncset.done $0x0  }
0xa4: {  	s0 =	rddreg [dreg:$0x1f];
	[sflag:s31] =	ssyncadd.s32 $0xFFFFC000  }
0xa5: {  	[tilespmem:s24], [sflag:$0xB] =	stream.indirect.gather.add.f32 [hbm:s3], $0x80, s0, s8, $0xb8;
	[tilespmem:$0x1C800] =	vst v63  }
0xa6: {  	_ =	swait.ge [sflag:s16], $0x4000  }
0xa7: {  	[sflag:s16] =	ssyncset.done $0x0  }
0xa8: {  	s0 =	rddreg [dreg:$0xe];
	[sflag:s16] =	ssyncadd.s32 $0xFFFFC000  }
0xa9: {  	[hbm4b:s0+s2] =	stream.linear.scatter [tilespmem:s4], [sflag:$0xE], $0x4000, $0x38;
	[tilespmem:$0x1C800] =	vst v63  }
0xaa: {  	_ =	swait.ge [sflag:s10], $0x4000  }
0xab: {  	[sflag:s10] =	ssyncset.done $0x0  }
0xac: {  	[sflag:s10] =	ssyncadd.s32 $0xFFFFC000  }
0xad: {  	[tilespmem:s7], [sflag:$0x1] =	stream.linear.gather [spmem:s9], $0x4000, $0x38;
	[tilespmem:$0x1C800] =	vst v63  }
0xae: {  	_ =	swait.ge [sflag:s30], $0x4000  }
0xaf: {  	s0 =	sld [smem:$0x7F8]  }
0xb0: {  	[sflag:s30] =	ssyncset.done $0x0  }
0xb1: {  	[sflag:s30] =	ssyncadd.s32 $0xFFFFC000  }
0xb2: {  	[tilespmem:s22], [sflag:$0xC] =	stream.indirect.gather.add.f32 [hbm:s3], $0x80, s0, s8, $0xb8;
	[tilespmem:$0x1C800] =	vst v63  }
0xb3: {  	_ =	swait.ge [sflag:s19], $0x4000  }
0xb4: {  	[sflag:s19] =	ssyncset.done $0x0  }
0xb5: {  	s0 =	rddreg [dreg:$0xf];
	[sflag:s19] =	ssyncadd.s32 $0xFFFFC000  }
0xb6: {  	[hbm4b:s0+s2] =	stream.linear.scatter [tilespmem:s5], [sflag:$0xF], $0x4000, $0x38;
	[tilespmem:$0x1C800] =	vst v63  }
0xb7: {  	_ =	swait.ge [sflag:s13], $0x4000  }
0xb8: {  	[sflag:s13] =	ssyncset.done $0x0  }
0xb9: {  	[sflag:s13] =	ssyncadd.s32 $0xFFFFC000  }
0xba: {  	[tilespmem:s4], [sflag:$0x2] =	stream.linear.gather [spmem:s9], $0x4000, $0x38;
	[tilespmem:$0x1C800] =	vst v63  }
0xbb: {  	_ =	swait.ge [sflag:s25], $0x4000  }
0xbc: {  	s0 =	sld [smem:$0x7F9]  }
0xbd: {  	[sflag:s25] =	ssyncset.done $0x0  }
0xbe: {  	[sflag:s25] =	ssyncadd.s32 $0xFFFFC000  }
0xbf: {  	[tilespmem:s7], [sflag:$0x7] =	stream.indirect.gather.add.f32 [hbm:s3], $0x80, s0, s8, $0xb8;
	[tilespmem:$0x1C800] =	vst v63  }
0xc0: {  	_ =	swait.ge [sflag:s20], $0x4000  }
0xc1: {  	[sflag:s20] =	ssyncset.done $0x0  }
0xc2: {  	s0 =	rddreg [dreg:$0x10];
	[sflag:s20] =	ssyncadd.s32 $0xFFFFC000  }
0xc3: {  	[hbm4b:s0+s2] =	stream.linear.scatter [tilespmem:s6], [sflag:$0x10], $0x4000, $0x38;
	[tilespmem:$0x1C800] =	vst v63  }
0xc4: {  	_ =	swait.ge [sflag:s12], $0x4000  }
0xc5: {  	[sflag:s12] =	ssyncset.done $0x0  }
0xc6: {  	[sflag:s12] =	ssyncadd.s32 $0xFFFFC000  }
0xc7: {  	[tilespmem:s5], [sflag:$0x3] =	stream.linear.gather [spmem:s9], $0x4000, $0x38;
	[tilespmem:$0x1C800] =	vst v63  }
0xc8: {  	_ =	swait.ge [sflag:s23], $0x4000  }
0xc9: {  	s0 =	sld [smem:$0x7FA]  }
0xca: {  	[sflag:s23] =	ssyncset.done $0x0  }
0xcb: {  	[sflag:s23] =	ssyncadd.s32 $0xFFFFC000  }
0xcc: {  	[tilespmem:s4], [sflag:$0x8] =	stream.indirect.gather.add.f32 [hbm:s3], $0x80, s0, s8, $0xb8;
	[tilespmem:$0x1C800] =	vst v63  }
0xcd: {  	_ =	swait.ge [sflag:s28], $0x4000  }
0xce: {  	[sflag:s28] =	ssyncset.done $0x0  }
0xcf: {  	s0 =	rddreg [dreg:$0x11];
	[sflag:s28] =	ssyncadd.s32 $0xFFFFC000  }
0xd0: {  	[hbm4b:s0+s2] =	stream.linear.scatter [tilespmem:s24], [sflag:$0x11], $0x4000, $0x38;
	[tilespmem:$0x1C800] =	vst v63  }
0xd1: {  	_ =	swait.ge [sflag:s11], $0x4000  }
0xd2: {  	[sflag:s11] =	ssyncset.done $0x0  }
0xd3: {  	[sflag:s11] =	ssyncadd.s32 $0xFFFFC000  }
0xd4: {  	[tilespmem:s6], [sflag:$0x4] =	stream.linear.gather [spmem:s9], $0x4000, $0x38;
	[tilespmem:$0x1C800] =	vst v63  }
0xd5: {  	_ =	swait.ge [sflag:s17], $0x4000  }
0xd6: {  	s0 =	sld [smem:$0x7FB]  }
0xd7: {  	[sflag:s17] =	ssyncset.done $0x0  }
0xd8: {  	[sflag:s17] =	ssyncadd.s32 $0xFFFFC000  }
0xd9: {  	[tilespmem:s5], [sflag:$0x9] =	stream.indirect.gather.add.f32 [hbm:s3], $0x80, s0, s8, $0xb8;
	[tilespmem:$0x1C800] =	vst v63  }
0xda: {  	_ =	swait.ge [sflag:s26], $0x4000  }
0xdb: {  	[sflag:s26] =	ssyncset.done $0x0  }
0xdc: {  	s0 =	rddreg [dreg:$0x12];
	[sflag:s26] =	ssyncadd.s32 $0xFFFFC000  }
0xdd: {  	[hbm4b:s0+s2] =	stream.linear.scatter [tilespmem:s22], [sflag:$0x12], $0x4000, $0x38;
	[tilespmem:$0x1C800] =	vst v63  }
0xde: {  	_ =	swait.ge [sflag:s15], $0x4000  }
0xdf: {  	s0 =	sld [smem:$0x7FC]  }
0xe0: {  	[sflag:s15] =	ssyncset.done $0x0  }
0xe1: {  	[sflag:s15] =	ssyncadd.s32 $0xFFFFC000  }
0xe2: {  	[tilespmem:s6], [sflag:$0xA] =	stream.indirect.gather.add.f32 [hbm:s3], $0x80, s0, s8, $0xb8;
	[tilespmem:$0x1C800] =	vst v63  }
0xe3: {  	_ =	swait.ge [sflag:s14], $0x4000  }
0xe4: {  	[sflag:s14] =	ssyncset.done $0x0  }
0xe5: {  	s0 =	rddreg [dreg:$0x13];
	[sflag:s14] =	ssyncadd.s32 $0xFFFFC000  }
0xe6: {  	[hbm4b:s0+s2] =	stream.linear.scatter [tilespmem:s7], [sflag:$0xD], $0x4000, $0x38;
	[tilespmem:$0x1C800] =	vst v63  }
0xe7: {  	_ =	swait.ge [sflag:s16], $0x4000  }
0xe8: {  	[sflag:s16] =	ssyncset.done $0x0  }
0xe9: {  	s0 =	rddreg [dreg:$0x14];
	[sflag:s16] =	ssyncadd.s32 $0xFFFFC000  }
0xea: {  	[hbm4b:s0+s2] =	stream.linear.scatter [tilespmem:s4], [sflag:$0xE], $0x4000, $0x38;
	[tilespmem:$0x1C800] =	vst v63  }
0xeb: {  	_ =	swait.ge [sflag:s19], $0x4000  }
0xec: {  	[sflag:s19] =	ssyncset.done $0x0  }
0xed: {  	s0 =	rddreg [dreg:$0x15];
	[sflag:s19] =	ssyncadd.s32 $0xFFFFC000  }
0xee: {  	[hbm4b:s0+s2] =	stream.linear.scatter [tilespmem:s5], [sflag:$0xF], $0x4000, $0x38;
	[tilespmem:$0x1C800] =	vst v63  }
0xef: {  	_ =	swait.ge [sflag:s20], $0x4000  }
0xf0: {  	[sflag:s20] =	ssyncset.done $0x0  }
0xf1: {  	s0 =	rddreg [dreg:$0x16];
	[sflag:s20] =	ssyncadd.s32 $0xFFFFC000  }
0xf2: {  	[hbm4b:s0+s2] =	stream.linear.scatter [tilespmem:s6], [sflag:$0x10], $0x4000, $0x38;
	[tilespmem:$0x1C800] =	vst v63  }
0xf3: {  	_ =	swait.ge [sflag:s21], $0x4000  }
0xf4: {  	[sflag:s21] =	ssyncset.done $0x0  }
0xf5: {  	[sflag:s21] =	ssyncadd.s32 $0xFFFFC000  }
0xf6: {  	_ =	swait.ge [sflag:s18], $0x4000  }
0xf7: {  	[sflag:s18] =	ssyncset.done $0x0  }
0xf8: {  	[sflag:s18] =	ssyncadd.s32 $0xFFFFC000  }
0xf9: {  	_ =	swait.ge [sflag:s10], $0x4000  }
0xfa: {  	[sflag:s10] =	ssyncset.done $0x0  }
0xfb: {  	[sflag:s10] =	ssyncadd.s32 $0xFFFFC000  }
0xfc: {  	_ =	swait.ge [sflag:s13], $0x4000  }
0xfd: {  	[sflag:s13] =	ssyncset.done $0x0  }
0xfe: {  	[sflag:s13] =	ssyncadd.s32 $0xFFFFC000  }
0xff: {  	_ =	swait.ge [sflag:s12], $0x4000  }
0x100: {  	s18 =	sld [smem:$0x7FD];
	_ =	sdelay $0x2  }
0x101: {  	p1 =	sne.s32 s18, $0x1  }
.Ltmp1:
0x102: {  	_ = 	snop;
	(pc) =	sbr.rel @!p1 .LBB2_3-.Ltmp1, $4  }
0x103: {  	[sflag:s12] =	ssyncset.done $0x0  }
0x104: {  	[sflag:s12] =	ssyncadd.s32 $0xFFFFC000  }
0x105: {  	p0 =	por $0x1, $0x1;
	_ =	swait.ge [sflag:s11], $0x4000  }
0x106: {  	s29 =	sadd.s32 $0xFFFFFFFF, s18;
	s0 =	rddreg [dreg:$0x6];
	[sflag:s11] =	ssyncset.done $0x0  }
.LBB2_2:
0x107: {  	s18 =	rddreg [dreg:$0x17];
	[sflag:s11] =	ssyncadd.s32 $0xFFFFC000;
	s21 =	simm.s32 $0x400  }
0x108: {  	[tilespmem:s2], [sflag:$0x13] =	stream.strided.gather [hbm4b:s0+s21], $0x800, s18, s21, $0x38;
	[tilespmem:$0x1C800] =	vst v63  }
0x109: {  	_ =	swait.ge [sflag:s1], $0x800  }
0x10a: {  	[sflag:s1] =	ssyncset.done $0x0  }
0x10b: {  	s0 =	rddreg [dreg:$0x7];
	[sflag:s1] =	ssyncadd.s32 $0xFFFFF800  }
0x10c: {  	[tilespmem:s7], [sflag:$0x13] =	stream.linear.gather [hbm4b:s0+s2], $0x4000, $0x38;
	[tilespmem:$0x1C800] =	vst v63  }
0x10d: {  	_ =	swait.ge [sflag:s1], $0x4000  }
0x10e: {  	[sflag:s1] =	ssyncset.done $0x0  }
0x10f: {  	[sflag:s1] =	ssyncadd.s32 $0xFFFFC000  }
0x110: {  	[spmem:s9] =	stream.linear.scatter [tilespmem:s7], [sflag:$0x13], $0x4000, $0x38;
	[tilespmem:$0x1C800] =	vst v63  }
0x111: {  	_ =	swait.ge [sflag:s1], $0x4000  }
0x112: {  	[sflag:s1] =	ssyncset.done $0x0  }
0x113: {  	[sflag:s1] =	ssyncadd.s32 $0xFFFFC000  }
0x114: {  	[tilespmem:s7], [sflag:$0x1] =	stream.linear.gather [spmem:s9], $0x4000, $0x38;
	[tilespmem:$0x1C800] =	vst v63  }
0x115: {  	_ = 	snop  }
0x116: {  	[tilespmem:s4], [sflag:$0x2] =	stream.linear.gather [spmem:s9], $0x4000, $0x38;
	[tilespmem:$0x1C800] =	vst v63  }
0x117: {  	_ =	swait.ge [sflag:s25], $0x4000  }
0x118: {  	[sflag:s25] =	ssyncset.done $0x0  }
0x119: {  	[sflag:s25] =	ssyncadd.s32 $0xFFFFC000  }
0x11a: {  	[tilespmem:s7], [sflag:$0x7] =	stream.indirect.gather.add.f32 [hbm:s3], $0x80, s2, s8, $0xb8;
	[tilespmem:$0x1C800] =	vst v63  }
0x11b: {  	_ = 	snop  }
0x11c: {  	[tilespmem:s5], [sflag:$0x3] =	stream.linear.gather [spmem:s9], $0x4000, $0x38;
	[tilespmem:$0x1C800] =	vst v63  }
0x11d: {  	_ =	swait.ge [sflag:s23], $0x4000  }
0x11e: {  	[sflag:s23] =	ssyncset.done $0x0  }
0x11f: {  	[sflag:s23] =	ssyncadd.s32 $0xFFFFC000  }
0x120: {  	[tilespmem:s4], [sflag:$0x8] =	stream.indirect.gather.add.f32 [hbm:s3], $0x80, s8, s8, $0xb8;
	[tilespmem:$0x1C800] =	vst v63  }
0x121: {  	_ = 	snop  }
0x122: {  	[tilespmem:s6], [sflag:$0x4] =	stream.linear.gather [spmem:s9], $0x4000, $0x38;
	[tilespmem:$0x1C800] =	vst v63  }
0x123: {  	_ =	swait.ge [sflag:s17], $0x4000  }
0x124: {  	[sflag:s17] =	ssyncset.done $0x0  }
0x125: {  	s0 =	rddreg [dreg:$0x18];
	[sflag:s17] =	ssyncadd.s32 $0xFFFFC000  }
0x126: {  	[tilespmem:s5], [sflag:$0x9] =	stream.indirect.gather.add.f32 [hbm:s3], $0x80, s0, s8, $0xb8;
	[tilespmem:$0x1C800] =	vst v63  }
0x127: {  	_ = 	snop  }
0x128: {  	[tilespmem:s24], [sflag:$0x5] =	stream.linear.gather [spmem:s9], $0x4000, $0x38;
	[tilespmem:$0x1C800] =	vst v63  }
0x129: {  	_ =	swait.ge [sflag:s15], $0x4000  }
0x12a: {  	[sflag:s15] =	ssyncset.done $0x0  }
0x12b: {  	s0 =	rddreg [dreg:$0x19];
	[sflag:s15] =	ssyncadd.s32 $0xFFFFC000  }
0x12c: {  	[tilespmem:s6], [sflag:$0xA] =	stream.indirect.gather.add.f32 [hbm:s3], $0x80, s0, s8, $0xb8;
	[tilespmem:$0x1C800] =	vst v63  }
0x12d: {  	_ =	swait.ge [sflag:s14], $0x4000  }
0x12e: {  	s0 =	sld [smem:$0x7F7]  }
0x12f: {  	[sflag:s14] =	ssyncset.done $0x0  }
0x130: {  	[sflag:s14] =	ssyncadd.s32 $0xFFFFC000  }
0x131: {  	[hbm4b:s0+s2] =	stream.linear.scatter [tilespmem:s7], [sflag:$0xD], $0x4000, $0x38;
	[tilespmem:$0x1C800] =	vst v63  }
0x132: {  	_ = 	snop  }
0x133: {  	[tilespmem:s22], [sflag:$0x6] =	stream.linear.gather [spmem:s9], $0x4000, $0x38;
	[tilespmem:$0x1C800] =	vst v63  }
0x134: {  	_ =	swait.ge [sflag:s31], $0x4000  }
0x135: {  	[sflag:s31] =	ssyncset.done $0x0  }
0x136: {  	s0 =	rddreg [dreg:$0x1a];
	[sflag:s31] =	ssyncadd.s32 $0xFFFFC000  }
0x137: {  	[tilespmem:s24], [sflag:$0xB] =	stream.indirect.gather.add.f32 [hbm:s3], $0x80, s0, s8, $0xb8;
	[tilespmem:$0x1C800] =	vst v63  }
0x138: {  	_ =	swait.ge [sflag:s16], $0x4000  }
0x139: {  	[sflag:s16] =	ssyncset.done $0x0  }
0x13a: {  	s0 =	rddreg [dreg:$0x8];
	[sflag:s16] =	ssyncadd.s32 $0xFFFFC000  }
0x13b: {  	[hbm4b:s0+s2] =	stream.linear.scatter [tilespmem:s4], [sflag:$0xE], $0x4000, $0x38;
	[tilespmem:$0x1C800] =	vst v63  }
0x13c: {  	_ =	swait.ge [sflag:s10], $0x4000  }
0x13d: {  	[sflag:s10] =	ssyncset.done $0x0  }
0x13e: {  	[sflag:s10] =	ssyncadd.s32 $0xFFFFC000  }
0x13f: {  	[tilespmem:s7], [sflag:$0x1] =	stream.linear.gather [spmem:s9], $0x4000, $0x38;
	[tilespmem:$0x1C800] =	vst v63  }
0x140: {  	_ =	swait.ge [sflag:s30], $0x4000  }
0x141: {  	[sflag:s30] =	ssyncset.done $0x0  }
0x142: {  	s0 =	rddreg [dreg:$0x1b];
	[sflag:s30] =	ssyncadd.s32 $0xFFFFC000  }
0x143: {  	[tilespmem:s22], [sflag:$0xC] =	stream.indirect.gather.add.f32 [hbm:s3], $0x80, s0, s8, $0xb8;
	[tilespmem:$0x1C800] =	vst v63  }
0x144: {  	_ =	swait.ge [sflag:s19], $0x4000  }
0x145: {  	[sflag:s19] =	ssyncset.done $0x0  }
0x146: {  	s0 =	rddreg [dreg:$0x9];
	[sflag:s19] =	ssyncadd.s32 $0xFFFFC000  }
0x147: {  	[hbm4b:s0+s2] =	stream.linear.scatter [tilespmem:s5], [sflag:$0xF], $0x4000, $0x38;
	[tilespmem:$0x1C800] =	vst v63  }
0x148: {  	_ =	swait.ge [sflag:s13], $0x4000  }
0x149: {  	[sflag:s13] =	ssyncset.done $0x0  }
0x14a: {  	[sflag:s13] =	ssyncadd.s32 $0xFFFFC000  }
0x14b: {  	[tilespmem:s4], [sflag:$0x2] =	stream.linear.gather [spmem:s9], $0x4000, $0x38;
	[tilespmem:$0x1C800] =	vst v63  }
0x14c: {  	_ =	swait.ge [sflag:s25], $0x4000  }
0x14d: {  	[sflag:s25] =	ssyncset.done $0x0  }
0x14e: {  	s0 =	rddreg [dreg:$0x1c];
	[sflag:s25] =	ssyncadd.s32 $0xFFFFC000  }
0x14f: {  	[tilespmem:s7], [sflag:$0x7] =	stream.indirect.gather.add.f32 [hbm:s3], $0x80, s0, s8, $0xb8;
	[tilespmem:$0x1C800] =	vst v63  }
0x150: {  	_ =	swait.ge [sflag:s20], $0x4000  }
0x151: {  	[sflag:s20] =	ssyncset.done $0x0  }
0x152: {  	s0 =	rddreg [dreg:$0xa];
	[sflag:s20] =	ssyncadd.s32 $0xFFFFC000  }
0x153: {  	[hbm4b:s0+s2] =	stream.linear.scatter [tilespmem:s6], [sflag:$0x10], $0x4000, $0x38;
	[tilespmem:$0x1C800] =	vst v63  }
0x154: {  	_ =	swait.ge [sflag:s12], $0x4000  }
0x155: {  	[sflag:s12] =	ssyncset.done $0x0  }
0x156: {  	[sflag:s12] =	ssyncadd.s32 $0xFFFFC000  }
0x157: {  	[tilespmem:s5], [sflag:$0x3] =	stream.linear.gather [spmem:s9], $0x4000, $0x38;
	[tilespmem:$0x1C800] =	vst v63  }
0x158: {  	_ =	swait.ge [sflag:s23], $0x4000  }
0x159: {  	[sflag:s23] =	ssyncset.done $0x0  }
0x15a: {  	s0 =	rddreg [dreg:$0x1d];
	[sflag:s23] =	ssyncadd.s32 $0xFFFFC000  }
0x15b: {  	[tilespmem:s4], [sflag:$0x8] =	stream.indirect.gather.add.f32 [hbm:s3], $0x80, s0, s8, $0xb8;
	[tilespmem:$0x1C800] =	vst v63  }
0x15c: {  	_ =	swait.ge [sflag:s28], $0x4000  }
0x15d: {  	[sflag:s28] =	ssyncset.done $0x0  }
0x15e: {  	s0 =	rddreg [dreg:$0xb];
	[sflag:s28] =	ssyncadd.s32 $0xFFFFC000  }
0x15f: {  	[hbm4b:s0+s2] =	stream.linear.scatter [tilespmem:s24], [sflag:$0x11], $0x4000, $0x38;
	[tilespmem:$0x1C800] =	vst v63  }
0x160: {  	_ =	swait.ge [sflag:s11], $0x4000  }
0x161: {  	[sflag:s11] =	ssyncset.done $0x0  }
0x162: {  	[sflag:s11] =	ssyncadd.s32 $0xFFFFC000  }
0x163: {  	[tilespmem:s6], [sflag:$0x4] =	stream.linear.gather [spmem:s9], $0x4000, $0x38;
	[tilespmem:$0x1C800] =	vst v63  }
0x164: {  	_ =	swait.ge [sflag:s17], $0x4000  }
0x165: {  	[sflag:s17] =	ssyncset.done $0x0  }
0x166: {  	[sflag:s17] =	ssyncadd.s32 $0xFFFFC000  }
0x167: {  	[tilespmem:s5], [sflag:$0x9] =	stream.indirect.gather.add.f32 [hbm:s3], $0x80, s21, s8, $0xb8;
	[tilespmem:$0x1C800] =	vst v63  }
0x168: {  	_ =	swait.ge [sflag:s26], $0x4000  }
0x169: {  	[sflag:s26] =	ssyncset.done $0x0  }
0x16a: {  	s21 =	simm.s32 $0x11;
	s0 =	rddreg [dreg:$0xc];
	[sflag:s26] =	ssyncadd.s32 $0xFFFFC000  }
0x16b: {  	[hbm4b:s0+s2] =	stream.linear.scatter [tilespmem:s22], [sflag:$0x12], $0x4000, $0x38;
	[tilespmem:$0x1C800] =	vst v63  }
0x16c: {  	_ =	swait.ge [sflag:s21], $0x4000  }
0x16d: {  	[sflag:s21] =	ssyncset.done $0x0  }
0x16e: {  	[sflag:s21] =	ssyncadd.s32 $0xFFFFC000  }
0x16f: {  	[tilespmem:s24], [sflag:$0x5] =	stream.linear.gather [spmem:s9], $0x4000, $0x38;
	[tilespmem:$0x1C800] =	vst v63  }
0x170: {  	_ =	swait.ge [sflag:s15], $0x4000  }
0x171: {  	[sflag:s15] =	ssyncset.done $0x0  }
0x172: {  	s0 =	rddreg [dreg:$0x1e];
	[sflag:s15] =	ssyncadd.s32 $0xFFFFC000  }
0x173: {  	[tilespmem:s6], [sflag:$0xA] =	stream.indirect.gather.add.f32 [hbm:s3], $0x80, s0, s8, $0xb8;
	[tilespmem:$0x1C800] =	vst v63  }
0x174: {  	_ =	swait.ge [sflag:s14], $0x4000  }
0x175: {  	[sflag:s14] =	ssyncset.done $0x0  }
0x176: {  	s18 =	simm.s32 $0x12;
	s0 =	rddreg [dreg:$0xd];
	[sflag:s14] =	ssyncadd.s32 $0xFFFFC000  }
0x177: {  	[hbm4b:s0+s2] =	stream.linear.scatter [tilespmem:s7], [sflag:$0xD], $0x4000, $0x38;
	[tilespmem:$0x1C800] =	vst v63  }
0x178: {  	_ =	swait.ge [sflag:s18], $0x4000  }
0x179: {  	[sflag:s18] =	ssyncset.done $0x0  }
0x17a: {  	[sflag:s18] =	ssyncadd.s32 $0xFFFFC000  }
0x17b: {  	[tilespmem:s22], [sflag:$0x6] =	stream.linear.gather [spmem:s9], $0x4000, $0x38;
	[tilespmem:$0x1C800] =	vst v63  }
0x17c: {  	_ =	swait.ge [sflag:s31], $0x4000  }
0x17d: {  	[sflag:s31] =	ssyncset.done $0x0  }
0x17e: {  	s0 =	rddreg [dreg:$0x1f];
	[sflag:s31] =	ssyncadd.s32 $0xFFFFC000  }
0x17f: {  	[tilespmem:s24], [sflag:$0xB] =	stream.indirect.gather.add.f32 [hbm:s3], $0x80, s0, s8, $0xb8;
	[tilespmem:$0x1C800] =	vst v63  }
0x180: {  	_ =	swait.ge [sflag:s16], $0x4000  }
0x181: {  	[sflag:s16] =	ssyncset.done $0x0  }
0x182: {  	s0 =	rddreg [dreg:$0xe];
	[sflag:s16] =	ssyncadd.s32 $0xFFFFC000  }
0x183: {  	[hbm4b:s0+s2] =	stream.linear.scatter [tilespmem:s4], [sflag:$0xE], $0x4000, $0x38;
	[tilespmem:$0x1C800] =	vst v63  }
0x184: {  	_ =	swait.ge [sflag:s10], $0x4000  }
0x185: {  	[sflag:s10] =	ssyncset.done $0x0  }
0x186: {  	[sflag:s10] =	ssyncadd.s32 $0xFFFFC000  }
0x187: {  	[tilespmem:s7], [sflag:$0x1] =	stream.linear.gather [spmem:s9], $0x4000, $0x38;
	[tilespmem:$0x1C800] =	vst v63  }
0x188: {  	_ =	swait.ge [sflag:s30], $0x4000  }
0x189: {  	s0 =	sld [smem:$0x7F8]  }
0x18a: {  	[sflag:s30] =	ssyncset.done $0x0  }
0x18b: {  	[sflag:s30] =	ssyncadd.s32 $0xFFFFC000  }
0x18c: {  	[tilespmem:s22], [sflag:$0xC] =	stream.indirect.gather.add.f32 [hbm:s3], $0x80, s0, s8, $0xb8;
	[tilespmem:$0x1C800] =	vst v63  }
0x18d: {  	_ =	swait.ge [sflag:s19], $0x4000  }
0x18e: {  	[sflag:s19] =	ssyncset.done $0x0  }
0x18f: {  	s0 =	rddreg [dreg:$0xf];
	[sflag:s19] =	ssyncadd.s32 $0xFFFFC000  }
0x190: {  	[hbm4b:s0+s2] =	stream.linear.scatter [tilespmem:s5], [sflag:$0xF], $0x4000, $0x38;
	[tilespmem:$0x1C800] =	vst v63  }
0x191: {  	_ =	swait.ge [sflag:s13], $0x4000  }
0x192: {  	[sflag:s13] =	ssyncset.done $0x0  }
0x193: {  	[sflag:s13] =	ssyncadd.s32 $0xFFFFC000  }
0x194: {  	[tilespmem:s4], [sflag:$0x2] =	stream.linear.gather [spmem:s9], $0x4000, $0x38;
	[tilespmem:$0x1C800] =	vst v63  }
0x195: {  	_ =	swait.ge [sflag:s25], $0x4000  }
0x196: {  	s0 =	sld [smem:$0x7F9]  }
0x197: {  	[sflag:s25] =	ssyncset.done $0x0  }
0x198: {  	[sflag:s25] =	ssyncadd.s32 $0xFFFFC000  }
0x199: {  	[tilespmem:s7], [sflag:$0x7] =	stream.indirect.gather.add.f32 [hbm:s3], $0x80, s0, s8, $0xb8;
	[tilespmem:$0x1C800] =	vst v63  }
0x19a: {  	_ =	swait.ge [sflag:s20], $0x4000  }
0x19b: {  	[sflag:s20] =	ssyncset.done $0x0  }
0x19c: {  	s0 =	rddreg [dreg:$0x10];
	[sflag:s20] =	ssyncadd.s32 $0xFFFFC000  }
0x19d: {  	[hbm4b:s0+s2] =	stream.linear.scatter [tilespmem:s6], [sflag:$0x10], $0x4000, $0x38;
	[tilespmem:$0x1C800] =	vst v63  }
0x19e: {  	_ =	swait.ge [sflag:s12], $0x4000  }
0x19f: {  	[sflag:s12] =	ssyncset.done $0x0  }
0x1a0: {  	[sflag:s12] =	ssyncadd.s32 $0xFFFFC000  }
0x1a1: {  	[tilespmem:s5], [sflag:$0x3] =	stream.linear.gather [spmem:s9], $0x4000, $0x38;
	[tilespmem:$0x1C800] =	vst v63  }
0x1a2: {  	_ =	swait.ge [sflag:s23], $0x4000  }
0x1a3: {  	s0 =	sld [smem:$0x7FA]  }
0x1a4: {  	[sflag:s23] =	ssyncset.done $0x0  }
0x1a5: {  	[sflag:s23] =	ssyncadd.s32 $0xFFFFC000  }
0x1a6: {  	[tilespmem:s4], [sflag:$0x8] =	stream.indirect.gather.add.f32 [hbm:s3], $0x80, s0, s8, $0xb8;
	[tilespmem:$0x1C800] =	vst v63  }
0x1a7: {  	_ =	swait.ge [sflag:s28], $0x4000  }
0x1a8: {  	[sflag:s28] =	ssyncset.done $0x0  }
0x1a9: {  	s0 =	rddreg [dreg:$0x11];
	[sflag:s28] =	ssyncadd.s32 $0xFFFFC000  }
0x1aa: {  	[hbm4b:s0+s2] =	stream.linear.scatter [tilespmem:s24], [sflag:$0x11], $0x4000, $0x38;
	[tilespmem:$0x1C800] =	vst v63  }
0x1ab: {  	_ =	swait.ge [sflag:s11], $0x4000  }
0x1ac: {  	[sflag:s11] =	ssyncset.done $0x0  }
0x1ad: {  	[sflag:s11] =	ssyncadd.s32 $0xFFFFC000  }
0x1ae: {  	[tilespmem:s6], [sflag:$0x4] =	stream.linear.gather [spmem:s9], $0x4000, $0x38;
	[tilespmem:$0x1C800] =	vst v63  }
0x1af: {  	_ =	swait.ge [sflag:s17], $0x4000  }
0x1b0: {  	s0 =	sld [smem:$0x7FB]  }
0x1b1: {  	[sflag:s17] =	ssyncset.done $0x0  }
0x1b2: {  	[sflag:s17] =	ssyncadd.s32 $0xFFFFC000  }
0x1b3: {  	[tilespmem:s5], [sflag:$0x9] =	stream.indirect.gather.add.f32 [hbm:s3], $0x80, s0, s8, $0xb8;
	[tilespmem:$0x1C800] =	vst v63  }
0x1b4: {  	_ =	swait.ge [sflag:s26], $0x4000  }
0x1b5: {  	[sflag:s26] =	ssyncset.done $0x0  }
0x1b6: {  	s0 =	rddreg [dreg:$0x12];
	[sflag:s26] =	ssyncadd.s32 $0xFFFFC000  }
0x1b7: {  	[hbm4b:s0+s2] =	stream.linear.scatter [tilespmem:s22], [sflag:$0x12], $0x4000, $0x38;
	[tilespmem:$0x1C800] =	vst v63  }
0x1b8: {  	_ =	swait.ge [sflag:s15], $0x4000  }
0x1b9: {  	s0 =	sld [smem:$0x7FC]  }
0x1ba: {  	[sflag:s15] =	ssyncset.done $0x0  }
0x1bb: {  	[sflag:s15] =	ssyncadd.s32 $0xFFFFC000  }
0x1bc: {  	[tilespmem:s6], [sflag:$0xA] =	stream.indirect.gather.add.f32 [hbm:s3], $0x80, s0, s8, $0xb8;
	[tilespmem:$0x1C800] =	vst v63  }
0x1bd: {  	_ =	swait.ge [sflag:s14], $0x4000  }
0x1be: {  	[sflag:s14] =	ssyncset.done $0x0  }
0x1bf: {  	s0 =	rddreg [dreg:$0x13];
	[sflag:s14] =	ssyncadd.s32 $0xFFFFC000  }
0x1c0: {  	[hbm4b:s0+s2] =	stream.linear.scatter [tilespmem:s7], [sflag:$0xD], $0x4000, $0x38;
	[tilespmem:$0x1C800] =	vst v63  }
0x1c1: {  	_ =	swait.ge [sflag:s16], $0x4000  }
0x1c2: {  	[sflag:s16] =	ssyncset.done $0x0  }
0x1c3: {  	s0 =	rddreg [dreg:$0x14];
	[sflag:s16] =	ssyncadd.s32 $0xFFFFC000  }
0x1c4: {  	[hbm4b:s0+s2] =	stream.linear.scatter [tilespmem:s4], [sflag:$0xE], $0x4000, $0x38;
	[tilespmem:$0x1C800] =	vst v63  }
0x1c5: {  	_ =	swait.ge [sflag:s19], $0x4000  }
0x1c6: {  	[sflag:s19] =	ssyncset.done $0x0  }
0x1c7: {  	s0 =	rddreg [dreg:$0x15];
	[sflag:s19] =	ssyncadd.s32 $0xFFFFC000  }
0x1c8: {  	[hbm4b:s0+s2] =	stream.linear.scatter [tilespmem:s5], [sflag:$0xF], $0x4000, $0x38;
	[tilespmem:$0x1C800] =	vst v63  }
0x1c9: {  	_ =	swait.ge [sflag:s20], $0x4000  }
0x1ca: {  	[sflag:s20] =	ssyncset.done $0x0  }
0x1cb: {  	s0 =	rddreg [dreg:$0x16];
	[sflag:s20] =	ssyncadd.s32 $0xFFFFC000  }
0x1cc: {  	[hbm4b:s0+s2] =	stream.linear.scatter [tilespmem:s6], [sflag:$0x10], $0x4000, $0x38;
	[tilespmem:$0x1C800] =	vst v63  }
0x1cd: {  	_ =	swait.ge [sflag:s21], $0x4000  }
0x1ce: {  	[sflag:s21] =	ssyncset.done $0x0  }
0x1cf: {  	[sflag:s21] =	ssyncadd.s32 $0xFFFFC000  }
0x1d0: {  	_ =	swait.ge [sflag:s18], $0x4000  }
0x1d1: {  	[sflag:s18] =	ssyncset.done $0x0  }
0x1d2: {  	[sflag:s18] =	ssyncadd.s32 $0xFFFFC000  }
0x1d3: {  	_ =	swait.ge [sflag:s10], $0x4000  }
0x1d4: {  	[sflag:s10] =	ssyncset.done $0x0  }
0x1d5: {  	[sflag:s10] =	ssyncadd.s32 $0xFFFFC000  }
0x1d6: {  	_ =	swait.ge [sflag:s13], $0x4000  }
0x1d7: {  	[sflag:s13] =	ssyncset.done $0x0  }
0x1d8: {  	p1 =	sne.s32 s29, $0x1;
	[sflag:s13] =	ssyncadd.s32 $0xFFFFC000  }
.Ltmp2:
0x1d9: {  	_ =	swait.ge [sflag:s12], $0x4000;
	(pc) =	sbr.rel @p1 .LBB2_2-.Ltmp2, $4  }
0x1da: {  	[sflag:s12] =	ssyncset.done $0x0  }
0x1db: {  	[sflag:s12] =	ssyncadd.s32 $0xFFFFC000  }
0x1dc: {  	_ =	swait.ge [sflag:s11], $0x4000  }
0x1dd: {  	s29 =	sadd.s32 $0xFFFFFFFF, s29;
	s0 =	rddreg [dreg:$0x6];
	[sflag:s11] =	ssyncset.done $0x0  }
.LBB2_3:
0x1de: {  	s18 =	rddreg [dreg:$0x17];
	[sflag:s11] =	ssyncadd.s32 @p0 $0xFFFFC000;
	s29 =	simm.s32 $0x400  }
0x1df: {  	[tilespmem:s2], [sflag:$0x13] =	stream.strided.gather [hbm4b:s0+s29], $0x800, s18, s29, $0x38;
	[tilespmem:$0x1C800] =	vst v63  }
0x1e0: {  	_ =	swait.ge [sflag:s1], $0x800  }
0x1e1: {  	[sflag:s1] =	ssyncset.done $0x0  }
0x1e2: {  	s18 =	rddreg [dreg:$0x7];
	[sflag:s1] =	ssyncadd.s32 $0xFFFFF800  }
0x1e3: {  	[tilespmem:s7], [sflag:$0x13] =	stream.linear.gather [hbm4b:s18+s2], $0x4000, $0x38;
	[tilespmem:$0x1C800] =	vst v63  }
0x1e4: {  	_ =	swait.ge [sflag:s1], $0x4000  }
0x1e5: {  	[sflag:s1] =	ssyncset.done $0x0  }
0x1e6: {  	[sflag:s1] =	ssyncadd.s32 $0xFFFFC000  }
0x1e7: {  	[spmem:s9] =	stream.linear.scatter [tilespmem:s7], [sflag:$0x13], $0x4000, $0x38;
	[tilespmem:$0x1C800] =	vst v63  }
0x1e8: {  	_ =	swait.ge [sflag:s1], $0x4000  }
0x1e9: {  	[sflag:s1] =	ssyncset.done $0x0  }
0x1ea: {  	[sflag:s1] =	ssyncadd.s32 $0xFFFFC000  }
0x1eb: {  	[tilespmem:s7], [sflag:$0x1] =	stream.linear.gather [spmem:s9], $0x4000, $0x38;
	[tilespmem:$0x1C800] =	vst v63  }
0x1ec: {  	_ = 	snop  }
0x1ed: {  	[tilespmem:s4], [sflag:$0x2] =	stream.linear.gather [spmem:s9], $0x4000, $0x38;
	[tilespmem:$0x1C800] =	vst v63  }
0x1ee: {  	_ =	swait.ge [sflag:s25], $0x4000  }
0x1ef: {  	[sflag:s25] =	ssyncset.done $0x0  }
0x1f0: {  	[sflag:s25] =	ssyncadd.s32 $0xFFFFC000  }
0x1f1: {  	[tilespmem:s7], [sflag:$0x7] =	stream.indirect.gather.add.f32 [hbm:s3], $0x80, s2, s8, $0xb8;
	[tilespmem:$0x1C800] =	vst v63  }
0x1f2: {  	_ = 	snop  }
0x1f3: {  	[tilespmem:s5], [sflag:$0x3] =	stream.linear.gather [spmem:s9], $0x4000, $0x38;
	[tilespmem:$0x1C800] =	vst v63  }
0x1f4: {  	_ =	swait.ge [sflag:s23], $0x4000  }
0x1f5: {  	[sflag:s23] =	ssyncset.done $0x0  }
0x1f6: {  	[sflag:s23] =	ssyncadd.s32 $0xFFFFC000  }
0x1f7: {  	[tilespmem:s4], [sflag:$0x8] =	stream.indirect.gather.add.f32 [hbm:s3], $0x80, s8, s8, $0xb8;
	[tilespmem:$0x1C800] =	vst v63  }
0x1f8: {  	_ = 	snop  }
0x1f9: {  	[tilespmem:s6], [sflag:$0x4] =	stream.linear.gather [spmem:s9], $0x4000, $0x38;
	[tilespmem:$0x1C800] =	vst v63  }
0x1fa: {  	_ =	swait.ge [sflag:s17], $0x4000  }
0x1fb: {  	[sflag:s17] =	ssyncset.done $0x0  }
0x1fc: {  	s1 =	rddreg [dreg:$0x18];
	[sflag:s17] =	ssyncadd.s32 $0xFFFFC000  }
0x1fd: {  	[tilespmem:s5], [sflag:$0x9] =	stream.indirect.gather.add.f32 [hbm:s3], $0x80, s1, s8, $0xb8;
	[tilespmem:$0x1C800] =	vst v63  }
0x1fe: {  	_ = 	snop  }
0x1ff: {  	[tilespmem:s24], [sflag:$0x5] =	stream.linear.gather [spmem:s9], $0x4000, $0x38;
	[tilespmem:$0x1C800] =	vst v63  }
0x200: {  	_ =	swait.ge [sflag:s15], $0x4000  }
0x201: {  	[sflag:s15] =	ssyncset.done $0x0  }
0x202: {  	s18 =	rddreg [dreg:$0x19];
	[sflag:s15] =	ssyncadd.s32 $0xFFFFC000  }
0x203: {  	[tilespmem:s6], [sflag:$0xA] =	stream.indirect.gather.add.f32 [hbm:s3], $0x80, s18, s8, $0xb8;
	[tilespmem:$0x1C800] =	vst v63  }
0x204: {  	_ =	swait.ge [sflag:s14], $0x4000  }
0x205: {  	s1 =	sld [smem:$0x7F7]  }
0x206: {  	[sflag:s14] =	ssyncset.done $0x0  }
0x207: {  	[sflag:s14] =	ssyncadd.s32 $0xFFFFC000  }
0x208: {  	[hbm4b:s1+s2] =	stream.linear.scatter [tilespmem:s7], [sflag:$0xD], $0x4000, $0x38;
	[tilespmem:$0x1C800] =	vst v63  }
0x209: {  	_ = 	snop  }
0x20a: {  	[tilespmem:s22], [sflag:$0x6] =	stream.linear.gather [spmem:s9], $0x4000, $0x38;
	[tilespmem:$0x1C800] =	vst v63  }
0x20b: {  	_ =	swait.ge [sflag:s31], $0x4000  }
0x20c: {  	[sflag:s31] =	ssyncset.done $0x0  }
0x20d: {  	s18 =	rddreg [dreg:$0x1a];
	[sflag:s31] =	ssyncadd.s32 $0xFFFFC000  }
0x20e: {  	[tilespmem:s24], [sflag:$0xB] =	stream.indirect.gather.add.f32 [hbm:s3], $0x80, s18, s8, $0xb8;
	[tilespmem:$0x1C800] =	vst v63  }
0x20f: {  	_ =	swait.ge [sflag:s16], $0x4000  }
0x210: {  	[sflag:s16] =	ssyncset.done $0x0  }
0x211: {  	s1 =	rddreg [dreg:$0x8];
	[sflag:s16] =	ssyncadd.s32 $0xFFFFC000  }
0x212: {  	[hbm4b:s1+s2] =	stream.linear.scatter [tilespmem:s4], [sflag:$0xE], $0x4000, $0x38;
	[tilespmem:$0x1C800] =	vst v63  }
0x213: {  	_ =	swait.ge [sflag:s10], $0x4000  }
0x214: {  	[sflag:s10] =	ssyncset.done $0x0  }
0x215: {  	[sflag:s10] =	ssyncadd.s32 $0xFFFFC000  }
0x216: {  	[tilespmem:s7], [sflag:$0x1] =	stream.linear.gather [spmem:s9], $0x4000, $0x38;
	[tilespmem:$0x1C800] =	vst v63  }
0x217: {  	_ =	swait.ge [sflag:s30], $0x4000  }
0x218: {  	[sflag:s30] =	ssyncset.done $0x0  }
0x219: {  	s18 =	rddreg [dreg:$0x1b];
	[sflag:s30] =	ssyncadd.s32 $0xFFFFC000  }
0x21a: {  	[tilespmem:s22], [sflag:$0xC] =	stream.indirect.gather.add.f32 [hbm:s3], $0x80, s18, s8, $0xb8;
	[tilespmem:$0x1C800] =	vst v63  }
0x21b: {  	_ =	swait.ge [sflag:s19], $0x4000  }
0x21c: {  	[sflag:s19] =	ssyncset.done $0x0  }
0x21d: {  	s1 =	rddreg [dreg:$0x9];
	[sflag:s19] =	ssyncadd.s32 $0xFFFFC000  }
0x21e: {  	[hbm4b:s1+s2] =	stream.linear.scatter [tilespmem:s5], [sflag:$0xF], $0x4000, $0x38;
	[tilespmem:$0x1C800] =	vst v63  }
0x21f: {  	_ =	swait.ge [sflag:s13], $0x4000  }
0x220: {  	[sflag:s13] =	ssyncset.done $0x0  }
0x221: {  	[sflag:s13] =	ssyncadd.s32 $0xFFFFC000  }
0x222: {  	[tilespmem:s4], [sflag:$0x2] =	stream.linear.gather [spmem:s9], $0x4000, $0x38;
	[tilespmem:$0x1C800] =	vst v63  }
0x223: {  	_ =	swait.ge [sflag:s25], $0x4000  }
0x224: {  	[sflag:s25] =	ssyncset.done $0x0  }
0x225: {  	s18 =	rddreg [dreg:$0x1c];
	[sflag:s25] =	ssyncadd.s32 $0xFFFFC000  }
0x226: {  	[tilespmem:s7], [sflag:$0x7] =	stream.indirect.gather.add.f32 [hbm:s3], $0x80, s18, s8, $0xb8;
	[tilespmem:$0x1C800] =	vst v63  }
0x227: {  	_ =	swait.ge [sflag:s20], $0x4000  }
0x228: {  	[sflag:s20] =	ssyncset.done $0x0  }
0x229: {  	s1 =	rddreg [dreg:$0xa];
	[sflag:s20] =	ssyncadd.s32 $0xFFFFC000  }
0x22a: {  	[hbm4b:s1+s2] =	stream.linear.scatter [tilespmem:s6], [sflag:$0x10], $0x4000, $0x38;
	[tilespmem:$0x1C800] =	vst v63  }
0x22b: {  	_ =	swait.ge [sflag:s12], $0x4000  }
0x22c: {  	[sflag:s12] =	ssyncset.done $0x0  }
0x22d: {  	[sflag:s12] =	ssyncadd.s32 $0xFFFFC000  }
0x22e: {  	[tilespmem:s5], [sflag:$0x3] =	stream.linear.gather [spmem:s9], $0x4000, $0x38;
	[tilespmem:$0x1C800] =	vst v63  }
0x22f: {  	_ =	swait.ge [sflag:s23], $0x4000  }
0x230: {  	[sflag:s23] =	ssyncset.done $0x0  }
0x231: {  	s18 =	rddreg [dreg:$0x1d];
	[sflag:s23] =	ssyncadd.s32 $0xFFFFC000  }
0x232: {  	[tilespmem:s4], [sflag:$0x8] =	stream.indirect.gather.add.f32 [hbm:s3], $0x80, s18, s8, $0xb8;
	[tilespmem:$0x1C800] =	vst v63  }
0x233: {  	_ =	swait.ge [sflag:s28], $0x4000  }
0x234: {  	[sflag:s28] =	ssyncset.done $0x0  }
0x235: {  	s1 =	rddreg [dreg:$0xb];
	[sflag:s28] =	ssyncadd.s32 $0xFFFFC000  }
0x236: {  	[hbm4b:s1+s2] =	stream.linear.scatter [tilespmem:s24], [sflag:$0x11], $0x4000, $0x38;
	[tilespmem:$0x1C800] =	vst v63  }
0x237: {  	_ =	swait.ge [sflag:s11], $0x4000  }
0x238: {  	[sflag:s11] =	ssyncset.done $0x0  }
0x239: {  	[sflag:s11] =	ssyncadd.s32 $0xFFFFC000  }
0x23a: {  	[tilespmem:s6], [sflag:$0x4] =	stream.linear.gather [spmem:s9], $0x4000, $0x38;
	[tilespmem:$0x1C800] =	vst v63  }
0x23b: {  	_ =	swait.ge [sflag:s17], $0x4000  }
0x23c: {  	[sflag:s17] =	ssyncset.done $0x0  }
0x23d: {  	[sflag:s17] =	ssyncadd.s32 $0xFFFFC000  }
0x23e: {  	[tilespmem:s5], [sflag:$0x9] =	stream.indirect.gather.add.f32 [hbm:s3], $0x80, s29, s8, $0xb8;
	[tilespmem:$0x1C800] =	vst v63  }
0x23f: {  	_ =	swait.ge [sflag:s26], $0x4000  }
0x240: {  	[sflag:s26] =	ssyncset.done $0x0  }
0x241: {  	s18 =	rddreg [dreg:$0xc];
	[sflag:s26] =	ssyncadd.s32 $0xFFFFC000  }
0x242: {  	[hbm4b:s18+s2] =	stream.linear.scatter [tilespmem:s22], [sflag:$0x12], $0x4000, $0x38;
	[tilespmem:$0x1C800] =	vst v63  }
0x243: {  	_ =	swait.ge [sflag:s21], $0x4000  }
0x244: {  	[sflag:s21] =	ssyncset.done $0x0  }
0x245: {  	[sflag:s21] =	ssyncadd.s32 $0xFFFFC000  }
0x246: {  	[tilespmem:s24], [sflag:$0x5] =	stream.linear.gather [spmem:s9], $0x4000, $0x38;
	[tilespmem:$0x1C800] =	vst v63  }
0x247: {  	_ =	swait.ge [sflag:s15], $0x4000  }
0x248: {  	[sflag:s15] =	ssyncset.done $0x0  }
0x249: {  	s29 =	rddreg [dreg:$0x1e];
	[sflag:s15] =	ssyncadd.s32 $0xFFFFC000  }
0x24a: {  	[tilespmem:s6], [sflag:$0xA] =	stream.indirect.gather.add.f32 [hbm:s3], $0x80, s29, s8, $0xb8;
	[tilespmem:$0x1C800] =	vst v63  }
0x24b: {  	_ =	swait.ge [sflag:s14], $0x4000  }
0x24c: {  	[sflag:s14] =	ssyncset.done $0x0  }
0x24d: {  	s1 =	rddreg [dreg:$0xd];
	[sflag:s14] =	ssyncadd.s32 $0xFFFFC000  }
0x24e: {  	[hbm4b:s1+s2] =	stream.linear.scatter [tilespmem:s7], [sflag:$0xD], $0x4000, $0x38;
	[tilespmem:$0x1C800] =	vst v63  }
0x24f: {  	s1 =	simm.s32 $0x12  }
0x250: {  	_ =	swait.ge [sflag:s1], $0x4000  }
0x251: {  	[sflag:s1] =	ssyncset.done $0x0  }
0x252: {  	[sflag:s1] =	ssyncadd.s32 $0xFFFFC000  }
0x253: {  	[tilespmem:s22], [sflag:$0x6] =	stream.linear.gather [spmem:s9], $0x4000, $0x38;
	[tilespmem:$0x1C800] =	vst v63  }
0x254: {  	_ =	swait.ge [sflag:s31], $0x4000  }
0x255: {  	[sflag:s31] =	ssyncset.done $0x0  }
0x256: {  	s18 =	rddreg [dreg:$0x1f];
	[sflag:s31] =	ssyncadd.s32 $0xFFFFC000  }
0x257: {  	[tilespmem:s24], [sflag:$0xB] =	stream.indirect.gather.add.f32 [hbm:s3], $0x80, s18, s8, $0xb8;
	[tilespmem:$0x1C800] =	vst v63  }
0x258: {  	_ =	swait.ge [sflag:s16], $0x4000  }
0x259: {  	[sflag:s16] =	ssyncset.done $0x0  }
0x25a: {  	s29 =	rddreg [dreg:$0xe];
	[sflag:s16] =	ssyncadd.s32 $0xFFFFC000  }
0x25b: {  	[hbm4b:s29+s2] =	stream.linear.scatter [tilespmem:s4], [sflag:$0xE], $0x4000, $0x38;
	[tilespmem:$0x1C800] =	vst v63  }
0x25c: {  	_ =	swait.ge [sflag:s10], $0x4000  }
0x25d: {  	[sflag:s10] =	ssyncset.done $0x0  }
0x25e: {  	[sflag:s10] =	ssyncadd.s32 $0xFFFFC000  }
0x25f: {  	[tilespmem:s7], [sflag:$0x1] =	stream.linear.gather [spmem:s9], $0x4000, $0x38;
	[tilespmem:$0x1C800] =	vst v63  }
0x260: {  	_ =	swait.ge [sflag:s30], $0x4000  }
0x261: {  	s31 =	sld [smem:$0x7F8]  }
0x262: {  	[sflag:s30] =	ssyncset.done $0x0  }
0x263: {  	[sflag:s30] =	ssyncadd.s32 $0xFFFFC000  }
0x264: {  	[tilespmem:s22], [sflag:$0xC] =	stream.indirect.gather.add.f32 [hbm:s3], $0x80, s31, s8, $0xb8;
	[tilespmem:$0x1C800] =	vst v63  }
0x265: {  	_ =	swait.ge [sflag:s19], $0x4000  }
0x266: {  	[sflag:s19] =	ssyncset.done $0x0  }
0x267: {  	s18 =	rddreg [dreg:$0xf];
	[sflag:s19] =	ssyncadd.s32 $0xFFFFC000  }
0x268: {  	[hbm4b:s18+s2] =	stream.linear.scatter [tilespmem:s5], [sflag:$0xF], $0x4000, $0x38;
	[tilespmem:$0x1C800] =	vst v63  }
0x269: {  	_ =	swait.ge [sflag:s13], $0x4000  }
0x26a: {  	[sflag:s13] =	ssyncset.done $0x0  }
0x26b: {  	[sflag:s13] =	ssyncadd.s32 $0xFFFFC000  }
0x26c: {  	[tilespmem:s4], [sflag:$0x2] =	stream.linear.gather [spmem:s9], $0x4000, $0x38;
	[tilespmem:$0x1C800] =	vst v63  }
0x26d: {  	_ =	swait.ge [sflag:s25], $0x4000  }
0x26e: {  	s29 =	sld [smem:$0x7F9]  }
0x26f: {  	[sflag:s25] =	ssyncset.done $0x0  }
0x270: {  	[sflag:s25] =	ssyncadd.s32 $0xFFFFC000  }
0x271: {  	[tilespmem:s7], [sflag:$0x7] =	stream.indirect.gather.add.f32 [hbm:s3], $0x80, s29, s8, $0xb8;
	[tilespmem:$0x1C800] =	vst v63  }
0x272: {  	_ =	swait.ge [sflag:s20], $0x4000  }
0x273: {  	[sflag:s20] =	ssyncset.done $0x0  }
0x274: {  	s30 =	rddreg [dreg:$0x10];
	[sflag:s20] =	ssyncadd.s32 $0xFFFFC000  }
0x275: {  	[hbm4b:s30+s2] =	stream.linear.scatter [tilespmem:s6], [sflag:$0x10], $0x4000, $0x38;
	[tilespmem:$0x1C800] =	vst v63  }
0x276: {  	_ =	swait.ge [sflag:s12], $0x4000  }
0x277: {  	[sflag:s12] =	ssyncset.done $0x0  }
0x278: {  	[sflag:s12] =	ssyncadd.s32 $0xFFFFC000  }
0x279: {  	[tilespmem:s5], [sflag:$0x3] =	stream.linear.gather [spmem:s9], $0x4000, $0x38;
	[tilespmem:$0x1C800] =	vst v63  }
0x27a: {  	_ =	swait.ge [sflag:s23], $0x4000  }
0x27b: {  	s31 =	sld [smem:$0x7FA]  }
0x27c: {  	[sflag:s23] =	ssyncset.done $0x0  }
0x27d: {  	[sflag:s23] =	ssyncadd.s32 $0xFFFFC000  }
0x27e: {  	[tilespmem:s4], [sflag:$0x8] =	stream.indirect.gather.add.f32 [hbm:s3], $0x80, s31, s8, $0xb8;
	[tilespmem:$0x1C800] =	vst v63  }
0x27f: {  	_ =	swait.ge [sflag:s28], $0x4000  }
0x280: {  	[sflag:s28] =	ssyncset.done $0x0  }
0x281: {  	s18 =	rddreg [dreg:$0x11];
	[sflag:s28] =	ssyncadd.s32 $0xFFFFC000  }
0x282: {  	[hbm4b:s18+s2] =	stream.linear.scatter [tilespmem:s24], [sflag:$0x11], $0x4000, $0x38;
	[tilespmem:$0x1C800] =	vst v63  }
0x283: {  	_ =	swait.ge [sflag:s11], $0x4000  }
0x284: {  	[sflag:s11] =	ssyncset.done $0x0  }
0x285: {  	[sflag:s11] =	ssyncadd.s32 $0xFFFFC000  }
0x286: {  	[tilespmem:s6], [sflag:$0x4] =	stream.linear.gather [spmem:s9], $0x4000, $0x38;
	[tilespmem:$0x1C800] =	vst v63  }
0x287: {  	_ =	swait.ge [sflag:s17], $0x4000  }
0x288: {  	s23 =	sld [smem:$0x7FB]  }
0x289: {  	[sflag:s17] =	ssyncset.done $0x0  }
0x28a: {  	[sflag:s17] =	ssyncadd.s32 $0xFFFFC000  }
0x28b: {  	[tilespmem:s5], [sflag:$0x9] =	stream.indirect.gather.add.f32 [hbm:s3], $0x80, s23, s8, $0xb8;
	[tilespmem:$0x1C800] =	vst v63  }
0x28c: {  	_ =	swait.ge [sflag:s26], $0x4000  }
0x28d: {  	[sflag:s26] =	ssyncset.done $0x0  }
0x28e: {  	s24 =	rddreg [dreg:$0x12];
	[sflag:s26] =	ssyncadd.s32 $0xFFFFC000  }
0x28f: {  	[hbm4b:s24+s2] =	stream.linear.scatter [tilespmem:s22], [sflag:$0x12], $0x4000, $0x38;
	[tilespmem:$0x1C800] =	vst v63  }
0x290: {  	_ =	swait.ge [sflag:s15], $0x4000  }
0x291: {  	s25 =	sld [smem:$0x7FC]  }
0x292: {  	[sflag:s15] =	ssyncset.done $0x0  }
0x293: {  	[sflag:s15] =	ssyncadd.s32 $0xFFFFC000  }
0x294: {  	[tilespmem:s6], [sflag:$0xA] =	stream.indirect.gather.add.f32 [hbm:s3], $0x80, s25, s8, $0xb8;
	[tilespmem:$0x1C800] =	vst v63  }
0x295: {  	_ =	swait.ge [sflag:s14], $0x4000  }
0x296: {  	[sflag:s14] =	ssyncset.done $0x0  }
0x297: {  	s26 =	rddreg [dreg:$0x13];
	[sflag:s14] =	ssyncadd.s32 $0xFFFFC000  }
0x298: {  	[hbm4b:s26+s2] =	stream.linear.scatter [tilespmem:s7], [sflag:$0xD], $0x4000, $0x38;
	[tilespmem:$0x1C800] =	vst v63  }
0x299: {  	_ =	swait.ge [sflag:s16], $0x4000  }
0x29a: {  	[sflag:s16] =	ssyncset.done $0x0  }
0x29b: {  	s28 =	rddreg [dreg:$0x14];
	[sflag:s16] =	ssyncadd.s32 $0xFFFFC000  }
0x29c: {  	[hbm4b:s28+s2] =	stream.linear.scatter [tilespmem:s4], [sflag:$0xE], $0x4000, $0x38;
	[tilespmem:$0x1C800] =	vst v63  }
0x29d: {  	_ =	swait.ge [sflag:s19], $0x4000  }
0x29e: {  	[sflag:s19] =	ssyncset.done $0x0  }
0x29f: {  	s29 =	rddreg [dreg:$0x15];
	[sflag:s19] =	ssyncadd.s32 $0xFFFFC000  }
0x2a0: {  	[hbm4b:s29+s2] =	stream.linear.scatter [tilespmem:s5], [sflag:$0xF], $0x4000, $0x38;
	[tilespmem:$0x1C800] =	vst v63  }
0x2a1: {  	_ =	swait.ge [sflag:s20], $0x4000  }
0x2a2: {  	[sflag:s20] =	ssyncset.done $0x0  }
0x2a3: {  	s30 =	rddreg [dreg:$0x16];
	[sflag:s20] =	ssyncadd.s32 $0xFFFFC000  }
0x2a4: {  	[hbm4b:s30+s2] =	stream.linear.scatter [tilespmem:s6], [sflag:$0x10], $0x4000, $0x38;
	[tilespmem:$0x1C800] =	vst v63  }
0x2a5: {  	_ =	swait.ge [sflag:s21], $0x4000  }
0x2a6: {  	[sflag:s21] =	ssyncset.done $0x0  }
0x2a7: {  	[sflag:s21] =	ssyncadd.s32 $0xFFFFC000  }
0x2a8: {  	_ =	swait.ge [sflag:s1], $0x4000  }
0x2a9: {  	[sflag:s1] =	ssyncset.done $0x0  }
0x2aa: {  	[sflag:s1] =	ssyncadd.s32 $0xFFFFC000  }
0x2ab: {  	_ =	swait.ge [sflag:s10], $0x4000  }
0x2ac: {  	[sflag:s10] =	ssyncset.done $0x0  }
0x2ad: {  	[sflag:s10] =	ssyncadd.s32 $0xFFFFC000  }
0x2ae: {  	_ =	swait.ge [sflag:s13], $0x4000  }
0x2af: {  	[sflag:s13] =	ssyncset.done $0x0  }
0x2b0: {  	[sflag:s13] =	ssyncadd.s32 $0xFFFFC000  }
0x2b1: {  	_ =	swait.ge [sflag:s12], $0x4000  }
0x2b2: {  	[sflag:s12] =	ssyncset.done $0x0  }
0x2b3: {  	[sflag:s12] =	ssyncadd.s32 $0xFFFFC000  }
0x2b4: {  	_ =	swait.ge [sflag:s11], $0x4000  }
0x2b5: {  	[sflag:s11] =	ssyncset.done $0x0  }
0x2b6: {  	[sflag:s11] =	ssyncadd.s32 $0xFFFFC000  }
0x2b7: {  	_ =	sfence.sel $0x180000  }
0x2b8: {  	[bflag:$0x0] =	sbarrier.arrive $0xFFFF  }
0x2b9: {  	_ =	strace $0x90000047  }
0x2ba: {  	s31 =	stileid.u32;
	[bflag:$0x2] =	sbarrier.arrive $0xFFFF  }
0x2bb: {  	p0 =	sne.s32 s31, $0x0;
	s0 =	rddreg [dreg:$0x5]  }
0x2bc: {  	s0 =	sadd.s32 @!p0 $0x100000, s0  }
0x2bd: {  	[sflag:s0] =	ssyncadd.tile.s32 @!p0 $0x1;
	_ =	shalt  }
.Lfunc_end2:
_tile_overlayer_lowered:
.L_overlay_start_2:
0x2be: {  	(tag) =	ssettag $0x2  }
0x2bf: {  	s0 =	rddreg [dreg:$0x0];
	s2 =	stileid.u32  }
0x2c0: {  	s1 =	rddreg [dreg:$0x1];
	p0 =	sne.s32 s2, $0x0  }
0x2c1: {  	s3 =	rddreg [dreg:$0x2];
	[bflag:$0x3] =	sbarrier.arrive $0xFFFF;
	s2 =	simm.s32 @!p0 $0x1C13  }
0x2c2: {  	[timem:s3], [sflag:s2] =	dma.local @!p0 [hbm:s0], s1  }
0x2c3: {  	s0 =	simm.s32 @!p0 $0x13  }
0x2c4: {  	_ =	swait.ge @!p0 [sflag:s0], s1  }
0x2c5: {  	s1 =	ssub.s32 @!p0 $0x0, s1;
	[sflag:s0] =	ssyncset.done @!p0 $0x0  }
0x2c6: {  	[sflag:s0] =	ssyncadd.s32 @!p0 s1  }
0x2c7: {  	[bflag:$0x3] =	sbarrier.arrive $0xFFFF  }
0x2c8: {  	_ =	shalt  }

</sc_bundles>
